<compile_context>
chip_gen: v7x
topology: tpu7x:2x2x1
jax: 0.10.2.dev20260603
libtpu: 0.0.44.dev20260713+nightly
codegen_flags: <defaults>
</compile_context>

<pallas_src>
import dataclasses

import jax
import jax.numpy as jnp
from jax import lax
from jax.experimental import pallas as pl
from jax.experimental.pallas import tpu as pltpu
from jax.experimental.pallas import tpu_sc as plsc

_N = 10000
_E = 320000
_D = 128
_H = 2
_C = 64
_ROW_BLOCK = 2000

_NCORES = 2
_NSUB = 16
_NW = _NCORES * _NSUB
_CHUNK = 64
_ET = _E + _N
_EPT = 10368
_CHUNKS_PER_TILE = _EPT // _CHUNK
_E_PAD = _EPT * _NW
_N_ACC = 10240
_STRIPE = _N_ACC // _NSUB


def _prologue_body(x_ref, lnw_ref, lnb_ref, linw_ref, linb_ref, gatw_ref,
                   attsrc_ref, attdst_ref, ident_ref, h_ref, a_ref):
    x = x_ref[...]
    ident_ref[...] = x @ linw_ref[...] + linb_ref[...][None, :]
    mu = jnp.mean(x, axis=-1, keepdims=True)
    var = jnp.mean((x - mu) ** 2, axis=-1, keepdims=True)
    xn = (x - mu) * lax.rsqrt(var + 1e-5) * lnw_ref[...][None, :] + lnb_ref[...][None, :]
    h = xn @ gatw_ref[...]
    h_ref[...] = h
    h3 = h.reshape(-1, _H, _C)
    a_src = jnp.sum(h3 * attsrc_ref[...], axis=-1)
    a_dst = jnp.sum(h3 * attdst_ref[...], axis=-1)
    a_ref[...] = jnp.concatenate([a_src, a_dst], axis=-1)


def _prologue(x, ln_gamma, ln_beta, lin_w, lin_b, gat_w, att_src, att_dst):
    grid = (_N // _ROW_BLOCK,)
    return pl.pallas_call(
        _prologue_body,
        grid=grid,
        in_specs=[
            pl.BlockSpec((_ROW_BLOCK, _D), lambda i: (i, 0)),
            pl.BlockSpec((_D,), lambda i: (0,)),
            pl.BlockSpec((_D,), lambda i: (0,)),
            pl.BlockSpec((_D, _D), lambda i: (0, 0)),
            pl.BlockSpec((_D,), lambda i: (0,)),
            pl.BlockSpec((_D, _D), lambda i: (0, 0)),
            pl.BlockSpec((1, _H, _C), lambda i: (0, 0, 0)),
            pl.BlockSpec((1, _H, _C), lambda i: (0, 0, 0)),
        ],
        out_specs=[
            pl.BlockSpec((_ROW_BLOCK, _D), lambda i: (i, 0)),
            pl.BlockSpec((_ROW_BLOCK, _D), lambda i: (i, 0)),
            pl.BlockSpec((_ROW_BLOCK, 2 * _H), lambda i: (i, 0)),
        ],
        out_shape=[
            jax.ShapeDtypeStruct((_N, _D), jnp.float32),
            jax.ShapeDtypeStruct((_N, _D), jnp.float32),
            jax.ShapeDtypeStruct((_N, 2 * _H), jnp.float32),
        ],
    )(x, ln_gamma, ln_beta, lin_w, lin_b, gat_w, att_src, att_dst)


_GATHER_DNUMS = lax.GatherDimensionNumbers(
    offset_dims=(), collapsed_slice_dims=(0,), start_index_map=(0,))


def _bcast_lane(vec, lane):
    idx = jnp.full((16, 1), lane, dtype=jnp.int32)
    return lax.gather(vec, idx, _GATHER_DNUMS, (1,),
                      mode=lax.GatherScatterMode.PROMISE_IN_BOUNDS)


def _sc_compiler_params():
    cp = pltpu.CompilerParams()
    if "needs_layout_passes" in pltpu.CompilerParams.__dataclass_fields__:
        cp = dataclasses.replace(cp, needs_layout_passes=False)
    return cp


def _wcalc_body(src_hbm, dst_hbm, asrc_hbm, adst_hbm, w_hbm,
                asrc_v, adst_v, sidx_v, didx_v, w0_v, w1_v):
    c = lax.axis_index("c")
    s = lax.axis_index("s")
    wid = c * _NSUB + s

    pltpu.sync_copy(asrc_hbm, asrc_v)
    pltpu.sync_copy(adst_hbm, adst_v)

    @pl.loop(0, _CHUNKS_PER_TILE)
    def _chunk(ci):
        ebase = wid * _EPT + ci * _CHUNK
        pltpu.sync_copy(src_hbm.at[pl.ds(ebase, _CHUNK)], sidx_v)
        pltpu.sync_copy(dst_hbm.at[pl.ds(ebase, _CHUNK)], didx_v)

        @pl.loop(0, _CHUNK, step=16)
        def _grp(i):
            sidx = sidx_v[pl.ds(i, 16)]
            didx = didx_v[pl.ds(i, 16)]
            s2 = sidx + sidx
            d2 = didx + didx
            a0 = plsc.load_gather(asrc_v, [s2])
            a1 = plsc.load_gather(asrc_v, [s2 + 1])
            b0 = plsc.load_gather(adst_v, [d2])
            b1 = plsc.load_gather(adst_v, [d2 + 1])
            e0 = a0 + b0
            e1 = a1 + b1
            e0 = jnp.where(e0 > 0, e0, 0.2 * e0)
            e1 = jnp.where(e1 > 0, e1, 0.2 * e1)
            w0_v[pl.ds(i, 16)] = jnp.exp(e0)
            w1_v[pl.ds(i, 16)] = jnp.exp(e1)

        pltpu.sync_copy(w0_v, w_hbm.at[0, pl.ds(ebase, _CHUNK)])
        pltpu.sync_copy(w1_v, w_hbm.at[1, pl.ds(ebase, _CHUNK)])


def _wcalc_phase(src_full, dst_full, a_src_flat, a_dst_flat):
    mesh = plsc.VectorSubcoreMesh(core_axis_name="c", subcore_axis_name="s")
    run = pl.kernel(
        _wcalc_body,
        out_type=jax.ShapeDtypeStruct((2, _E_PAD), jnp.float32),
        mesh=mesh,
        scratch_types=[
            pltpu.VMEM((2 * _N,), jnp.float32),
            pltpu.VMEM((2 * _N,), jnp.float32),
            pltpu.VMEM((_CHUNK,), jnp.int32),
            pltpu.VMEM((_CHUNK,), jnp.int32),
            pltpu.VMEM((_CHUNK,), jnp.float32),
            pltpu.VMEM((_CHUNK,), jnp.float32),
        ],
        compiler_params=_sc_compiler_params(),
    )
    return run(src_full, dst_full, a_src_flat, a_dst_flat)


def _agg_body(src_hbm, dst_hbm, w_hbm, h_hbm, zh_hbm,
              outh_hbm, outw_hbm,
              sidx_v, w0_v, w1_v, rows_v, didx2_v, acc_h):
    c = lax.axis_index("c")
    s = lax.axis_index("s")
    wid = c * _NSUB + s
    row0 = s * _STRIPE
    iota16 = lax.iota(jnp.int32, 16)
    m0 = jnp.where(iota16 == 0, 1.0, 0.0)
    m1 = jnp.where(iota16 == 1, 1.0, 0.0)
    zeros16 = jnp.zeros((16,), jnp.float32)

    @pl.loop(0, _STRIPE // _CHUNK)
    def _zacc(k):
        r = row0 + k * _CHUNK
        pltpu.sync_copy(zh_hbm.at[pl.ds(r, _CHUNK), :],
                        acc_h.at[pl.ds(r, _CHUNK), :])

    plsc.subcore_barrier()

    @pl.loop(0, _CHUNKS_PER_TILE)
    def _chunk(ci):
        ebase = wid * _EPT + ci * _CHUNK
        pltpu.sync_copy(src_hbm.at[pl.ds(ebase, _CHUNK)], sidx_v)
        pltpu.sync_copy(dst_hbm.at[pl.ds(ebase, _CHUNK)], didx2_v.at[0])
        pltpu.sync_copy(w_hbm.at[0, pl.ds(ebase, _CHUNK)], w0_v)
        pltpu.sync_copy(w_hbm.at[1, pl.ds(ebase, _CHUNK)], w1_v)
        pltpu.sync_copy(h_hbm.at[sidx_v], rows_v)

        @pl.loop(0, _CHUNK, step=16)
        def _grp(i):
            w0 = w0_v[pl.ds(i, 16)]
            w1 = w1_v[pl.ds(i, 16)]
            for j in range(16):
                g0 = _bcast_lane(w0, j)
                g1 = _bcast_lane(w1, j)
                r = i + j
                for v in range(4):
                    rows_v[r, pl.ds(v * 16, 16)] = rows_v[r, pl.ds(v * 16, 16)] * g0
                for v in range(4, 8):
                    rows_v[r, pl.ds(v * 16, 16)] = rows_v[r, pl.ds(v * 16, 16)] * g1

        pltpu.sync_copy(rows_v, acc_h.at[didx2_v.at[0]], add=True)

    plsc.subcore_barrier()

    @pl.loop(0, _STRIPE // _CHUNK)
    def _wout(k):
        r = row0 + k * _CHUNK
        pltpu.sync_copy(acc_h.at[pl.ds(r, _CHUNK), :],
                        outh_hbm.at[c, pl.ds(r, _CHUNK), :])

    plsc.subcore_barrier()

    @pl.loop(0, _STRIPE // _CHUNK)
    def _zacc2(k):
        r = row0 + k * _CHUNK
        pltpu.sync_copy(zh_hbm.at[pl.ds(r, _CHUNK), :],
                        acc_h.at[pl.ds(r, _CHUNK), :])

    plsc.subcore_barrier()

    @pl.loop(0, _CHUNK)
    def _zrow(r):
        @pl.loop(0, _D, step=16)
        def _zcol(col):
            rows_v[r, pl.ds(col, 16)] = zeros16

    @pl.loop(0, _CHUNKS_PER_TILE)
    def _chunkw(ci):
        ebase = wid * _EPT + ci * _CHUNK
        pltpu.sync_copy(dst_hbm.at[pl.ds(ebase, _CHUNK)], didx2_v.at[0])
        pltpu.sync_copy(w_hbm.at[0, pl.ds(ebase, _CHUNK)], w0_v)
        pltpu.sync_copy(w_hbm.at[1, pl.ds(ebase, _CHUNK)], w1_v)

        @pl.loop(0, _CHUNK, step=16)
        def _grpw(i):
            w0 = w0_v[pl.ds(i, 16)]
            w1 = w1_v[pl.ds(i, 16)]
            for j in range(16):
                g0 = _bcast_lane(w0, j)
                g1 = _bcast_lane(w1, j)
                rows_v[i + j, pl.ds(0, 16)] = g0 * m0 + g1 * m1

        pltpu.sync_copy(rows_v, acc_h.at[didx2_v.at[0]], add=True)

    plsc.subcore_barrier()

    @pl.loop(0, _STRIPE // _CHUNK)
    def _woutw(k):
        r = row0 + k * _CHUNK
        pltpu.sync_copy(acc_h.at[pl.ds(r, _CHUNK), :],
                        outw_hbm.at[c, pl.ds(r, _CHUNK), :])


def _agg_phase(src_full, dst_full, w2, h, zh):
    mesh = plsc.VectorSubcoreMesh(core_axis_name="c", subcore_axis_name="s")
    run = pl.kernel(
        _agg_body,
        out_type=[
            jax.ShapeDtypeStruct((_NCORES, _N_ACC, _D), jnp.float32),
            jax.ShapeDtypeStruct((_NCORES, _N_ACC, _D), jnp.float32),
        ],
        mesh=mesh,
        scratch_types=[
            pltpu.VMEM((_CHUNK,), jnp.int32),
            pltpu.VMEM((_CHUNK,), jnp.float32),
            pltpu.VMEM((_CHUNK,), jnp.float32),
            pltpu.VMEM((_CHUNK, _D), jnp.float32),
            pltpu.VMEM((1, _CHUNK), jnp.int32),
            pltpu.VMEM_SHARED((_N_ACC, _D), jnp.float32),
        ],
        compiler_params=_sc_compiler_params(),
    )
    return run(src_full, dst_full, w2, h, zh)


def _epilogue_body(ident_ref, num_ref, den_ref, gatb_ref, out_ref):
    den = den_ref[0, :, 0:_H] + den_ref[1, :, 0:_H] + 1e-16
    num = num_ref[0] + num_ref[1]
    n3 = num.reshape(-1, _H, _C)
    out = (n3 / den[:, :, None]).reshape(-1, _D) + gatb_ref[...][None, :]
    out_ref[...] = jnp.maximum(ident_ref[...] + out, 0.0)


def _epilogue(identity, outh, outw, gat_b):
    grid = (_N // _ROW_BLOCK,)
    return pl.pallas_call(
        _epilogue_body,
        grid=grid,
        in_specs=[
            pl.BlockSpec((_ROW_BLOCK, _D), lambda i: (i, 0)),
            pl.BlockSpec((_NCORES, _ROW_BLOCK, _D), lambda i: (0, i, 0)),
            pl.BlockSpec((_NCORES, _ROW_BLOCK, _D), lambda i: (0, i, 0)),
            pl.BlockSpec((_D,), lambda i: (0,)),
        ],
        out_specs=pl.BlockSpec((_ROW_BLOCK, _D), lambda i: (i, 0)),
        out_shape=jax.ShapeDtypeStruct((_N, _D), jnp.float32),
    )(identity, outh, outw, gat_b)


def kernel(x, edge_index, ln_gamma, ln_beta, lin_w, lin_b, gat_w, att_src,
           att_dst, gat_b):
    identity, h, a = _prologue(x, ln_gamma, ln_beta, lin_w, lin_b, gat_w,
                               att_src, att_dst)
    a_src_flat = a[:, 0:_H].reshape(-1)
    a_dst_flat = a[:, _H:2 * _H].reshape(-1)

    loop = jnp.arange(_N, dtype=jnp.int32)
    pad = _E_PAD - _ET
    src_full = jnp.concatenate(
        [edge_index[0].astype(jnp.int32), loop, jnp.zeros((pad,), jnp.int32)])
    dst_full = jnp.concatenate(
        [edge_index[1].astype(jnp.int32), loop,
         jnp.full((pad,), _N, jnp.int32)])

    w2 = _wcalc_phase(src_full, dst_full, a_src_flat, a_dst_flat)
    zh = jnp.zeros((_N_ACC, _D), jnp.float32)
    outh, outw = _agg_phase(src_full, dst_full, w2, h, zh)
    return _epilogue(identity, outh, outw, gat_b)

# --- scband reference (transcript-rebuilt; emitter-appended) ---
"""Pipeline reference for scband-residual-gatblock-20899310863066 (READ-ONLY COPY).

The authoritative reference and input builder live on the scoring server;
editing this copy changes nothing except your own understanding.
"""

import jax, jax.numpy as jnp
import numpy as np

N = 10000
E = 320000
IN_DIM = 128
OUT_DIM = 128
HEADS = 2
C = OUT_DIM // HEADS


def setup_inputs(seed: int = 0) -> dict:
    key = jax.random.key(seed)
    ks = jax.random.split(key, 10)
    s = 1.0 / np.sqrt(IN_DIM)
    return {
        "x": jax.random.normal(ks[0], (N, IN_DIM), dtype=jnp.float32),
        "edge_index": jax.random.randint(ks[1], (2, E), 0, N, dtype=jnp.int32),
        "ln_gamma": jnp.ones((IN_DIM,), jnp.float32),
        "ln_beta": jnp.zeros((IN_DIM,), jnp.float32),
        "lin_w": jax.random.uniform(ks[2], (IN_DIM, OUT_DIM), jnp.float32, -s, s),
        "lin_b": jax.random.uniform(ks[3], (OUT_DIM,), jnp.float32, -s, s),
        "gat_w": jax.random.uniform(ks[4], (IN_DIM, HEADS * C), jnp.float32, -s, s),
        "att_src": jax.random.uniform(ks[5], (1, HEADS, C), jnp.float32, -s, s),
        "att_dst": jax.random.uniform(ks[6], (1, HEADS, C), jnp.float32, -s, s),
        "gat_b": jnp.zeros((HEADS * C,), jnp.float32),
    }


def _forward(x, edge_index, ln_gamma, ln_beta, lin_w, lin_b, gat_w, att_src, att_dst, gat_b):
    # residual projection
    identity = x @ lin_w + lin_b
    # LayerNorm
    mu = jnp.mean(x, axis=-1, keepdims=True)
    var = jnp.var(x, axis=-1, keepdims=True)
    xn = (x - mu) / jnp.sqrt(var + 1e-5) * ln_gamma + ln_beta
    # GATConv (PyG-style, concat=True, add_self_loops=True, negative_slope=0.2)
    h = (xn @ gat_w).reshape(N, HEADS, C)
    loop = jnp.arange(N, dtype=edge_index.dtype)
    src = jnp.concatenate([edge_index[0], loop])
    dst = jnp.concatenate([edge_index[1], loop])
    a_src = jnp.sum(h * att_src, axis=-1)  # [N, H]
    a_dst = jnp.sum(h * att_dst, axis=-1)  # [N, H]
    e = a_src[src] + a_dst[dst]            # [E+N, H] gather
    e = jnp.where(e > 0, e, 0.2 * e)       # leaky_relu
    m = jax.ops.segment_max(e, dst, num_segments=N)
    m = jnp.where(jnp.isfinite(m), m, 0.0)
    ex = jnp.exp(e - m[dst])
    denom = jax.ops.segment_sum(ex, dst, num_segments=N)
    alpha = ex / (denom[dst] + 1e-16)
    msg = h[src] * alpha[:, :, None]       # [E+N, H, C] gather
    out = jax.ops.segment_sum(msg, dst, num_segments=N)  # scatter-add
    out = out.reshape(N, HEADS * C) + gat_b
    # DropPath is identity in eval mode; residual + ReLU
    return jax.nn.relu(identity + out)


def reference(x, edge_index, ln_gamma, ln_beta, lin_w, lin_b, gat_w, att_src, att_dst, gat_b):
    return _forward(x, edge_index, ln_gamma, ln_beta, lin_w, lin_b, gat_w, att_src, att_dst, gat_b)

if __name__ == "__main__":
    import jax
    _d = setup_inputs()
    print(jax.jit(kernel)(*tuple(_d.values())))

</pallas_src>

<mosaic_0001>
#map = affine_map<(d0, d1) -> (0)>
#map1 = affine_map<(d0, d1) -> (0, 0)>
#map2 = affine_map<(d0, d1) -> (0, 0, 0)>
module attributes {stable_mosaic.version = 14 : i64} {
  func.func @_agg_body(%arg0: i32, %arg1: i32, %arg2: memref<331776xi32, #tpu.memory_space<hbm>>, %arg3: memref<331776xi32, #tpu.memory_space<hbm>>, %arg4: memref<2x331776xf32, #tpu.memory_space<hbm>>, %arg5: memref<10000x128xf32, #tpu.memory_space<hbm>>, %arg6: memref<10240x128xf32, #tpu.memory_space<hbm>>, %arg7: memref<2x10240x128xf32, #tpu.memory_space<hbm>>, %arg8: memref<2x10240x128xf32, #tpu.memory_space<hbm>>, %arg9: memref<64xi32, #tpu.memory_space<vmem>>, %arg10: memref<64xf32, #tpu.memory_space<vmem>>, %arg11: memref<64xf32, #tpu.memory_space<vmem>>, %arg12: memref<64x128xf32, #tpu.memory_space<vmem>>, %arg13: memref<1x64xi32, #tpu.memory_space<vmem>>, %arg14: memref<10240x128xf32, #tpu.memory_space<vmem_shared>>) attributes {dimension_semantics = [#tpu.dimension_semantics<core_parallel>, #tpu.dimension_semantics<subcore_parallel>], iteration_bounds = array<i64: 2, 16>, scalar_prefetch = 0 : i64, scratch_operands = 6 : i64, tpu.core_type = #tpu.core_type<sc_vector_subcore>, window_params = [{transform_indices = #map}, {transform_indices = #map}, {transform_indices = #map1}, {transform_indices = #map1}, {transform_indices = #map1}, {transform_indices = #map2}, {transform_indices = #map2}]} {
    %mul3A = arith.constant 16 : i32
    %mul3A_0 = arith.muli %arg0, %mul3A : i32
    %add3A = arith.addi %mul3A_0, %arg1 : i32
    %mul3A_1 = arith.constant 640 : i32
    %mul3A_2 = arith.muli %arg1, %mul3A_1 : i32
    %iota3A = tpu.iota {dimensions = array<i32: 0>} : vector<16xi32>
    %eq3A = arith.constant 0 : i32
    %eq3A_3 = vector.broadcast %eq3A : i32 to vector<16xi32>
    %eq3A_4 = arith.cmpi eq, %iota3A, %eq3A_3 : vector<16xi32>
    %jit3A = arith.constant 1.000000e+00 : f32
    %jit3A_5 = arith.constant 0.000000e+00 : f32
    %broadcast_in_dim3A = vector.broadcast %jit3A : f32 to vector<16xf32>
    %broadcast_in_dim3A_6 = vector.broadcast %jit3A_5 : f32 to vector<16xf32>
    %select_n3A = arith.select %eq3A_4, %broadcast_in_dim3A, %broadcast_in_dim3A_6 : vector<16xi1>, vector<16xf32>
    %eq3A_7 = arith.constant 1 : i32
    %eq3A_8 = vector.broadcast %eq3A_7 : i32 to vector<16xi32>
    %eq3A_9 = arith.cmpi eq, %iota3A, %eq3A_8 : vector<16xi32>
    %jit3A_10 = arith.constant 1.000000e+00 : f32
    %jit3A_11 = arith.constant 0.000000e+00 : f32
    %broadcast_in_dim3A_12 = vector.broadcast %jit3A_10 : f32 to vector<16xf32>
    %broadcast_in_dim3A_13 = vector.broadcast %jit3A_11 : f32 to vector<16xf32>
    %select_n3A_14 = arith.select %eq3A_9, %broadcast_in_dim3A_12, %broadcast_in_dim3A_13 : vector<16xi1>, vector<16xf32>
    %broadcast_in_dim3A_15 = arith.constant 0.000000e+00 : f32
    %broadcast_in_dim3A_16 = vector.broadcast %broadcast_in_dim3A_15 : f32 to vector<16xf32>
    %scan3A = arith.constant 0 : i32
    %scan3A_17 = arith.constant 10 : i32
    %scan3A_18 = arith.addi %scan3A, %scan3A_17 : i32
    %scan3A_19 = arith.constant 1 : i32
    scf.for %scan3A_55 = %scan3A to %scan3A_18 step %scan3A_19  : i32 {
      %mul3A_56 = arith.constant 1 : i32
      %mul3A_57 = arith.muli %scan3A_55, %mul3A_56 : i32
      %add3A_58 = arith.constant 0 : i32
      %add3A_59 = arith.addi %add3A_58, %mul3A_57 : i32
      %mul3A_60 = arith.constant 64 : i32
      %mul3A_61 = arith.muli %add3A_59, %mul3A_60 : i32
      %add3A_62 = arith.addi %mul3A_2, %mul3A_61 : i32
      "tpu.region"() ({
        %run_scoped3A = tpu.sem_alloc : memref<!tpu.dma_semaphore, #tpu.memory_space<semaphore_mem>>
        %dma_start3A = arith.constant 0 : i32
        %dma_start3A_63 = tpu.memref_slice %arg14[%add3A_62, %dma_start3A] : memref<10240x128xf32, #tpu.memory_space<vmem_shared>> -> memref<64x128xf32, #tpu.memory_space<vmem_shared>>
        %dma_start3A_64 = arith.constant 0 : i32
        %dma_start3A_65 = tpu.memref_slice %arg6[%add3A_62, %dma_start3A_64] : memref<10240x128xf32, #tpu.memory_space<hbm>> -> memref<64x128xf32, #tpu.memory_space<hbm>>
        tpu.enqueue_dma source(%dma_start3A_65 : memref<64x128xf32, #tpu.memory_space<hbm>>) target(%dma_start3A_63 : memref<64x128xf32, #tpu.memory_space<vmem_shared>>) target_semaphore(%run_scoped3A : memref<!tpu.dma_semaphore, #tpu.memory_space<semaphore_mem>>)
        %dma_wait3A = arith.constant 0 : i32
        %dma_wait3A_66 = tpu.memref_slice %arg14[%add3A_62, %dma_wait3A] : memref<10240x128xf32, #tpu.memory_space<vmem_shared>> -> memref<64x128xf32, #tpu.memory_space<vmem_shared>>
        %dma_wait3A_67 = arith.constant 0 : i32
        %dma_wait3A_68 = tpu.memref_slice %arg6[%add3A_62, %dma_wait3A_67] : memref<10240x128xf32, #tpu.memory_space<hbm>> -> memref<64x128xf32, #tpu.memory_space<hbm>>
        tpu.wait_dma2 semaphore(%run_scoped3A : memref<!tpu.dma_semaphore, #tpu.memory_space<semaphore_mem>>) src(%dma_wait3A_68 : memref<64x128xf32, #tpu.memory_space<hbm>>) dst(%dma_wait3A_66 : memref<64x128xf32, #tpu.memory_space<vmem_shared>>)
        tpu.yield
      }) : () -> ()
    }
    %scan3A_20 = arith.constant 10 : i32
    %barrier3A = arith.constant 0 : index
    tpu.barrier barrier_id(%barrier3A)
    %scan3A_21 = arith.constant 0 : i32
    %scan3A_22 = arith.constant 162 : i32
    %scan3A_23 = arith.addi %scan3A_21, %scan3A_22 : i32
    %scan3A_24 = arith.constant 1 : i32
    scf.for %scan3A_55 = %scan3A_21 to %scan3A_23 step %scan3A_24  : i32 {
      %mul3A_56 = arith.constant 1 : i32
      %mul3A_57 = arith.muli %scan3A_55, %mul3A_56 : i32
      %add3A_58 = arith.constant 0 : i32
      %add3A_59 = arith.addi %add3A_58, %mul3A_57 : i32
      %mul3A_60 = arith.constant 10368 : i32
      %mul3A_61 = arith.muli %add3A, %mul3A_60 : i32
      %mul3A_62 = arith.constant 64 : i32
      %mul3A_63 = arith.muli %add3A_59, %mul3A_62 : i32
      %add3A_64 = arith.addi %mul3A_61, %mul3A_63 : i32
      "tpu.region"() ({
        %run_scoped3A_73 = tpu.sem_alloc : memref<!tpu.dma_semaphore, #tpu.memory_space<semaphore_mem>>
        %dma_start3A = tpu.memref_slice %arg2[%add3A_64] : memref<331776xi32, #tpu.memory_space<hbm>> -> memref<64xi32, #tpu.memory_space<hbm>>
        %dma_start3A_74 = tpu.memref_slice %arg2[%add3A_64] : memref<331776xi32, #tpu.memory_space<hbm>> -> memref<64xi32, #tpu.memory_space<hbm>>
        tpu.enqueue_dma source(%dma_start3A_74 : memref<64xi32, #tpu.memory_space<hbm>>) target(%arg9 : memref<64xi32, #tpu.memory_space<vmem>>) target_semaphore(%run_scoped3A_73 : memref<!tpu.dma_semaphore, #tpu.memory_space<semaphore_mem>>)
        %dma_wait3A = tpu.memref_slice %arg2[%add3A_64] : memref<331776xi32, #tpu.memory_space<hbm>> -> memref<64xi32, #tpu.memory_space<hbm>>
        %dma_wait3A_75 = tpu.memref_slice %arg2[%add3A_64] : memref<331776xi32, #tpu.memory_space<hbm>> -> memref<64xi32, #tpu.memory_space<hbm>>
        tpu.wait_dma2 semaphore(%run_scoped3A_73 : memref<!tpu.dma_semaphore, #tpu.memory_space<semaphore_mem>>) src(%dma_wait3A_75 : memref<64xi32, #tpu.memory_space<hbm>>) dst(%arg9 : memref<64xi32, #tpu.memory_space<vmem>>)
        tpu.yield
      }) : () -> ()
      %run_scoped3A = arith.constant 0 : i32
      "tpu.region"() ({
        %run_scoped3A_73 = tpu.sem_alloc : memref<!tpu.dma_semaphore, #tpu.memory_space<semaphore_mem>>
        %dma_start3A = arith.constant 0 : i32
        %dma_start3A_74 = tpu.memref_slice %arg13[%run_scoped3A, %dma_start3A] : memref<1x64xi32, #tpu.memory_space<vmem>> -> memref<1x64xi32, #tpu.memory_space<vmem>>
        %dma_start3A_75 = tpu.memref_squeeze %dma_start3A_74 : memref<1x64xi32, #tpu.memory_space<vmem>> -> memref<64xi32, #tpu.memory_space<vmem>>
        %dma_start3A_76 = tpu.memref_slice %arg3[%add3A_64] : memref<331776xi32, #tpu.memory_space<hbm>> -> memref<64xi32, #tpu.memory_space<hbm>>
        %dma_start3A_77 = arith.constant 0 : i32
        %dma_start3A_78 = tpu.memref_slice %arg13[%run_scoped3A, %dma_start3A_77] : memref<1x64xi32, #tpu.memory_space<vmem>> -> memref<1x64xi32, #tpu.memory_space<vmem>>
        %dma_start3A_79 = tpu.memref_squeeze %dma_start3A_78 : memref<1x64xi32, #tpu.memory_space<vmem>> -> memref<64xi32, #tpu.memory_space<vmem>>
        %dma_start3A_80 = tpu.memref_slice %arg3[%add3A_64] : memref<331776xi32, #tpu.memory_space<hbm>> -> memref<64xi32, #tpu.memory_space<hbm>>
        tpu.enqueue_dma source(%dma_start3A_80 : memref<64xi32, #tpu.memory_space<hbm>>) target(%dma_start3A_79 : memref<64xi32, #tpu.memory_space<vmem>>) target_semaphore(%run_scoped3A_73 : memref<!tpu.dma_semaphore, #tpu.memory_space<semaphore_mem>>)
        %dma_wait3A = arith.constant 0 : i32
        %dma_wait3A_81 = tpu.memref_slice %arg13[%run_scoped3A, %dma_wait3A] : memref<1x64xi32, #tpu.memory_space<vmem>> -> memref<1x64xi32, #tpu.memory_space<vmem>>
        %dma_wait3A_82 = tpu.memref_squeeze %dma_wait3A_81 : memref<1x64xi32, #tpu.memory_space<vmem>> -> memref<64xi32, #tpu.memory_space<vmem>>
        %dma_wait3A_83 = tpu.memref_slice %arg3[%add3A_64] : memref<331776xi32, #tpu.memory_space<hbm>> -> memref<64xi32, #tpu.memory_space<hbm>>
        %dma_wait3A_84 = arith.constant 0 : i32
        %dma_wait3A_85 = tpu.memref_slice %arg13[%run_scoped3A, %dma_wait3A_84] : memref<1x64xi32, #tpu.memory_space<vmem>> -> memref<1x64xi32, #tpu.memory_space<vmem>>
        %dma_wait3A_86 = tpu.memref_squeeze %dma_wait3A_85 : memref<1x64xi32, #tpu.memory_space<vmem>> -> memref<64xi32, #tpu.memory_space<vmem>>
        %dma_wait3A_87 = tpu.memref_slice %arg3[%add3A_64] : memref<331776xi32, #tpu.memory_space<hbm>> -> memref<64xi32, #tpu.memory_space<hbm>>
        tpu.wait_dma2 semaphore(%run_scoped3A_73 : memref<!tpu.dma_semaphore, #tpu.memory_space<semaphore_mem>>) src(%dma_wait3A_87 : memref<64xi32, #tpu.memory_space<hbm>>) dst(%dma_wait3A_86 : memref<64xi32, #tpu.memory_space<vmem>>)
        tpu.yield
      }) : () -> ()
      %run_scoped3A_65 = arith.constant 0 : i32
      "tpu.region"() ({
        %run_scoped3A_73 = tpu.sem_alloc : memref<!tpu.dma_semaphore, #tpu.memory_space<semaphore_mem>>
        %dma_start3A = tpu.memref_slice %arg4[%run_scoped3A_65, %add3A_64] : memref<2x331776xf32, #tpu.memory_space<hbm>> -> memref<1x64xf32, #tpu.memory_space<hbm>>
        %dma_start3A_74 = tpu.memref_squeeze %dma_start3A : memref<1x64xf32, #tpu.memory_space<hbm>> -> memref<64xf32, #tpu.memory_space<hbm>>
        %dma_start3A_75 = tpu.memref_slice %arg4[%run_scoped3A_65, %add3A_64] : memref<2x331776xf32, #tpu.memory_space<hbm>> -> memref<1x64xf32, #tpu.memory_space<hbm>>
        %dma_start3A_76 = tpu.memref_squeeze %dma_start3A_75 : memref<1x64xf32, #tpu.memory_space<hbm>> -> memref<64xf32, #tpu.memory_space<hbm>>
        tpu.enqueue_dma source(%dma_start3A_76 : memref<64xf32, #tpu.memory_space<hbm>>) target(%arg10 : memref<64xf32, #tpu.memory_space<vmem>>) target_semaphore(%run_scoped3A_73 : memref<!tpu.dma_semaphore, #tpu.memory_space<semaphore_mem>>)
        %dma_wait3A = tpu.memref_slice %arg4[%run_scoped3A_65, %add3A_64] : memref<2x331776xf32, #tpu.memory_space<hbm>> -> memref<1x64xf32, #tpu.memory_space<hbm>>
        %dma_wait3A_77 = tpu.memref_squeeze %dma_wait3A : memref<1x64xf32, #tpu.memory_space<hbm>> -> memref<64xf32, #tpu.memory_space<hbm>>
        %dma_wait3A_78 = tpu.memref_slice %arg4[%run_scoped3A_65, %add3A_64] : memref<2x331776xf32, #tpu.memory_space<hbm>> -> memref<1x64xf32, #tpu.memory_space<hbm>>
        %dma_wait3A_79 = tpu.memref_squeeze %dma_wait3A_78 : memref<1x64xf32, #tpu.memory_space<hbm>> -> memref<64xf32, #tpu.memory_space<hbm>>
        tpu.wait_dma2 semaphore(%run_scoped3A_73 : memref<!tpu.dma_semaphore, #tpu.memory_space<semaphore_mem>>) src(%dma_wait3A_79 : memref<64xf32, #tpu.memory_space<hbm>>) dst(%arg10 : memref<64xf32, #tpu.memory_space<vmem>>)
        tpu.yield
      }) : () -> ()
      %run_scoped3A_66 = arith.constant 1 : i32
      "tpu.region"() ({
        %run_scoped3A_73 = tpu.sem_alloc : memref<!tpu.dma_semaphore, #tpu.memory_space<semaphore_mem>>
        %dma_start3A = tpu.memref_slice %arg4[%run_scoped3A_66, %add3A_64] : memref<2x331776xf32, #tpu.memory_space<hbm>> -> memref<1x64xf32, #tpu.memory_space<hbm>>
        %dma_start3A_74 = tpu.memref_squeeze %dma_start3A : memref<1x64xf32, #tpu.memory_space<hbm>> -> memref<64xf32, #tpu.memory_space<hbm>>
        %dma_start3A_75 = tpu.memref_slice %arg4[%run_scoped3A_66, %add3A_64] : memref<2x331776xf32, #tpu.memory_space<hbm>> -> memref<1x64xf32, #tpu.memory_space<hbm>>
        %dma_start3A_76 = tpu.memref_squeeze %dma_start3A_75 : memref<1x64xf32, #tpu.memory_space<hbm>> -> memref<64xf32, #tpu.memory_space<hbm>>
        tpu.enqueue_dma source(%dma_start3A_76 : memref<64xf32, #tpu.memory_space<hbm>>) target(%arg11 : memref<64xf32, #tpu.memory_space<vmem>>) target_semaphore(%run_scoped3A_73 : memref<!tpu.dma_semaphore, #tpu.memory_space<semaphore_mem>>)
        %dma_wait3A = tpu.memref_slice %arg4[%run_scoped3A_66, %add3A_64] : memref<2x331776xf32, #tpu.memory_space<hbm>> -> memref<1x64xf32, #tpu.memory_space<hbm>>
        %dma_wait3A_77 = tpu.memref_squeeze %dma_wait3A : memref<1x64xf32, #tpu.memory_space<hbm>> -> memref<64xf32, #tpu.memory_space<hbm>>
        %dma_wait3A_78 = tpu.memref_slice %arg4[%run_scoped3A_66, %add3A_64] : memref<2x331776xf32, #tpu.memory_space<hbm>> -> memref<1x64xf32, #tpu.memory_space<hbm>>
        %dma_wait3A_79 = tpu.memref_squeeze %dma_wait3A_78 : memref<1x64xf32, #tpu.memory_space<hbm>> -> memref<64xf32, #tpu.memory_space<hbm>>
        tpu.wait_dma2 semaphore(%run_scoped3A_73 : memref<!tpu.dma_semaphore, #tpu.memory_space<semaphore_mem>>) src(%dma_wait3A_79 : memref<64xf32, #tpu.memory_space<hbm>>) dst(%arg11 : memref<64xf32, #tpu.memory_space<vmem>>)
        tpu.yield
      }) : () -> ()
      "tpu.region"() ({
        %run_scoped3A_73 = tpu.sem_alloc : memref<!tpu.dma_semaphore, #tpu.memory_space<semaphore_mem>>
        %dma_start3A = arith.constant 0 : i32
        %dma_start3A_74 = arith.constant 0 : i32
        %dma_start3A_75 = tpu.memref_slice %arg5[%dma_start3A, %dma_start3A_74] : memref<10000x128xf32, #tpu.memory_space<hbm>> -> memref<10000x128xf32, #tpu.memory_space<hbm>>
        tpu.enqueue_indirect_dma source(%dma_start3A_75 : memref<10000x128xf32, #tpu.memory_space<hbm>>) target(%arg12 : memref<64x128xf32, #tpu.memory_space<vmem>>) offsets(%arg9 : memref<64xi32, #tpu.memory_space<vmem>>) semaphore(%run_scoped3A_73 : memref<!tpu.dma_semaphore, #tpu.memory_space<semaphore_mem>>)
        %dma_wait3A = arith.constant 0 : i32
        %dma_wait3A_76 = arith.constant 0 : i32
        %dma_wait3A_77 = tpu.memref_slice %arg5[%dma_wait3A, %dma_wait3A_76] : memref<10000x128xf32, #tpu.memory_space<hbm>> -> memref<10000x128xf32, #tpu.memory_space<hbm>>
        tpu.wait_indirect_dma semaphore(%run_scoped3A_73 : memref<!tpu.dma_semaphore, #tpu.memory_space<semaphore_mem>>) src(%dma_wait3A_77 : memref<10000x128xf32, #tpu.memory_space<hbm>>) dst(%arg12 : memref<64x128xf32, #tpu.memory_space<vmem>>)
        tpu.yield
      }) : () -> ()
      %scan3A_67 = arith.constant 0 : i32
      %scan3A_68 = arith.constant 4 : i32
      %scan3A_69 = arith.addi %scan3A_67, %scan3A_68 : i32
      %scan3A_70 = arith.constant 1 : i32
      scf.for %scan3A_73 = %scan3A_67 to %scan3A_69 step %scan3A_70  : i32 {
        %mul3A_74 = arith.constant 16 : i32
        %mul3A_75 = arith.muli %scan3A_73, %mul3A_74 : i32
        %add3A_76 = arith.constant 0 : i32
        %add3A_77 = arith.addi %add3A_76, %mul3A_75 : i32
        %get3A = arith.index_cast %add3A_77 : i32 to index
        %get3A_78 = tpu.vector_load %arg10[%get3A] {strides = array<i32>} : memref<64xf32, #tpu.memory_space<vmem>>, vector<16xf32>,
        %get3A_79 = arith.index_cast %add3A_77 : i32 to index
        %get3A_80 = tpu.vector_load %arg11[%get3A_79] {strides = array<i32>} : memref<64xf32, #tpu.memory_space<vmem>>, vector<16xf32>,
        %broadcast_in_dim3A_81 = arith.constant 0 : i32
        %broadcast_in_dim3A_82 = vector.broadcast %broadcast_in_dim3A_81 : i32 to vector<16x1xi32>
        %gather3A = vector.shape_cast %broadcast_in_dim3A_82 : vector<16x1xi32> to vector<16xi32>
        %gather3A_83 = tpu.dynamic_gather %get3A_78[%gather3A] in [0] : vector<16xf32>, vector<16xi32> -> vector<16xf32>
        %broadcast_in_dim3A_84 = arith.constant 0 : i32
        %broadcast_in_dim3A_85 = vector.broadcast %broadcast_in_dim3A_84 : i32 to vector<16x1xi32>
        %gather3A_86 = vector.shape_cast %broadcast_in_dim3A_85 : vector<16x1xi32> to vector<16xi32>
        %gather3A_87 = tpu.dynamic_gather %get3A_80[%gather3A_86] in [0] : vector<16xf32>, vector<16xi32> -> vector<16xf32>
        %add3A_88 = arith.constant 0 : i32
        %add3A_89 = arith.addi %add3A_77, %add3A_88 : i32
        %get3A_90 = arith.index_cast %add3A_89 : i32 to index
        %get3A_91 = arith.constant 0 : index
        %get3A_92 = tpu.vector_load %arg12[%get3A_90, %get3A_91] {strides = array<i32>} : memref<64x128xf32, #tpu.memory_space<vmem>>, vector<16xf32>,
        %mul3A_93 = arith.mulf %get3A_92, %gather3A_83 : vector<16xf32>
        %swap3A = arith.index_cast %add3A_89 : i32 to index
        %swap3A_94 = arith.constant 0 : index
        %swap3A_95 = tpu.vector_load %arg12[%swap3A, %swap3A_94] {strides = array<i32>} : memref<64x128xf32, #tpu.memory_space<vmem>>, vector<16xf32>,
        tpu.vector_store %arg12[%swap3A, %swap3A_94], %mul3A_93 {strides = array<i32>} : memref<64x128xf32, #tpu.memory_space<vmem>>, vector<16xf32>,
        %get3A_96 = arith.index_cast %add3A_89 : i32 to index
        %get3A_97 = arith.constant 16 : index
        %get3A_98 = tpu.vector_load %arg12[%get3A_96, %get3A_97] {strides = array<i32>} : memref<64x128xf32, #tpu.memory_space<vmem>>, vector<16xf32>,
        %mul3A_99 = arith.mulf %get3A_98, %gather3A_83 : vector<16xf32>
        %swap3A_100 = arith.index_cast %add3A_89 : i32 to index
        %swap3A_101 = arith.constant 16 : index
        %swap3A_102 = tpu.vector_load %arg12[%swap3A_100, %swap3A_101] {strides = array<i32>} : memref<64x128xf32, #tpu.memory_space<vmem>>, vector<16xf32>,
        tpu.vector_store %arg12[%swap3A_100, %swap3A_101], %mul3A_99 {strides = array<i32>} : memref<64x128xf32, #tpu.memory_space<vmem>>, vector<16xf32>,
        %get3A_103 = arith.index_cast %add3A_89 : i32 to index
        %get3A_104 = arith.constant 32 : index
        %get3A_105 = tpu.vector_load %arg12[%get3A_103, %get3A_104] {strides = array<i32>} : memref<64x128xf32, #tpu.memory_space<vmem>>, vector<16xf32>,
        %mul3A_106 = arith.mulf %get3A_105, %gather3A_83 : vector<16xf32>
        %swap3A_107 = arith.index_cast %add3A_89 : i32 to index
        %swap3A_108 = arith.constant 32 : index
        %swap3A_109 = tpu.vector_load %arg12[%swap3A_107, %swap3A_108] {strides = array<i32>} : memref<64x128xf32, #tpu.memory_space<vmem>>, vector<16xf32>,
        tpu.vector_store %arg12[%swap3A_107, %swap3A_108], %mul3A_106 {strides = array<i32>} : memref<64x128xf32, #tpu.memory_space<vmem>>, vector<16xf32>,
        %get3A_110 = arith.index_cast %add3A_89 : i32 to index
        %get3A_111 = arith.constant 48 : index
        %get3A_112 = tpu.vector_load %arg12[%get3A_110, %get3A_111] {strides = array<i32>} : memref<64x128xf32, #tpu.memory_space<vmem>>, vector<16xf32>,
        %mul3A_113 = arith.mulf %get3A_112, %gather3A_83 : vector<16xf32>
        %swap3A_114 = arith.index_cast %add3A_89 : i32 to index
        %swap3A_115 = arith.constant 48 : index
        %swap3A_116 = tpu.vector_load %arg12[%swap3A_114, %swap3A_115] {strides = array<i32>} : memref<64x128xf32, #tpu.memory_space<vmem>>, vector<16xf32>,
        tpu.vector_store %arg12[%swap3A_114, %swap3A_115], %mul3A_113 {strides = array<i32>} : memref<64x128xf32, #tpu.memory_space<vmem>>, vector<16xf32>,
        %get3A_117 = arith.index_cast %add3A_89 : i32 to index
        %get3A_118 = arith.constant 64 : index
        %get3A_119 = tpu.vector_load %arg12[%get3A_117, %get3A_118] {strides = array<i32>} : memref<64x128xf32, #tpu.memory_space<vmem>>, vector<16xf32>,
        %mul3A_120 = arith.mulf %get3A_119, %gather3A_87 : vector<16xf32>
        %swap3A_121 = arith.index_cast %add3A_89 : i32 to index
        %swap3A_122 = arith.constant 64 : index
        %swap3A_123 = tpu.vector_load %arg12[%swap3A_121, %swap3A_122] {strides = array<i32>} : memref<64x128xf32, #tpu.memory_space<vmem>>, vector<16xf32>,
        tpu.vector_store %arg12[%swap3A_121, %swap3A_122], %mul3A_120 {strides = array<i32>} : memref<64x128xf32, #tpu.memory_space<vmem>>, vector<16xf32>,
        %get3A_124 = arith.index_cast %add3A_89 : i32 to index
        %get3A_125 = arith.constant 80 : index
        %get3A_126 = tpu.vector_load %arg12[%get3A_124, %get3A_125] {strides = array<i32>} : memref<64x128xf32, #tpu.memory_space<vmem>>, vector<16xf32>,
        %mul3A_127 = arith.mulf %get3A_126, %gather3A_87 : vector<16xf32>
        %swap3A_128 = arith.index_cast %add3A_89 : i32 to index
        %swap3A_129 = arith.constant 80 : index
        %swap3A_130 = tpu.vector_load %arg12[%swap3A_128, %swap3A_129] {strides = array<i32>} : memref<64x128xf32, #tpu.memory_space<vmem>>, vector<16xf32>,
        tpu.vector_store %arg12[%swap3A_128, %swap3A_129], %mul3A_127 {strides = array<i32>} : memref<64x128xf32, #tpu.memory_space<vmem>>, vector<16xf32>,
        %get3A_131 = arith.index_cast %add3A_89 : i32 to index
        %get3A_132 = arith.constant 96 : index
        %get3A_133 = tpu.vector_load %arg12[%get3A_131, %get3A_132] {strides = array<i32>} : memref<64x128xf32, #tpu.memory_space<vmem>>, vector<16xf32>,
        %mul3A_134 = arith.mulf %get3A_133, %gather3A_87 : vector<16xf32>
        %swap3A_135 = arith.index_cast %add3A_89 : i32 to index
        %swap3A_136 = arith.constant 96 : index
        %swap3A_137 = tpu.vector_load %arg12[%swap3A_135, %swap3A_136] {strides = array<i32>} : memref<64x128xf32, #tpu.memory_space<vmem>>, vector<16xf32>,
        tpu.vector_store %arg12[%swap3A_135, %swap3A_136], %mul3A_134 {strides = array<i32>} : memref<64x128xf32, #tpu.memory_space<vmem>>, vector<16xf32>,
        %get3A_138 = arith.index_cast %add3A_89 : i32 to index
        %get3A_139 = arith.constant 112 : index
        %get3A_140 = tpu.vector_load %arg12[%get3A_138, %get3A_139] {strides = array<i32>} : memref<64x128xf32, #tpu.memory_space<vmem>>, vector<16xf32>,
        %mul3A_141 = arith.mulf %get3A_140, %gather3A_87 : vector<16xf32>
        %swap3A_142 = arith.index_cast %add3A_89 : i32 to index
        %swap3A_143 = arith.constant 112 : index
        %swap3A_144 = tpu.vector_load %arg12[%swap3A_142, %swap3A_143] {strides = array<i32>} : memref<64x128xf32, #tpu.memory_space<vmem>>, vector<16xf32>,
        tpu.vector_store %arg12[%swap3A_142, %swap3A_143], %mul3A_141 {strides = array<i32>} : memref<64x128xf32, #tpu.memory_space<vmem>>, vector<16xf32>,
        %broadcast_in_dim3A_145 = arith.constant 1 : i32
        %broadcast_in_dim3A_146 = vector.broadcast %broadcast_in_dim3A_145 : i32 to vector<16x1xi32>
        %gather3A_147 = vector.shape_cast %broadcast_in_dim3A_146 : vector<16x1xi32> to vector<16xi32>
        %gather3A_148 = tpu.dynamic_gather %get3A_78[%gather3A_147] in [0] : vector<16xf32>, vector<16xi32> -> vector<16xf32>
        %broadcast_in_dim3A_149 = arith.constant 1 : i32
        %broadcast_in_dim3A_150 = vector.broadcast %broadcast_in_dim3A_149 : i32 to vector<16x1xi32>
        %gather3A_151 = vector.shape_cast %broadcast_in_dim3A_150 : vector<16x1xi32> to vector<16xi32>
        %gather3A_152 = tpu.dynamic_gather %get3A_80[%gather3A_151] in [0] : vector<16xf32>, vector<16xi32> -> vector<16xf32>
        %add3A_153 = arith.constant 1 : i32
        %add3A_154 = arith.addi %add3A_77, %add3A_153 : i32
        %get3A_155 = arith.index_cast %add3A_154 : i32 to index
        %get3A_156 = arith.constant 0 : index
        %get3A_157 = tpu.vector_load %arg12[%get3A_155, %get3A_156] {strides = array<i32>} : memref<64x128xf32, #tpu.memory_space<vmem>>, vector<16xf32>,
        %mul3A_158 = arith.mulf %get3A_157, %gather3A_148 : vector<16xf32>
        %swap3A_159 = arith.index_cast %add3A_154 : i32 to index
        %swap3A_160 = arith.constant 0 : index
        %swap3A_161 = tpu.vector_load %arg12[%swap3A_159, %swap3A_160] {strides = array<i32>} : memref<64x128xf32, #tpu.memory_space<vmem>>, vector<16xf32>,
        tpu.vector_store %arg12[%swap3A_159, %swap3A_160], %mul3A_158 {strides = array<i32>} : memref<64x128xf32, #tpu.memory_space<vmem>>, vector<16xf32>,
        %get3A_162 = arith.index_cast %add3A_154 : i32 to index
        %get3A_163 = arith.constant 16 : index
        %get3A_164 = tpu.vector_load %arg12[%get3A_162, %get3A_163] {strides = array<i32>} : memref<64x128xf32, #tpu.memory_space<vmem>>, vector<16xf32>,
        %mul3A_165 = arith.mulf %get3A_164, %gather3A_148 : vector<16xf32>
        %swap3A_166 = arith.index_cast %add3A_154 : i32 to index
        %swap3A_167 = arith.constant 16 : index
        %swap3A_168 = tpu.vector_load %arg12[%swap3A_166, %swap3A_167] {strides = array<i32>} : memref<64x128xf32, #tpu.memory_space<vmem>>, vector<16xf32>,
        tpu.vector_store %arg12[%swap3A_166, %swap3A_167], %mul3A_165 {strides = array<i32>} : memref<64x128xf32, #tpu.memory_space<vmem>>, vector<16xf32>,
        %get3A_169 = arith.index_cast %add3A_154 : i32 to index
        %get3A_170 = arith.constant 32 : index
        %get3A_171 = tpu.vector_load %arg12[%get3A_169, %get3A_170] {strides = array<i32>} : memref<64x128xf32, #tpu.memory_space<vmem>>, vector<16xf32>,
        %mul3A_172 = arith.mulf %get3A_171, %gather3A_148 : vector<16xf32>
        %swap3A_173 = arith.index_cast %add3A_154 : i32 to index
        %swap3A_174 = arith.constant 32 : index
        %swap3A_175 = tpu.vector_load %arg12[%swap3A_173, %swap3A_174] {strides = array<i32>} : memref<64x128xf32, #tpu.memory_space<vmem>>, vector<16xf32>,
        tpu.vector_store %arg12[%swap3A_173, %swap3A_174], %mul3A_172 {strides = array<i32>} : memref<64x128xf32, #tpu.memory_space<vmem>>, vector<16xf32>,
        %get3A_176 = arith.index_cast %add3A_154 : i32 to index
        %get3A_177 = arith.constant 48 : index
        %get3A_178 = tpu.vector_load %arg12[%get3A_176, %get3A_177] {strides = array<i32>} : memref<64x128xf32, #tpu.memory_space<vmem>>, vector<16xf32>,
        %mul3A_179 = arith.mulf %get3A_178, %gather3A_148 : vector<16xf32>
        %swap3A_180 = arith.index_cast %add3A_154 : i32 to index
        %swap3A_181 = arith.constant 48 : index
        %swap3A_182 = tpu.vector_load %arg12[%swap3A_180, %swap3A_181] {strides = array<i32>} : memref<64x128xf32, #tpu.memory_space<vmem>>, vector<16xf32>,
        tpu.vector_store %arg12[%swap3A_180, %swap3A_181], %mul3A_179 {strides = array<i32>} : memref<64x128xf32, #tpu.memory_space<vmem>>, vector<16xf32>,
        %get3A_183 = arith.index_cast %add3A_154 : i32 to index
        %get3A_184 = arith.constant 64 : index
        %get3A_185 = tpu.vector_load %arg12[%get3A_183, %get3A_184] {strides = array<i32>} : memref<64x128xf32, #tpu.memory_space<vmem>>, vector<16xf32>,
        %mul3A_186 = arith.mulf %get3A_185, %gather3A_152 : vector<16xf32>
        %swap3A_187 = arith.index_cast %add3A_154 : i32 to index
        %swap3A_188 = arith.constant 64 : index
        %swap3A_189 = tpu.vector_load %arg12[%swap3A_187, %swap3A_188] {strides = array<i32>} : memref<64x128xf32, #tpu.memory_space<vmem>>, vector<16xf32>,
        tpu.vector_store %arg12[%swap3A_187, %swap3A_188], %mul3A_186 {strides = array<i32>} : memref<64x128xf32, #tpu.memory_space<vmem>>, vector<16xf32>,
        %get3A_190 = arith.index_cast %add3A_154 : i32 to index
        %get3A_191 = arith.constant 80 : index
        %get3A_192 = tpu.vector_load %arg12[%get3A_190, %get3A_191] {strides = array<i32>} : memref<64x128xf32, #tpu.memory_space<vmem>>, vector<16xf32>,
        %mul3A_193 = arith.mulf %get3A_192, %gather3A_152 : vector<16xf32>
        %swap3A_194 = arith.index_cast %add3A_154 : i32 to index
        %swap3A_195 = arith.constant 80 : index
        %swap3A_196 = tpu.vector_load %arg12[%swap3A_194, %swap3A_195] {strides = array<i32>} : memref<64x128xf32, #tpu.memory_space<vmem>>, vector<16xf32>,
        tpu.vector_store %arg12[%swap3A_194, %swap3A_195], %mul3A_193 {strides = array<i32>} : memref<64x128xf32, #tpu.memory_space<vmem>>, vector<16xf32>,
        %get3A_197 = arith.index_cast %add3A_154 : i32 to index
        %get3A_198 = arith.constant 96 : index
        %get3A_199 = tpu.vector_load %arg12[%get3A_197, %get3A_198] {strides = array<i32>} : memref<64x128xf32, #tpu.memory_space<vmem>>, vector<16xf32>,
        %mul3A_200 = arith.mulf %get3A_199, %gather3A_152 : vector<16xf32>
        %swap3A_201 = arith.index_cast %add3A_154 : i32 to index
        %swap3A_202 = arith.constant 96 : index
        %swap3A_203 = tpu.vector_load %arg12[%swap3A_201, %swap3A_202] {strides = array<i32>} : memref<64x128xf32, #tpu.memory_space<vmem>>, vector<16xf32>,
        tpu.vector_store %arg12[%swap3A_201, %swap3A_202], %mul3A_200 {strides = array<i32>} : memref<64x128xf32, #tpu.memory_space<vmem>>, vector<16xf32>,
        %get3A_204 = arith.index_cast %add3A_154 : i32 to index
        %get3A_205 = arith.constant 112 : index
        %get3A_206 = tpu.vector_load %arg12[%get3A_204, %get3A_205] {strides = array<i32>} : memref<64x128xf32, #tpu.memory_space<vmem>>, vector<16xf32>,
        %mul3A_207 = arith.mulf %get3A_206, %gather3A_152 : vector<16xf32>
        %swap3A_208 = arith.index_cast %add3A_154 : i32 to index
        %swap3A_209 = arith.constant 112 : index
        %swap3A_210 = tpu.vector_load %arg12[%swap3A_208, %swap3A_209] {strides = array<i32>} : memref<64x128xf32, #tpu.memory_space<vmem>>, vector<16xf32>,
        tpu.vector_store %arg12[%swap3A_208, %swap3A_209], %mul3A_207 {strides = array<i32>} : memref<64x128xf32, #tpu.memory_space<vmem>>, vector<16xf32>,
        %broadcast_in_dim3A_211 = arith.constant 2 : i32
        %broadcast_in_dim3A_212 = vector.broadcast %broadcast_in_dim3A_211 : i32 to vector<16x1xi32>
        %gather3A_213 = vector.shape_cast %broadcast_in_dim3A_212 : vector<16x1xi32> to vector<16xi32>
        %gather3A_214 = tpu.dynamic_gather %get3A_78[%gather3A_213] in [0] : vector<16xf32>, vector<16xi32> -> vector<16xf32>
        %broadcast_in_dim3A_215 = arith.constant 2 : i32
        %broadcast_in_dim3A_216 = vector.broadcast %broadcast_in_dim3A_215 : i32 to vector<16x1xi32>
        %gather3A_217 = vector.shape_cast %broadcast_in_dim3A_216 : vector<16x1xi32> to vector<16xi32>
        %gather3A_218 = tpu.dynamic_gather %get3A_80[%gather3A_217] in [0] : vector<16xf32>, vector<16xi32> -> vector<16xf32>
        %add3A_219 = arith.constant 2 : i32
        %add3A_220 = arith.addi %add3A_77, %add3A_219 : i32
        %get3A_221 = arith.index_cast %add3A_220 : i32 to index
        %get3A_222 = arith.constant 0 : index
        %get3A_223 = tpu.vector_load %arg12[%get3A_221, %get3A_222] {strides = array<i32>} : memref<64x128xf32, #tpu.memory_space<vmem>>, vector<16xf32>,
        %mul3A_224 = arith.mulf %get3A_223, %gather3A_214 : vector<16xf32>
        %swap3A_225 = arith.index_cast %add3A_220 : i32 to index
        %swap3A_226 = arith.constant 0 : index
        %swap3A_227 = tpu.vector_load %arg12[%swap3A_225, %swap3A_226] {strides = array<i32>} : memref<64x128xf32, #tpu.memory_space<vmem>>, vector<16xf32>,
        tpu.vector_store %arg12[%swap3A_225, %swap3A_226], %mul3A_224 {strides = array<i32>} : memref<64x128xf32, #tpu.memory_space<vmem>>, vector<16xf32>,
        %get3A_228 = arith.index_cast %add3A_220 : i32 to index
        %get3A_229 = arith.constant 16 : index
        %get3A_230 = tpu.vector_load %arg12[%get3A_228, %get3A_229] {strides = array<i32>} : memref<64x128xf32, #tpu.memory_space<vmem>>, vector<16xf32>,
        %mul3A_231 = arith.mulf %get3A_230, %gather3A_214 : vector<16xf32>
        %swap3A_232 = arith.index_cast %add3A_220 : i32 to index
        %swap3A_233 = arith.constant 16 : index
        %swap3A_234 = tpu.vector_load %arg12[%swap3A_232, %swap3A_233] {strides = array<i32>} : memref<64x128xf32, #tpu.memory_space<vmem>>, vector<16xf32>,
        tpu.vector_store %arg12[%swap3A_232, %swap3A_233], %mul3A_231 {strides = array<i32>} : memref<64x128xf32, #tpu.memory_space<vmem>>, vector<16xf32>,
        %get3A_235 = arith.index_cast %add3A_220 : i32 to index
        %get3A_236 = arith.constant 32 : index
        %get3A_237 = tpu.vector_load %arg12[%get3A_235, %get3A_236] {strides = array<i32>} : memref<64x128xf32, #tpu.memory_space<vmem>>, vector<16xf32>,
        %mul3A_238 = arith.mulf %get3A_237, %gather3A_214 : vector<16xf32>
        %swap3A_239 = arith.index_cast %add3A_220 : i32 to index
        %swap3A_240 = arith.constant 32 : index
        %swap3A_241 = tpu.vector_load %arg12[%swap3A_239, %swap3A_240] {strides = array<i32>} : memref<64x128xf32, #tpu.memory_space<vmem>>, vector<16xf32>,
        tpu.vector_store %arg12[%swap3A_239, %swap3A_240], %mul3A_238 {strides = array<i32>} : memref<64x128xf32, #tpu.memory_space<vmem>>, vector<16xf32>,
        %get3A_242 = arith.index_cast %add3A_220 : i32 to index
        %get3A_243 = arith.constant 48 : index
        %get3A_244 = tpu.vector_load %arg12[%get3A_242, %get3A_243] {strides = array<i32>} : memref<64x128xf32, #tpu.memory_space<vmem>>, vector<16xf32>,
        %mul3A_245 = arith.mulf %get3A_244, %gather3A_214 : vector<16xf32>
        %swap3A_246 = arith.index_cast %add3A_220 : i32 to index
        %swap3A_247 = arith.constant 48 : index
        %swap3A_248 = tpu.vector_load %arg12[%swap3A_246, %swap3A_247] {strides = array<i32>} : memref<64x128xf32, #tpu.memory_space<vmem>>, vector<16xf32>,
        tpu.vector_store %arg12[%swap3A_246, %swap3A_247], %mul3A_245 {strides = array<i32>} : memref<64x128xf32, #tpu.memory_space<vmem>>, vector<16xf32>,
        %get3A_249 = arith.index_cast %add3A_220 : i32 to index
        %get3A_250 = arith.constant 64 : index
        %get3A_251 = tpu.vector_load %arg12[%get3A_249, %get3A_250] {strides = array<i32>} : memref<64x128xf32, #tpu.memory_space<vmem>>, vector<16xf32>,
        %mul3A_252 = arith.mulf %get3A_251, %gather3A_218 : vector<16xf32>
        %swap3A_253 = arith.index_cast %add3A_220 : i32 to index
        %swap3A_254 = arith.constant 64 : index
        %swap3A_255 = tpu.vector_load %arg12[%swap3A_253, %swap3A_254] {strides = array<i32>} : memref<64x128xf32, #tpu.memory_space<vmem>>, vector<16xf32>,
        tpu.vector_store %arg12[%swap3A_253, %swap3A_254], %mul3A_252 {strides = array<i32>} : memref<64x128xf32, #tpu.memory_space<vmem>>, vector<16xf32>,
        %get3A_256 = arith.index_cast %add3A_220 : i32 to index
        %get3A_257 = arith.constant 80 : index
        %get3A_258 = tpu.vector_load %arg12[%get3A_256, %get3A_257] {strides = array<i32>} : memref<64x128xf32, #tpu.memory_space<vmem>>, vector<16xf32>,
        %mul3A_259 = arith.mulf %get3A_258, %gather3A_218 : vector<16xf32>
        %swap3A_260 = arith.index_cast %add3A_220 : i32 to index
        %swap3A_261 = arith.constant 80 : index
        %swap3A_262 = tpu.vector_load %arg12[%swap3A_260, %swap3A_261] {strides = array<i32>} : memref<64x128xf32, #tpu.memory_space<vmem>>, vector<16xf32>,
        tpu.vector_store %arg12[%swap3A_260, %swap3A_261], %mul3A_259 {strides = array<i32>} : memref<64x128xf32, #tpu.memory_space<vmem>>, vector<16xf32>,
        %get3A_263 = arith.index_cast %add3A_220 : i32 to index
        %get3A_264 = arith.constant 96 : index
        %get3A_265 = tpu.vector_load %arg12[%get3A_263, %get3A_264] {strides = array<i32>} : memref<64x128xf32, #tpu.memory_space<vmem>>, vector<16xf32>,
        %mul3A_266 = arith.mulf %get3A_265, %gather3A_218 : vector<16xf32>
        %swap3A_267 = arith.index_cast %add3A_220 : i32 to index
        %swap3A_268 = arith.constant 96 : index
        %swap3A_269 = tpu.vector_load %arg12[%swap3A_267, %swap3A_268] {strides = array<i32>} : memref<64x128xf32, #tpu.memory_space<vmem>>, vector<16xf32>,
        tpu.vector_store %arg12[%swap3A_267, %swap3A_268], %mul3A_266 {strides = array<i32>} : memref<64x128xf32, #tpu.memory_space<vmem>>, vector<16xf32>,
        %get3A_270 = arith.index_cast %add3A_220 : i32 to index
        %get3A_271 = arith.constant 112 : index
        %get3A_272 = tpu.vector_load %arg12[%get3A_270, %get3A_271] {strides = array<i32>} : memref<64x128xf32, #tpu.memory_space<vmem>>, vector<16xf32>,
        %mul3A_273 = arith.mulf %get3A_272, %gather3A_218 : vector<16xf32>
        %swap3A_274 = arith.index_cast %add3A_220 : i32 to index
        %swap3A_275 = arith.constant 112 : index
        %swap3A_276 = tpu.vector_load %arg12[%swap3A_274, %swap3A_275] {strides = array<i32>} : memref<64x128xf32, #tpu.memory_space<vmem>>, vector<16xf32>,
        tpu.vector_store %arg12[%swap3A_274, %swap3A_275], %mul3A_273 {strides = array<i32>} : memref<64x128xf32, #tpu.memory_space<vmem>>, vector<16xf32>,
        %broadcast_in_dim3A_277 = arith.constant 3 : i32
        %broadcast_in_dim3A_278 = vector.broadcast %broadcast_in_dim3A_277 : i32 to vector<16x1xi32>
        %gather3A_279 = vector.shape_cast %broadcast_in_dim3A_278 : vector<16x1xi32> to vector<16xi32>
        %gather3A_280 = tpu.dynamic_gather %get3A_78[%gather3A_279] in [0] : vector<16xf32>, vector<16xi32> -> vector<16xf32>
        %broadcast_in_dim3A_281 = arith.constant 3 : i32
        %broadcast_in_dim3A_282 = vector.broadcast %broadcast_in_dim3A_281 : i32 to vector<16x1xi32>
        %gather3A_283 = vector.shape_cast %broadcast_in_dim3A_282 : vector<16x1xi32> to vector<16xi32>
        %gather3A_284 = tpu.dynamic_gather %get3A_80[%gather3A_283] in [0] : vector<16xf32>, vector<16xi32> -> vector<16xf32>
        %add3A_285 = arith.constant 3 : i32
        %add3A_286 = arith.addi %add3A_77, %add3A_285 : i32
        %get3A_287 = arith.index_cast %add3A_286 : i32 to index
        %get3A_288 = arith.constant 0 : index
        %get3A_289 = tpu.vector_load %arg12[%get3A_287, %get3A_288] {strides = array<i32>} : memref<64x128xf32, #tpu.memory_space<vmem>>, vector<16xf32>,
        %mul3A_290 = arith.mulf %get3A_289, %gather3A_280 : vector<16xf32>
        %swap3A_291 = arith.index_cast %add3A_286 : i32 to index
        %swap3A_292 = arith.constant 0 : index
        %swap3A_293 = tpu.vector_load %arg12[%swap3A_291, %swap3A_292] {strides = array<i32>} : memref<64x128xf32, #tpu.memory_space<vmem>>, vector<16xf32>,
        tpu.vector_store %arg12[%swap3A_291, %swap3A_292], %mul3A_290 {strides = array<i32>} : memref<64x128xf32, #tpu.memory_space<vmem>>, vector<16xf32>,
        %get3A_294 = arith.index_cast %add3A_286 : i32 to index
        %get3A_295 = arith.constant 16 : index
        %get3A_296 = tpu.vector_load %arg12[%get3A_294, %get3A_295] {strides = array<i32>} : memref<64x128xf32, #tpu.memory_space<vmem>>, vector<16xf32>,
        %mul3A_297 = arith.mulf %get3A_296, %gather3A_280 : vector<16xf32>
        %swap3A_298 = arith.index_cast %add3A_286 : i32 to index
        %swap3A_299 = arith.constant 16 : index
        %swap3A_300 = tpu.vector_load %arg12[%swap3A_298, %swap3A_299] {strides = array<i32>} : memref<64x128xf32, #tpu.memory_space<vmem>>, vector<16xf32>,
        tpu.vector_store %arg12[%swap3A_298, %swap3A_299], %mul3A_297 {strides = array<i32>} : memref<64x128xf32, #tpu.memory_space<vmem>>, vector<16xf32>,
        %get3A_301 = arith.index_cast %add3A_286 : i32 to index
        %get3A_302 = arith.constant 32 : index
        %get3A_303 = tpu.vector_load %arg12[%get3A_301, %get3A_302] {strides = array<i32>} : memref<64x128xf32, #tpu.memory_space<vmem>>, vector<16xf32>,
        %mul3A_304 = arith.mulf %get3A_303, %gather3A_280 : vector<16xf32>
        %swap3A_305 = arith.index_cast %add3A_286 : i32 to index
        %swap3A_306 = arith.constant 32 : index
        %swap3A_307 = tpu.vector_load %arg12[%swap3A_305, %swap3A_306] {strides = array<i32>} : memref<64x128xf32, #tpu.memory_space<vmem>>, vector<16xf32>,
        tpu.vector_store %arg12[%swap3A_305, %swap3A_306], %mul3A_304 {strides = array<i32>} : memref<64x128xf32, #tpu.memory_space<vmem>>, vector<16xf32>,
        %get3A_308 = arith.index_cast %add3A_286 : i32 to index
        %get3A_309 = arith.constant 48 : index
        %get3A_310 = tpu.vector_load %arg12[%get3A_308, %get3A_309] {strides = array<i32>} : memref<64x128xf32, #tpu.memory_space<vmem>>, vector<16xf32>,
        %mul3A_311 = arith.mulf %get3A_310, %gather3A_280 : vector<16xf32>
        %swap3A_312 = arith.index_cast %add3A_286 : i32 to index
        %swap3A_313 = arith.constant 48 : index
        %swap3A_314 = tpu.vector_load %arg12[%swap3A_312, %swap3A_313] {strides = array<i32>} : memref<64x128xf32, #tpu.memory_space<vmem>>, vector<16xf32>,
        tpu.vector_store %arg12[%swap3A_312, %swap3A_313], %mul3A_311 {strides = array<i32>} : memref<64x128xf32, #tpu.memory_space<vmem>>, vector<16xf32>,
        %get3A_315 = arith.index_cast %add3A_286 : i32 to index
        %get3A_316 = arith.constant 64 : index
        %get3A_317 = tpu.vector_load %arg12[%get3A_315, %get3A_316] {strides = array<i32>} : memref<64x128xf32, #tpu.memory_space<vmem>>, vector<16xf32>,
        %mul3A_318 = arith.mulf %get3A_317, %gather3A_284 : vector<16xf32>
        %swap3A_319 = arith.index_cast %add3A_286 : i32 to index
        %swap3A_320 = arith.constant 64 : index
        %swap3A_321 = tpu.vector_load %arg12[%swap3A_319, %swap3A_320] {strides = array<i32>} : memref<64x128xf32, #tpu.memory_space<vmem>>, vector<16xf32>,
        tpu.vector_store %arg12[%swap3A_319, %swap3A_320], %mul3A_318 {strides = array<i32>} : memref<64x128xf32, #tpu.memory_space<vmem>>, vector<16xf32>,
        %get3A_322 = arith.index_cast %add3A_286 : i32 to index
        %get3A_323 = arith.constant 80 : index
        %get3A_324 = tpu.vector_load %arg12[%get3A_322, %get3A_323] {strides = array<i32>} : memref<64x128xf32, #tpu.memory_space<vmem>>, vector<16xf32>,
        %mul3A_325 = arith.mulf %get3A_324, %gather3A_284 : vector<16xf32>
        %swap3A_326 = arith.index_cast %add3A_286 : i32 to index
        %swap3A_327 = arith.constant 80 : index
        %swap3A_328 = tpu.vector_load %arg12[%swap3A_326, %swap3A_327] {strides = array<i32>} : memref<64x128xf32, #tpu.memory_space<vmem>>, vector<16xf32>,
        tpu.vector_store %arg12[%swap3A_326, %swap3A_327], %mul3A_325 {strides = array<i32>} : memref<64x128xf32, #tpu.memory_space<vmem>>, vector<16xf32>,
        %get3A_329 = arith.index_cast %add3A_286 : i32 to index
        %get3A_330 = arith.constant 96 : index
        %get3A_331 = tpu.vector_load %arg12[%get3A_329, %get3A_330] {strides = array<i32>} : memref<64x128xf32, #tpu.memory_space<vmem>>, vector<16xf32>,
        %mul3A_332 = arith.mulf %get3A_331, %gather3A_284 : vector<16xf32>
        %swap3A_333 = arith.index_cast %add3A_286 : i32 to index
        %swap3A_334 = arith.constant 96 : index
        %swap3A_335 = tpu.vector_load %arg12[%swap3A_333, %swap3A_334] {strides = array<i32>} : memref<64x128xf32, #tpu.memory_space<vmem>>, vector<16xf32>,
        tpu.vector_store %arg12[%swap3A_333, %swap3A_334], %mul3A_332 {strides = array<i32>} : memref<64x128xf32, #tpu.memory_space<vmem>>, vector<16xf32>,
        %get3A_336 = arith.index_cast %add3A_286 : i32 to index
        %get3A_337 = arith.constant 112 : index
        %get3A_338 = tpu.vector_load %arg12[%get3A_336, %get3A_337] {strides = array<i32>} : memref<64x128xf32, #tpu.memory_space<vmem>>, vector<16xf32>,
        %mul3A_339 = arith.mulf %get3A_338, %gather3A_284 : vector<16xf32>
        %swap3A_340 = arith.index_cast %add3A_286 : i32 to index
        %swap3A_341 = arith.constant 112 : index
        %swap3A_342 = tpu.vector_load %arg12[%swap3A_340, %swap3A_341] {strides = array<i32>} : memref<64x128xf32, #tpu.memory_space<vmem>>, vector<16xf32>,
        tpu.vector_store %arg12[%swap3A_340, %swap3A_341], %mul3A_339 {strides = array<i32>} : memref<64x128xf32, #tpu.memory_space<vmem>>, vector<16xf32>,
        %broadcast_in_dim3A_343 = arith.constant 4 : i32
        %broadcast_in_dim3A_344 = vector.broadcast %broadcast_in_dim3A_343 : i32 to vector<16x1xi32>
        %gather3A_345 = vector.shape_cast %broadcast_in_dim3A_344 : vector<16x1xi32> to vector<16xi32>
        %gather3A_346 = tpu.dynamic_gather %get3A_78[%gather3A_345] in [0] : vector<16xf32>, vector<16xi32> -> vector<16xf32>
        %broadcast_in_dim3A_347 = arith.constant 4 : i32
        %broadcast_in_dim3A_348 = vector.broadcast %broadcast_in_dim3A_347 : i32 to vector<16x1xi32>
        %gather3A_349 = vector.shape_cast %broadcast_in_dim3A_348 : vector<16x1xi32> to vector<16xi32>
        %gather3A_350 = tpu.dynamic_gather %get3A_80[%gather3A_349] in [0] : vector<16xf32>, vector<16xi32> -> vector<16xf32>
        %add3A_351 = arith.constant 4 : i32
        %add3A_352 = arith.addi %add3A_77, %add3A_351 : i32
        %get3A_353 = arith.index_cast %add3A_352 : i32 to index
        %get3A_354 = arith.constant 0 : index
        %get3A_355 = tpu.vector_load %arg12[%get3A_353, %get3A_354] {strides = array<i32>} : memref<64x128xf32, #tpu.memory_space<vmem>>, vector<16xf32>,
        %mul3A_356 = arith.mulf %get3A_355, %gather3A_346 : vector<16xf32>
        %swap3A_357 = arith.index_cast %add3A_352 : i32 to index
        %swap3A_358 = arith.constant 0 : index
        %swap3A_359 = tpu.vector_load %arg12[%swap3A_357, %swap3A_358] {strides = array<i32>} : memref<64x128xf32, #tpu.memory_space<vmem>>, vector<16xf32>,
        tpu.vector_store %arg12[%swap3A_357, %swap3A_358], %mul3A_356 {strides = array<i32>} : memref<64x128xf32, #tpu.memory_space<vmem>>, vector<16xf32>,
        %get3A_360 = arith.index_cast %add3A_352 : i32 to index
        %get3A_361 = arith.constant 16 : index
        %get3A_362 = tpu.vector_load %arg12[%get3A_360, %get3A_361] {strides = array<i32>} : memref<64x128xf32, #tpu.memory_space<vmem>>, vector<16xf32>,
        %mul3A_363 = arith.mulf %get3A_362, %gather3A_346 : vector<16xf32>
        %swap3A_364 = arith.index_cast %add3A_352 : i32 to index
        %swap3A_365 = arith.constant 16 : index
        %swap3A_366 = tpu.vector_load %arg12[%swap3A_364, %swap3A_365] {strides = array<i32>} : memref<64x128xf32, #tpu.memory_space<vmem>>, vector<16xf32>,
        tpu.vector_store %arg12[%swap3A_364, %swap3A_365], %mul3A_363 {strides = array<i32>} : memref<64x128xf32, #tpu.memory_space<vmem>>, vector<16xf32>,
        %get3A_367 = arith.index_cast %add3A_352 : i32 to index
        %get3A_368 = arith.constant 32 : index
        %get3A_369 = tpu.vector_load %arg12[%get3A_367, %get3A_368] {strides = array<i32>} : memref<64x128xf32, #tpu.memory_space<vmem>>, vector<16xf32>,
        %mul3A_370 = arith.mulf %get3A_369, %gather3A_346 : vector<16xf32>
        %swap3A_371 = arith.index_cast %add3A_352 : i32 to index
        %swap3A_372 = arith.constant 32 : index
        %swap3A_373 = tpu.vector_load %arg12[%swap3A_371, %swap3A_372] {strides = array<i32>} : memref<64x128xf32, #tpu.memory_space<vmem>>, vector<16xf32>,
        tpu.vector_store %arg12[%swap3A_371, %swap3A_372], %mul3A_370 {strides = array<i32>} : memref<64x128xf32, #tpu.memory_space<vmem>>, vector<16xf32>,
        %get3A_374 = arith.index_cast %add3A_352 : i32 to index
        %get3A_375 = arith.constant 48 : index
        %get3A_376 = tpu.vector_load %arg12[%get3A_374, %get3A_375] {strides = array<i32>} : memref<64x128xf32, #tpu.memory_space<vmem>>, vector<16xf32>,
        %mul3A_377 = arith.mulf %get3A_376, %gather3A_346 : vector<16xf32>
        %swap3A_378 = arith.index_cast %add3A_352 : i32 to index
        %swap3A_379 = arith.constant 48 : index
        %swap3A_380 = tpu.vector_load %arg12[%swap3A_378, %swap3A_379] {strides = array<i32>} : memref<64x128xf32, #tpu.memory_space<vmem>>, vector<16xf32>,
        tpu.vector_store %arg12[%swap3A_378, %swap3A_379], %mul3A_377 {strides = array<i32>} : memref<64x128xf32, #tpu.memory_space<vmem>>, vector<16xf32>,
        %get3A_381 = arith.index_cast %add3A_352 : i32 to index
        %get3A_382 = arith.constant 64 : index
        %get3A_383 = tpu.vector_load %arg12[%get3A_381, %get3A_382] {strides = array<i32>} : memref<64x128xf32, #tpu.memory_space<vmem>>, vector<16xf32>,
        %mul3A_384 = arith.mulf %get3A_383, %gather3A_350 : vector<16xf32>
        %swap3A_385 = arith.index_cast %add3A_352 : i32 to index
        %swap3A_386 = arith.constant 64 : index
        %swap3A_387 = tpu.vector_load %arg12[%swap3A_385, %swap3A_386] {strides = array<i32>} : memref<64x128xf32, #tpu.memory_space<vmem>>, vector<16xf32>,
        tpu.vector_store %arg12[%swap3A_385, %swap3A_386], %mul3A_384 {strides = array<i32>} : memref<64x128xf32, #tpu.memory_space<vmem>>, vector<16xf32>,
        %get3A_388 = arith.index_cast %add3A_352 : i32 to index
        %get3A_389 = arith.constant 80 : index
        %get3A_390 = tpu.vector_load %arg12[%get3A_388, %get3A_389] {strides = array<i32>} : memref<64x128xf32, #tpu.memory_space<vmem>>, vector<16xf32>,
        %mul3A_391 = arith.mulf %get3A_390, %gather3A_350 : vector<16xf32>
        %swap3A_392 = arith.index_cast %add3A_352 : i32 to index
        %swap3A_393 = arith.constant 80 : index
        %swap3A_394 = tpu.vector_load %arg12[%swap3A_392, %swap3A_393] {strides = array<i32>} : memref<64x128xf32, #tpu.memory_space<vmem>>, vector<16xf32>,
        tpu.vector_store %arg12[%swap3A_392, %swap3A_393], %mul3A_391 {strides = array<i32>} : memref<64x128xf32, #tpu.memory_space<vmem>>, vector<16xf32>,
        %get3A_395 = arith.index_cast %add3A_352 : i32 to index
        %get3A_396 = arith.constant 96 : index
        %get3A_397 = tpu.vector_load %arg12[%get3A_395, %get3A_396] {strides = array<i32>} : memref<64x128xf32, #tpu.memory_space<vmem>>, vector<16xf32>,
        %mul3A_398 = arith.mulf %get3A_397, %gather3A_350 : vector<16xf32>
        %swap3A_399 = arith.index_cast %add3A_352 : i32 to index
        %swap3A_400 = arith.constant 96 : index
        %swap3A_401 = tpu.vector_load %arg12[%swap3A_399, %swap3A_400] {strides = array<i32>} : memref<64x128xf32, #tpu.memory_space<vmem>>, vector<16xf32>,
        tpu.vector_store %arg12[%swap3A_399, %swap3A_400], %mul3A_398 {strides = array<i32>} : memref<64x128xf32, #tpu.memory_space<vmem>>, vector<16xf32>,
        %get3A_402 = arith.index_cast %add3A_352 : i32 to index
        %get3A_403 = arith.constant 112 : index
        %get3A_404 = tpu.vector_load %arg12[%get3A_402, %get3A_403] {strides = array<i32>} : memref<64x128xf32, #tpu.memory_space<vmem>>, vector<16xf32>,
        %mul3A_405 = arith.mulf %get3A_404, %gather3A_350 : vector<16xf32>
        %swap3A_406 = arith.index_cast %add3A_352 : i32 to index
        %swap3A_407 = arith.constant 112 : index
        %swap3A_408 = tpu.vector_load %arg12[%swap3A_406, %swap3A_407] {strides = array<i32>} : memref<64x128xf32, #tpu.memory_space<vmem>>, vector<16xf32>,
        tpu.vector_store %arg12[%swap3A_406, %swap3A_407], %mul3A_405 {strides = array<i32>} : memref<64x128xf32, #tpu.memory_space<vmem>>, vector<16xf32>,
        %broadcast_in_dim3A_409 = arith.constant 5 : i32
        %broadcast_in_dim3A_410 = vector.broadcast %broadcast_in_dim3A_409 : i32 to vector<16x1xi32>
        %gather3A_411 = vector.shape_cast %broadcast_in_dim3A_410 : vector<16x1xi32> to vector<16xi32>
        %gather3A_412 = tpu.dynamic_gather %get3A_78[%gather3A_411] in [0] : vector<16xf32>, vector<16xi32> -> vector<16xf32>
        %broadcast_in_dim3A_413 = arith.constant 5 : i32
        %broadcast_in_dim3A_414 = vector.broadcast %broadcast_in_dim3A_413 : i32 to vector<16x1xi32>
        %gather3A_415 = vector.shape_cast %broadcast_in_dim3A_414 : vector<16x1xi32> to vector<16xi32>
        %gather3A_416 = tpu.dynamic_gather %get3A_80[%gather3A_415] in [0] : vector<16xf32>, vector<16xi32> -> vector<16xf32>
        %add3A_417 = arith.constant 5 : i32
        %add3A_418 = arith.addi %add3A_77, %add3A_417 : i32
        %get3A_419 = arith.index_cast %add3A_418 : i32 to index
        %get3A_420 = arith.constant 0 : index
        %get3A_421 = tpu.vector_load %arg12[%get3A_419, %get3A_420] {strides = array<i32>} : memref<64x128xf32, #tpu.memory_space<vmem>>, vector<16xf32>,
        %mul3A_422 = arith.mulf %get3A_421, %gather3A_412 : vector<16xf32>
        %swap3A_423 = arith.index_cast %add3A_418 : i32 to index
        %swap3A_424 = arith.constant 0 : index
        %swap3A_425 = tpu.vector_load %arg12[%swap3A_423, %swap3A_424] {strides = array<i32>} : memref<64x128xf32, #tpu.memory_space<vmem>>, vector<16xf32>,
        tpu.vector_store %arg12[%swap3A_423, %swap3A_424], %mul3A_422 {strides = array<i32>} : memref<64x128xf32, #tpu.memory_space<vmem>>, vector<16xf32>,
        %get3A_426 = arith.index_cast %add3A_418 : i32 to index
        %get3A_427 = arith.constant 16 : index
        %get3A_428 = tpu.vector_load %arg12[%get3A_426, %get3A_427] {strides = array<i32>} : memref<64x128xf32, #tpu.memory_space<vmem>>, vector<16xf32>,
        %mul3A_429 = arith.mulf %get3A_428, %gather3A_412 : vector<16xf32>
        %swap3A_430 = arith.index_cast %add3A_418 : i32 to index
        %swap3A_431 = arith.constant 16 : index
        %swap3A_432 = tpu.vector_load %arg12[%swap3A_430, %swap3A_431] {strides = array<i32>} : memref<64x128xf32, #tpu.memory_space<vmem>>, vector<16xf32>,
        tpu.vector_store %arg12[%swap3A_430, %swap3A_431], %mul3A_429 {strides = array<i32>} : memref<64x128xf32, #tpu.memory_space<vmem>>, vector<16xf32>,
        %get3A_433 = arith.index_cast %add3A_418 : i32 to index
        %get3A_434 = arith.constant 32 : index
        %get3A_435 = tpu.vector_load %arg12[%get3A_433, %get3A_434] {strides = array<i32>} : memref<64x128xf32, #tpu.memory_space<vmem>>, vector<16xf32>,
        %mul3A_436 = arith.mulf %get3A_435, %gather3A_412 : vector<16xf32>
        %swap3A_437 = arith.index_cast %add3A_418 : i32 to index
        %swap3A_438 = arith.constant 32 : index
        %swap3A_439 = tpu.vector_load %arg12[%swap3A_437, %swap3A_438] {strides = array<i32>} : memref<64x128xf32, #tpu.memory_space<vmem>>, vector<16xf32>,
        tpu.vector_store %arg12[%swap3A_437, %swap3A_438], %mul3A_436 {strides = array<i32>} : memref<64x128xf32, #tpu.memory_space<vmem>>, vector<16xf32>,
        %get3A_440 = arith.index_cast %add3A_418 : i32 to index
        %get3A_441 = arith.constant 48 : index
        %get3A_442 = tpu.vector_load %arg12[%get3A_440, %get3A_441] {strides = array<i32>} : memref<64x128xf32, #tpu.memory_space<vmem>>, vector<16xf32>,
        %mul3A_443 = arith.mulf %get3A_442, %gather3A_412 : vector<16xf32>
        %swap3A_444 = arith.index_cast %add3A_418 : i32 to index
        %swap3A_445 = arith.constant 48 : index
        %swap3A_446 = tpu.vector_load %arg12[%swap3A_444, %swap3A_445] {strides = array<i32>} : memref<64x128xf32, #tpu.memory_space<vmem>>, vector<16xf32>,
        tpu.vector_store %arg12[%swap3A_444, %swap3A_445], %mul3A_443 {strides = array<i32>} : memref<64x128xf32, #tpu.memory_space<vmem>>, vector<16xf32>,
        %get3A_447 = arith.index_cast %add3A_418 : i32 to index
        %get3A_448 = arith.constant 64 : index
        %get3A_449 = tpu.vector_load %arg12[%get3A_447, %get3A_448] {strides = array<i32>} : memref<64x128xf32, #tpu.memory_space<vmem>>, vector<16xf32>,
        %mul3A_450 = arith.mulf %get3A_449, %gather3A_416 : vector<16xf32>
        %swap3A_451 = arith.index_cast %add3A_418 : i32 to index
        %swap3A_452 = arith.constant 64 : index
        %swap3A_453 = tpu.vector_load %arg12[%swap3A_451, %swap3A_452] {strides = array<i32>} : memref<64x128xf32, #tpu.memory_space<vmem>>, vector<16xf32>,
        tpu.vector_store %arg12[%swap3A_451, %swap3A_452], %mul3A_450 {strides = array<i32>} : memref<64x128xf32, #tpu.memory_space<vmem>>, vector<16xf32>,
        %get3A_454 = arith.index_cast %add3A_418 : i32 to index
        %get3A_455 = arith.constant 80 : index
        %get3A_456 = tpu.vector_load %arg12[%get3A_454, %get3A_455] {strides = array<i32>} : memref<64x128xf32, #tpu.memory_space<vmem>>, vector<16xf32>,
        %mul3A_457 = arith.mulf %get3A_456, %gather3A_416 : vector<16xf32>
        %swap3A_458 = arith.index_cast %add3A_418 : i32 to index
        %swap3A_459 = arith.constant 80 : index
        %swap3A_460 = tpu.vector_load %arg12[%swap3A_458, %swap3A_459] {strides = array<i32>} : memref<64x128xf32, #tpu.memory_space<vmem>>, vector<16xf32>,
        tpu.vector_store %arg12[%swap3A_458, %swap3A_459], %mul3A_457 {strides = array<i32>} : memref<64x128xf32, #tpu.memory_space<vmem>>, vector<16xf32>,
        %get3A_461 = arith.index_cast %add3A_418 : i32 to index
        %get3A_462 = arith.constant 96 : index
        %get3A_463 = tpu.vector_load %arg12[%get3A_461, %get3A_462] {strides = array<i32>} : memref<64x128xf32, #tpu.memory_space<vmem>>, vector<16xf32>,
        %mul3A_464 = arith.mulf %get3A_463, %gather3A_416 : vector<16xf32>
        %swap3A_465 = arith.index_cast %add3A_418 : i32 to index
        %swap3A_466 = arith.constant 96 : index
        %swap3A_467 = tpu.vector_load %arg12[%swap3A_465, %swap3A_466] {strides = array<i32>} : memref<64x128xf32, #tpu.memory_space<vmem>>, vector<16xf32>,
        tpu.vector_store %arg12[%swap3A_465, %swap3A_466], %mul3A_464 {strides = array<i32>} : memref<64x128xf32, #tpu.memory_space<vmem>>, vector<16xf32>,
        %get3A_468 = arith.index_cast %add3A_418 : i32 to index
        %get3A_469 = arith.constant 112 : index
        %get3A_470 = tpu.vector_load %arg12[%get3A_468, %get3A_469] {strides = array<i32>} : memref<64x128xf32, #tpu.memory_space<vmem>>, vector<16xf32>,
        %mul3A_471 = arith.mulf %get3A_470, %gather3A_416 : vector<16xf32>
        %swap3A_472 = arith.index_cast %add3A_418 : i32 to index
        %swap3A_473 = arith.constant 112 : index
        %swap3A_474 = tpu.vector_load %arg12[%swap3A_472, %swap3A_473] {strides = array<i32>} : memref<64x128xf32, #tpu.memory_space<vmem>>, vector<16xf32>,
        tpu.vector_store %arg12[%swap3A_472, %swap3A_473], %mul3A_471 {strides = array<i32>} : memref<64x128xf32, #tpu.memory_space<vmem>>, vector<16xf32>,
        %broadcast_in_dim3A_475 = arith.constant 6 : i32
        %broadcast_in_dim3A_476 = vector.broadcast %broadcast_in_dim3A_475 : i32 to vector<16x1xi32>
        %gather3A_477 = vector.shape_cast %broadcast_in_dim3A_476 : vector<16x1xi32> to vector<16xi32>
        %gather3A_478 = tpu.dynamic_gather %get3A_78[%gather3A_477] in [0] : vector<16xf32>, vector<16xi32> -> vector<16xf32>
        %broadcast_in_dim3A_479 = arith.constant 6 : i32
        %broadcast_in_dim3A_480 = vector.broadcast %broadcast_in_dim3A_479 : i32 to vector<16x1xi32>
        %gather3A_481 = vector.shape_cast %broadcast_in_dim3A_480 : vector<16x1xi32> to vector<16xi32>
        %gather3A_482 = tpu.dynamic_gather %get3A_80[%gather3A_481] in [0] : vector<16xf32>, vector<16xi32> -> vector<16xf32>
        %add3A_483 = arith.constant 6 : i32
        %add3A_484 = arith.addi %add3A_77, %add3A_483 : i32
        %get3A_485 = arith.index_cast %add3A_484 : i32 to index
        %get3A_486 = arith.constant 0 : index
        %get3A_487 = tpu.vector_load %arg12[%get3A_485, %get3A_486] {strides = array<i32>} : memref<64x128xf32, #tpu.memory_space<vmem>>, vector<16xf32>,
        %mul3A_488 = arith.mulf %get3A_487, %gather3A_478 : vector<16xf32>
        %swap3A_489 = arith.index_cast %add3A_484 : i32 to index
        %swap3A_490 = arith.constant 0 : index
        %swap3A_491 = tpu.vector_load %arg12[%swap3A_489, %swap3A_490] {strides = array<i32>} : memref<64x128xf32, #tpu.memory_space<vmem>>, vector<16xf32>,
        tpu.vector_store %arg12[%swap3A_489, %swap3A_490], %mul3A_488 {strides = array<i32>} : memref<64x128xf32, #tpu.memory_space<vmem>>, vector<16xf32>,
        %get3A_492 = arith.index_cast %add3A_484 : i32 to index
        %get3A_493 = arith.constant 16 : index
        %get3A_494 = tpu.vector_load %arg12[%get3A_492, %get3A_493] {strides = array<i32>} : memref<64x128xf32, #tpu.memory_space<vmem>>, vector<16xf32>,
        %mul3A_495 = arith.mulf %get3A_494, %gather3A_478 : vector<16xf32>
        %swap3A_496 = arith.index_cast %add3A_484 : i32 to index
        %swap3A_497 = arith.constant 16 : index
        %swap3A_498 = tpu.vector_load %arg12[%swap3A_496, %swap3A_497] {strides = array<i32>} : memref<64x128xf32, #tpu.memory_space<vmem>>, vector<16xf32>,
        tpu.vector_store %arg12[%swap3A_496, %swap3A_497], %mul3A_495 {strides = array<i32>} : memref<64x128xf32, #tpu.memory_space<vmem>>, vector<16xf32>,
        %get3A_499 = arith.index_cast %add3A_484 : i32 to index
        %get3A_500 = arith.constant 32 : index
        %get3A_501 = tpu.vector_load %arg12[%get3A_499, %get3A_500] {strides = array<i32>} : memref<64x128xf32, #tpu.memory_space<vmem>>, vector<16xf32>,
        %mul3A_502 = arith.mulf %get3A_501, %gather3A_478 : vector<16xf32>
        %swap3A_503 = arith.index_cast %add3A_484 : i32 to index
        %swap3A_504 = arith.constant 32 : index
        %swap3A_505 = tpu.vector_load %arg12[%swap3A_503, %swap3A_504] {strides = array<i32>} : memref<64x128xf32, #tpu.memory_space<vmem>>, vector<16xf32>,
        tpu.vector_store %arg12[%swap3A_503, %swap3A_504], %mul3A_502 {strides = array<i32>} : memref<64x128xf32, #tpu.memory_space<vmem>>, vector<16xf32>,
        %get3A_506 = arith.index_cast %add3A_484 : i32 to index
        %get3A_507 = arith.constant 48 : index
        %get3A_508 = tpu.vector_load %arg12[%get3A_506, %get3A_507] {strides = array<i32>} : memref<64x128xf32, #tpu.memory_space<vmem>>, vector<16xf32>,
        %mul3A_509 = arith.mulf %get3A_508, %gather3A_478 : vector<16xf32>
        %swap3A_510 = arith.index_cast %add3A_484 : i32 to index
        %swap3A_511 = arith.constant 48 : index
        %swap3A_512 = tpu.vector_load %arg12[%swap3A_510, %swap3A_511] {strides = array<i32>} : memref<64x128xf32, #tpu.memory_space<vmem>>, vector<16xf32>,
        tpu.vector_store %arg12[%swap3A_510, %swap3A_511], %mul3A_509 {strides = array<i32>} : memref<64x128xf32, #tpu.memory_space<vmem>>, vector<16xf32>,
        %get3A_513 = arith.index_cast %add3A_484 : i32 to index
        %get3A_514 = arith.constant 64 : index
        %get3A_515 = tpu.vector_load %arg12[%get3A_513, %get3A_514] {strides = array<i32>} : memref<64x128xf32, #tpu.memory_space<vmem>>, vector<16xf32>,
        %mul3A_516 = arith.mulf %get3A_515, %gather3A_482 : vector<16xf32>
        %swap3A_517 = arith.index_cast %add3A_484 : i32 to index
        %swap3A_518 = arith.constant 64 : index
        %swap3A_519 = tpu.vector_load %arg12[%swap3A_517, %swap3A_518] {strides = array<i32>} : memref<64x128xf32, #tpu.memory_space<vmem>>, vector<16xf32>,
        tpu.vector_store %arg12[%swap3A_517, %swap3A_518], %mul3A_516 {strides = array<i32>} : memref<64x128xf32, #tpu.memory_space<vmem>>, vector<16xf32>,
        %get3A_520 = arith.index_cast %add3A_484 : i32 to index
        %get3A_521 = arith.constant 80 : index
        %get3A_522 = tpu.vector_load %arg12[%get3A_520, %get3A_521] {strides = array<i32>} : memref<64x128xf32, #tpu.memory_space<vmem>>, vector<16xf32>,
        %mul3A_523 = arith.mulf %get3A_522, %gather3A_482 : vector<16xf32>
        %swap3A_524 = arith.index_cast %add3A_484 : i32 to index
        %swap3A_525 = arith.constant 80 : index
        %swap3A_526 = tpu.vector_load %arg12[%swap3A_524, %swap3A_525] {strides = array<i32>} : memref<64x128xf32, #tpu.memory_space<vmem>>, vector<16xf32>,
        tpu.vector_store %arg12[%swap3A_524, %swap3A_525], %mul3A_523 {strides = array<i32>} : memref<64x128xf32, #tpu.memory_space<vmem>>, vector<16xf32>,
        %get3A_527 = arith.index_cast %add3A_484 : i32 to index
        %get3A_528 = arith.constant 96 : index
        %get3A_529 = tpu.vector_load %arg12[%get3A_527, %get3A_528] {strides = array<i32>} : memref<64x128xf32, #tpu.memory_space<vmem>>, vector<16xf32>,
        %mul3A_530 = arith.mulf %get3A_529, %gather3A_482 : vector<16xf32>
        %swap3A_531 = arith.index_cast %add3A_484 : i32 to index
        %swap3A_532 = arith.constant 96 : index
        %swap3A_533 = tpu.vector_load %arg12[%swap3A_531, %swap3A_532] {strides = array<i32>} : memref<64x128xf32, #tpu.memory_space<vmem>>, vector<16xf32>,
        tpu.vector_store %arg12[%swap3A_531, %swap3A_532], %mul3A_530 {strides = array<i32>} : memref<64x128xf32, #tpu.memory_space<vmem>>, vector<16xf32>,
        %get3A_534 = arith.index_cast %add3A_484 : i32 to index
        %get3A_535 = arith.constant 112 : index
        %get3A_536 = tpu.vector_load %arg12[%get3A_534, %get3A_535] {strides = array<i32>} : memref<64x128xf32, #tpu.memory_space<vmem>>, vector<16xf32>,
        %mul3A_537 = arith.mulf %get3A_536, %gather3A_482 : vector<16xf32>
        %swap3A_538 = arith.index_cast %add3A_484 : i32 to index
        %swap3A_539 = arith.constant 112 : index
        %swap3A_540 = tpu.vector_load %arg12[%swap3A_538, %swap3A_539] {strides = array<i32>} : memref<64x128xf32, #tpu.memory_space<vmem>>, vector<16xf32>,
        tpu.vector_store %arg12[%swap3A_538, %swap3A_539], %mul3A_537 {strides = array<i32>} : memref<64x128xf32, #tpu.memory_space<vmem>>, vector<16xf32>,
        %broadcast_in_dim3A_541 = arith.constant 7 : i32
        %broadcast_in_dim3A_542 = vector.broadcast %broadcast_in_dim3A_541 : i32 to vector<16x1xi32>
        %gather3A_543 = vector.shape_cast %broadcast_in_dim3A_542 : vector<16x1xi32> to vector<16xi32>
        %gather3A_544 = tpu.dynamic_gather %get3A_78[%gather3A_543] in [0] : vector<16xf32>, vector<16xi32> -> vector<16xf32>
        %broadcast_in_dim3A_545 = arith.constant 7 : i32
        %broadcast_in_dim3A_546 = vector.broadcast %broadcast_in_dim3A_545 : i32 to vector<16x1xi32>
        %gather3A_547 = vector.shape_cast %broadcast_in_dim3A_546 : vector<16x1xi32> to vector<16xi32>
        %gather3A_548 = tpu.dynamic_gather %get3A_80[%gather3A_547] in [0] : vector<16xf32>, vector<16xi32> -> vector<16xf32>
        %add3A_549 = arith.constant 7 : i32
        %add3A_550 = arith.addi %add3A_77, %add3A_549 : i32
        %get3A_551 = arith.index_cast %add3A_550 : i32 to index
        %get3A_552 = arith.constant 0 : index
        %get3A_553 = tpu.vector_load %arg12[%get3A_551, %get3A_552] {strides = array<i32>} : memref<64x128xf32, #tpu.memory_space<vmem>>, vector<16xf32>,
        %mul3A_554 = arith.mulf %get3A_553, %gather3A_544 : vector<16xf32>
        %swap3A_555 = arith.index_cast %add3A_550 : i32 to index
        %swap3A_556 = arith.constant 0 : index
        %swap3A_557 = tpu.vector_load %arg12[%swap3A_555, %swap3A_556] {strides = array<i32>} : memref<64x128xf32, #tpu.memory_space<vmem>>, vector<16xf32>,
        tpu.vector_store %arg12[%swap3A_555, %swap3A_556], %mul3A_554 {strides = array<i32>} : memref<64x128xf32, #tpu.memory_space<vmem>>, vector<16xf32>,
        %get3A_558 = arith.index_cast %add3A_550 : i32 to index
        %get3A_559 = arith.constant 16 : index
        %get3A_560 = tpu.vector_load %arg12[%get3A_558, %get3A_559] {strides = array<i32>} : memref<64x128xf32, #tpu.memory_space<vmem>>, vector<16xf32>,
        %mul3A_561 = arith.mulf %get3A_560, %gather3A_544 : vector<16xf32>
        %swap3A_562 = arith.index_cast %add3A_550 : i32 to index
        %swap3A_563 = arith.constant 16 : index
        %swap3A_564 = tpu.vector_load %arg12[%swap3A_562, %swap3A_563] {strides = array<i32>} : memref<64x128xf32, #tpu.memory_space<vmem>>, vector<16xf32>,
        tpu.vector_store %arg12[%swap3A_562, %swap3A_563], %mul3A_561 {strides = array<i32>} : memref<64x128xf32, #tpu.memory_space<vmem>>, vector<16xf32>,
        %get3A_565 = arith.index_cast %add3A_550 : i32 to index
        %get3A_566 = arith.constant 32 : index
        %get3A_567 = tpu.vector_load %arg12[%get3A_565, %get3A_566] {strides = array<i32>} : memref<64x128xf32, #tpu.memory_space<vmem>>, vector<16xf32>,
        %mul3A_568 = arith.mulf %get3A_567, %gather3A_544 : vector<16xf32>
        %swap3A_569 = arith.index_cast %add3A_550 : i32 to index
        %swap3A_570 = arith.constant 32 : index
        %swap3A_571 = tpu.vector_load %arg12[%swap3A_569, %swap3A_570] {strides = array<i32>} : memref<64x128xf32, #tpu.memory_space<vmem>>, vector<16xf32>,
        tpu.vector_store %arg12[%swap3A_569, %swap3A_570], %mul3A_568 {strides = array<i32>} : memref<64x128xf32, #tpu.memory_space<vmem>>, vector<16xf32>,
        %get3A_572 = arith.index_cast %add3A_550 : i32 to index
        %get3A_573 = arith.constant 48 : index
        %get3A_574 = tpu.vector_load %arg12[%get3A_572, %get3A_573] {strides = array<i32>} : memref<64x128xf32, #tpu.memory_space<vmem>>, vector<16xf32>,
        %mul3A_575 = arith.mulf %get3A_574, %gather3A_544 : vector<16xf32>
        %swap3A_576 = arith.index_cast %add3A_550 : i32 to index
        %swap3A_577 = arith.constant 48 : index
        %swap3A_578 = tpu.vector_load %arg12[%swap3A_576, %swap3A_577] {strides = array<i32>} : memref<64x128xf32, #tpu.memory_space<vmem>>, vector<16xf32>,
        tpu.vector_store %arg12[%swap3A_576, %swap3A_577], %mul3A_575 {strides = array<i32>} : memref<64x128xf32, #tpu.memory_space<vmem>>, vector<16xf32>,
        %get3A_579 = arith.index_cast %add3A_550 : i32 to index
        %get3A_580 = arith.constant 64 : index
        %get3A_581 = tpu.vector_load %arg12[%get3A_579, %get3A_580] {strides = array<i32>} : memref<64x128xf32, #tpu.memory_space<vmem>>, vector<16xf32>,
        %mul3A_582 = arith.mulf %get3A_581, %gather3A_548 : vector<16xf32>
        %swap3A_583 = arith.index_cast %add3A_550 : i32 to index
        %swap3A_584 = arith.constant 64 : index
        %swap3A_585 = tpu.vector_load %arg12[%swap3A_583, %swap3A_584] {strides = array<i32>} : memref<64x128xf32, #tpu.memory_space<vmem>>, vector<16xf32>,
        tpu.vector_store %arg12[%swap3A_583, %swap3A_584], %mul3A_582 {strides = array<i32>} : memref<64x128xf32, #tpu.memory_space<vmem>>, vector<16xf32>,
        %get3A_586 = arith.index_cast %add3A_550 : i32 to index
        %get3A_587 = arith.constant 80 : index
        %get3A_588 = tpu.vector_load %arg12[%get3A_586, %get3A_587] {strides = array<i32>} : memref<64x128xf32, #tpu.memory_space<vmem>>, vector<16xf32>,
        %mul3A_589 = arith.mulf %get3A_588, %gather3A_548 : vector<16xf32>
        %swap3A_590 = arith.index_cast %add3A_550 : i32 to index
        %swap3A_591 = arith.constant 80 : index
        %swap3A_592 = tpu.vector_load %arg12[%swap3A_590, %swap3A_591] {strides = array<i32>} : memref<64x128xf32, #tpu.memory_space<vmem>>, vector<16xf32>,
        tpu.vector_store %arg12[%swap3A_590, %swap3A_591], %mul3A_589 {strides = array<i32>} : memref<64x128xf32, #tpu.memory_space<vmem>>, vector<16xf32>,
        %get3A_593 = arith.index_cast %add3A_550 : i32 to index
        %get3A_594 = arith.constant 96 : index
        %get3A_595 = tpu.vector_load %arg12[%get3A_593, %get3A_594] {strides = array<i32>} : memref<64x128xf32, #tpu.memory_space<vmem>>, vector<16xf32>,
        %mul3A_596 = arith.mulf %get3A_595, %gather3A_548 : vector<16xf32>
        %swap3A_597 = arith.index_cast %add3A_550 : i32 to index
        %swap3A_598 = arith.constant 96 : index
        %swap3A_599 = tpu.vector_load %arg12[%swap3A_597, %swap3A_598] {strides = array<i32>} : memref<64x128xf32, #tpu.memory_space<vmem>>, vector<16xf32>,
        tpu.vector_store %arg12[%swap3A_597, %swap3A_598], %mul3A_596 {strides = array<i32>} : memref<64x128xf32, #tpu.memory_space<vmem>>, vector<16xf32>,
        %get3A_600 = arith.index_cast %add3A_550 : i32 to index
        %get3A_601 = arith.constant 112 : index
        %get3A_602 = tpu.vector_load %arg12[%get3A_600, %get3A_601] {strides = array<i32>} : memref<64x128xf32, #tpu.memory_space<vmem>>, vector<16xf32>,
        %mul3A_603 = arith.mulf %get3A_602, %gather3A_548 : vector<16xf32>
        %swap3A_604 = arith.index_cast %add3A_550 : i32 to index
        %swap3A_605 = arith.constant 112 : index
        %swap3A_606 = tpu.vector_load %arg12[%swap3A_604, %swap3A_605] {strides = array<i32>} : memref<64x128xf32, #tpu.memory_space<vmem>>, vector<16xf32>,
        tpu.vector_store %arg12[%swap3A_604, %swap3A_605], %mul3A_603 {strides = array<i32>} : memref<64x128xf32, #tpu.memory_space<vmem>>, vector<16xf32>,
        %broadcast_in_dim3A_607 = arith.constant 8 : i32
        %broadcast_in_dim3A_608 = vector.broadcast %broadcast_in_dim3A_607 : i32 to vector<16x1xi32>
        %gather3A_609 = vector.shape_cast %broadcast_in_dim3A_608 : vector<16x1xi32> to vector<16xi32>
        %gather3A_610 = tpu.dynamic_gather %get3A_78[%gather3A_609] in [0] : vector<16xf32>, vector<16xi32> -> vector<16xf32>
        %broadcast_in_dim3A_611 = arith.constant 8 : i32
        %broadcast_in_dim3A_612 = vector.broadcast %broadcast_in_dim3A_611 : i32 to vector<16x1xi32>
        %gather3A_613 = vector.shape_cast %broadcast_in_dim3A_612 : vector<16x1xi32> to vector<16xi32>
        %gather3A_614 = tpu.dynamic_gather %get3A_80[%gather3A_613] in [0] : vector<16xf32>, vector<16xi32> -> vector<16xf32>
        %add3A_615 = arith.constant 8 : i32
        %add3A_616 = arith.addi %add3A_77, %add3A_615 : i32
        %get3A_617 = arith.index_cast %add3A_616 : i32 to index
        %get3A_618 = arith.constant 0 : index
        %get3A_619 = tpu.vector_load %arg12[%get3A_617, %get3A_618] {strides = array<i32>} : memref<64x128xf32, #tpu.memory_space<vmem>>, vector<16xf32>,
        %mul3A_620 = arith.mulf %get3A_619, %gather3A_610 : vector<16xf32>
        %swap3A_621 = arith.index_cast %add3A_616 : i32 to index
        %swap3A_622 = arith.constant 0 : index
        %swap3A_623 = tpu.vector_load %arg12[%swap3A_621, %swap3A_622] {strides = array<i32>} : memref<64x128xf32, #tpu.memory_space<vmem>>, vector<16xf32>,
        tpu.vector_store %arg12[%swap3A_621, %swap3A_622], %mul3A_620 {strides = array<i32>} : memref<64x128xf32, #tpu.memory_space<vmem>>, vector<16xf32>,
        %get3A_624 = arith.index_cast %add3A_616 : i32 to index
        %get3A_625 = arith.constant 16 : index
        %get3A_626 = tpu.vector_load %arg12[%get3A_624, %get3A_625] {strides = array<i32>} : memref<64x128xf32, #tpu.memory_space<vmem>>, vector<16xf32>,
        %mul3A_627 = arith.mulf %get3A_626, %gather3A_610 : vector<16xf32>
        %swap3A_628 = arith.index_cast %add3A_616 : i32 to index
        %swap3A_629 = arith.constant 16 : index
        %swap3A_630 = tpu.vector_load %arg12[%swap3A_628, %swap3A_629] {strides = array<i32>} : memref<64x128xf32, #tpu.memory_space<vmem>>, vector<16xf32>,
        tpu.vector_store %arg12[%swap3A_628, %swap3A_629], %mul3A_627 {strides = array<i32>} : memref<64x128xf32, #tpu.memory_space<vmem>>, vector<16xf32>,
        %get3A_631 = arith.index_cast %add3A_616 : i32 to index
        %get3A_632 = arith.constant 32 : index
        %get3A_633 = tpu.vector_load %arg12[%get3A_631, %get3A_632] {strides = array<i32>} : memref<64x128xf32, #tpu.memory_space<vmem>>, vector<16xf32>,
        %mul3A_634 = arith.mulf %get3A_633, %gather3A_610 : vector<16xf32>
        %swap3A_635 = arith.index_cast %add3A_616 : i32 to index
        %swap3A_636 = arith.constant 32 : index
        %swap3A_637 = tpu.vector_load %arg12[%swap3A_635, %swap3A_636] {strides = array<i32>} : memref<64x128xf32, #tpu.memory_space<vmem>>, vector<16xf32>,
        tpu.vector_store %arg12[%swap3A_635, %swap3A_636], %mul3A_634 {strides = array<i32>} : memref<64x128xf32, #tpu.memory_space<vmem>>, vector<16xf32>,
        %get3A_638 = arith.index_cast %add3A_616 : i32 to index
        %get3A_639 = arith.constant 48 : index
        %get3A_640 = tpu.vector_load %arg12[%get3A_638, %get3A_639] {strides = array<i32>} : memref<64x128xf32, #tpu.memory_space<vmem>>, vector<16xf32>,
        %mul3A_641 = arith.mulf %get3A_640, %gather3A_610 : vector<16xf32>
        %swap3A_642 = arith.index_cast %add3A_616 : i32 to index
        %swap3A_643 = arith.constant 48 : index
        %swap3A_644 = tpu.vector_load %arg12[%swap3A_642, %swap3A_643] {strides = array<i32>} : memref<64x128xf32, #tpu.memory_space<vmem>>, vector<16xf32>,
        tpu.vector_store %arg12[%swap3A_642, %swap3A_643], %mul3A_641 {strides = array<i32>} : memref<64x128xf32, #tpu.memory_space<vmem>>, vector<16xf32>,
        %get3A_645 = arith.index_cast %add3A_616 : i32 to index
        %get3A_646 = arith.constant 64 : index
        %get3A_647 = tpu.vector_load %arg12[%get3A_645, %get3A_646] {strides = array<i32>} : memref<64x128xf32, #tpu.memory_space<vmem>>, vector<16xf32>,
        %mul3A_648 = arith.mulf %get3A_647, %gather3A_614 : vector<16xf32>
        %swap3A_649 = arith.index_cast %add3A_616 : i32 to index
        %swap3A_650 = arith.constant 64 : index
        %swap3A_651 = tpu.vector_load %arg12[%swap3A_649, %swap3A_650] {strides = array<i32>} : memref<64x128xf32, #tpu.memory_space<vmem>>, vector<16xf32>,
        tpu.vector_store %arg12[%swap3A_649, %swap3A_650], %mul3A_648 {strides = array<i32>} : memref<64x128xf32, #tpu.memory_space<vmem>>, vector<16xf32>,
        %get3A_652 = arith.index_cast %add3A_616 : i32 to index
        %get3A_653 = arith.constant 80 : index
        %get3A_654 = tpu.vector_load %arg12[%get3A_652, %get3A_653] {strides = array<i32>} : memref<64x128xf32, #tpu.memory_space<vmem>>, vector<16xf32>,
        %mul3A_655 = arith.mulf %get3A_654, %gather3A_614 : vector<16xf32>
        %swap3A_656 = arith.index_cast %add3A_616 : i32 to index
        %swap3A_657 = arith.constant 80 : index
        %swap3A_658 = tpu.vector_load %arg12[%swap3A_656, %swap3A_657] {strides = array<i32>} : memref<64x128xf32, #tpu.memory_space<vmem>>, vector<16xf32>,
        tpu.vector_store %arg12[%swap3A_656, %swap3A_657], %mul3A_655 {strides = array<i32>} : memref<64x128xf32, #tpu.memory_space<vmem>>, vector<16xf32>,
        %get3A_659 = arith.index_cast %add3A_616 : i32 to index
        %get3A_660 = arith.constant 96 : index
        %get3A_661 = tpu.vector_load %arg12[%get3A_659, %get3A_660] {strides = array<i32>} : memref<64x128xf32, #tpu.memory_space<vmem>>, vector<16xf32>,
        %mul3A_662 = arith.mulf %get3A_661, %gather3A_614 : vector<16xf32>
        %swap3A_663 = arith.index_cast %add3A_616 : i32 to index
        %swap3A_664 = arith.constant 96 : index
        %swap3A_665 = tpu.vector_load %arg12[%swap3A_663, %swap3A_664] {strides = array<i32>} : memref<64x128xf32, #tpu.memory_space<vmem>>, vector<16xf32>,
        tpu.vector_store %arg12[%swap3A_663, %swap3A_664], %mul3A_662 {strides = array<i32>} : memref<64x128xf32, #tpu.memory_space<vmem>>, vector<16xf32>,
        %get3A_666 = arith.index_cast %add3A_616 : i32 to index
        %get3A_667 = arith.constant 112 : index
        %get3A_668 = tpu.vector_load %arg12[%get3A_666, %get3A_667] {strides = array<i32>} : memref<64x128xf32, #tpu.memory_space<vmem>>, vector<16xf32>,
        %mul3A_669 = arith.mulf %get3A_668, %gather3A_614 : vector<16xf32>
        %swap3A_670 = arith.index_cast %add3A_616 : i32 to index
        %swap3A_671 = arith.constant 112 : index
        %swap3A_672 = tpu.vector_load %arg12[%swap3A_670, %swap3A_671] {strides = array<i32>} : memref<64x128xf32, #tpu.memory_space<vmem>>, vector<16xf32>,
        tpu.vector_store %arg12[%swap3A_670, %swap3A_671], %mul3A_669 {strides = array<i32>} : memref<64x128xf32, #tpu.memory_space<vmem>>, vector<16xf32>,
        %broadcast_in_dim3A_673 = arith.constant 9 : i32
        %broadcast_in_dim3A_674 = vector.broadcast %broadcast_in_dim3A_673 : i32 to vector<16x1xi32>
        %gather3A_675 = vector.shape_cast %broadcast_in_dim3A_674 : vector<16x1xi32> to vector<16xi32>
        %gather3A_676 = tpu.dynamic_gather %get3A_78[%gather3A_675] in [0] : vector<16xf32>, vector<16xi32> -> vector<16xf32>
        %broadcast_in_dim3A_677 = arith.constant 9 : i32
        %broadcast_in_dim3A_678 = vector.broadcast %broadcast_in_dim3A_677 : i32 to vector<16x1xi32>
        %gather3A_679 = vector.shape_cast %broadcast_in_dim3A_678 : vector<16x1xi32> to vector<16xi32>
        %gather3A_680 = tpu.dynamic_gather %get3A_80[%gather3A_679] in [0] : vector<16xf32>, vector<16xi32> -> vector<16xf32>
        %add3A_681 = arith.constant 9 : i32
        %add3A_682 = arith.addi %add3A_77, %add3A_681 : i32
        %get3A_683 = arith.index_cast %add3A_682 : i32 to index
        %get3A_684 = arith.constant 0 : index
        %get3A_685 = tpu.vector_load %arg12[%get3A_683, %get3A_684] {strides = array<i32>} : memref<64x128xf32, #tpu.memory_space<vmem>>, vector<16xf32>,
        %mul3A_686 = arith.mulf %get3A_685, %gather3A_676 : vector<16xf32>
        %swap3A_687 = arith.index_cast %add3A_682 : i32 to index
        %swap3A_688 = arith.constant 0 : index
        %swap3A_689 = tpu.vector_load %arg12[%swap3A_687, %swap3A_688] {strides = array<i32>} : memref<64x128xf32, #tpu.memory_space<vmem>>, vector<16xf32>,
        tpu.vector_store %arg12[%swap3A_687, %swap3A_688], %mul3A_686 {strides = array<i32>} : memref<64x128xf32, #tpu.memory_space<vmem>>, vector<16xf32>,
        %get3A_690 = arith.index_cast %add3A_682 : i32 to index
        %get3A_691 = arith.constant 16 : index
        %get3A_692 = tpu.vector_load %arg12[%get3A_690, %get3A_691] {strides = array<i32>} : memref<64x128xf32, #tpu.memory_space<vmem>>, vector<16xf32>,
        %mul3A_693 = arith.mulf %get3A_692, %gather3A_676 : vector<16xf32>
        %swap3A_694 = arith.index_cast %add3A_682 : i32 to index
        %swap3A_695 = arith.constant 16 : index
        %swap3A_696 = tpu.vector_load %arg12[%swap3A_694, %swap3A_695] {strides = array<i32>} : memref<64x128xf32, #tpu.memory_space<vmem>>, vector<16xf32>,
        tpu.vector_store %arg12[%swap3A_694, %swap3A_695], %mul3A_693 {strides = array<i32>} : memref<64x128xf32, #tpu.memory_space<vmem>>, vector<16xf32>,
        %get3A_697 = arith.index_cast %add3A_682 : i32 to index
        %get3A_698 = arith.constant 32 : index
        %get3A_699 = tpu.vector_load %arg12[%get3A_697, %get3A_698] {strides = array<i32>} : memref<64x128xf32, #tpu.memory_space<vmem>>, vector<16xf32>,
        %mul3A_700 = arith.mulf %get3A_699, %gather3A_676 : vector<16xf32>
        %swap3A_701 = arith.index_cast %add3A_682 : i32 to index
        %swap3A_702 = arith.constant 32 : index
        %swap3A_703 = tpu.vector_load %arg12[%swap3A_701, %swap3A_702] {strides = array<i32>} : memref<64x128xf32, #tpu.memory_space<vmem>>, vector<16xf32>,
        tpu.vector_store %arg12[%swap3A_701, %swap3A_702], %mul3A_700 {strides = array<i32>} : memref<64x128xf32, #tpu.memory_space<vmem>>, vector<16xf32>,
        %get3A_704 = arith.index_cast %add3A_682 : i32 to index
        %get3A_705 = arith.constant 48 : index
        %get3A_706 = tpu.vector_load %arg12[%get3A_704, %get3A_705] {strides = array<i32>} : memref<64x128xf32, #tpu.memory_space<vmem>>, vector<16xf32>,
        %mul3A_707 = arith.mulf %get3A_706, %gather3A_676 : vector<16xf32>
        %swap3A_708 = arith.index_cast %add3A_682 : i32 to index
        %swap3A_709 = arith.constant 48 : index
        %swap3A_710 = tpu.vector_load %arg12[%swap3A_708, %swap3A_709] {strides = array<i32>} : memref<64x128xf32, #tpu.memory_space<vmem>>, vector<16xf32>,
        tpu.vector_store %arg12[%swap3A_708, %swap3A_709], %mul3A_707 {strides = array<i32>} : memref<64x128xf32, #tpu.memory_space<vmem>>, vector<16xf32>,
        %get3A_711 = arith.index_cast %add3A_682 : i32 to index
        %get3A_712 = arith.constant 64 : index
        %get3A_713 = tpu.vector_load %arg12[%get3A_711, %get3A_712] {strides = array<i32>} : memref<64x128xf32, #tpu.memory_space<vmem>>, vector<16xf32>,
        %mul3A_714 = arith.mulf %get3A_713, %gather3A_680 : vector<16xf32>
        %swap3A_715 = arith.index_cast %add3A_682 : i32 to index
        %swap3A_716 = arith.constant 64 : index
        %swap3A_717 = tpu.vector_load %arg12[%swap3A_715, %swap3A_716] {strides = array<i32>} : memref<64x128xf32, #tpu.memory_space<vmem>>, vector<16xf32>,
        tpu.vector_store %arg12[%swap3A_715, %swap3A_716], %mul3A_714 {strides = array<i32>} : memref<64x128xf32, #tpu.memory_space<vmem>>, vector<16xf32>,
        %get3A_718 = arith.index_cast %add3A_682 : i32 to index
        %get3A_719 = arith.constant 80 : index
        %get3A_720 = tpu.vector_load %arg12[%get3A_718, %get3A_719] {strides = array<i32>} : memref<64x128xf32, #tpu.memory_space<vmem>>, vector<16xf32>,
        %mul3A_721 = arith.mulf %get3A_720, %gather3A_680 : vector<16xf32>
        %swap3A_722 = arith.index_cast %add3A_682 : i32 to index
        %swap3A_723 = arith.constant 80 : index
        %swap3A_724 = tpu.vector_load %arg12[%swap3A_722, %swap3A_723] {strides = array<i32>} : memref<64x128xf32, #tpu.memory_space<vmem>>, vector<16xf32>,
        tpu.vector_store %arg12[%swap3A_722, %swap3A_723], %mul3A_721 {strides = array<i32>} : memref<64x128xf32, #tpu.memory_space<vmem>>, vector<16xf32>,
        %get3A_725 = arith.index_cast %add3A_682 : i32 to index
        %get3A_726 = arith.constant 96 : index
        %get3A_727 = tpu.vector_load %arg12[%get3A_725, %get3A_726] {strides = array<i32>} : memref<64x128xf32, #tpu.memory_space<vmem>>, vector<16xf32>,
        %mul3A_728 = arith.mulf %get3A_727, %gather3A_680 : vector<16xf32>
        %swap3A_729 = arith.index_cast %add3A_682 : i32 to index
        %swap3A_730 = arith.constant 96 : index
        %swap3A_731 = tpu.vector_load %arg12[%swap3A_729, %swap3A_730] {strides = array<i32>} : memref<64x128xf32, #tpu.memory_space<vmem>>, vector<16xf32>,
        tpu.vector_store %arg12[%swap3A_729, %swap3A_730], %mul3A_728 {strides = array<i32>} : memref<64x128xf32, #tpu.memory_space<vmem>>, vector<16xf32>,
        %get3A_732 = arith.index_cast %add3A_682 : i32 to index
        %get3A_733 = arith.constant 112 : index
        %get3A_734 = tpu.vector_load %arg12[%get3A_732, %get3A_733] {strides = array<i32>} : memref<64x128xf32, #tpu.memory_space<vmem>>, vector<16xf32>,
        %mul3A_735 = arith.mulf %get3A_734, %gather3A_680 : vector<16xf32>
        %swap3A_736 = arith.index_cast %add3A_682 : i32 to index
        %swap3A_737 = arith.constant 112 : index
        %swap3A_738 = tpu.vector_load %arg12[%swap3A_736, %swap3A_737] {strides = array<i32>} : memref<64x128xf32, #tpu.memory_space<vmem>>, vector<16xf32>,
        tpu.vector_store %arg12[%swap3A_736, %swap3A_737], %mul3A_735 {strides = array<i32>} : memref<64x128xf32, #tpu.memory_space<vmem>>, vector<16xf32>,
        %broadcast_in_dim3A_739 = arith.constant 10 : i32
        %broadcast_in_dim3A_740 = vector.broadcast %broadcast_in_dim3A_739 : i32 to vector<16x1xi32>
        %gather3A_741 = vector.shape_cast %broadcast_in_dim3A_740 : vector<16x1xi32> to vector<16xi32>
        %gather3A_742 = tpu.dynamic_gather %get3A_78[%gather3A_741] in [0] : vector<16xf32>, vector<16xi32> -> vector<16xf32>
        %broadcast_in_dim3A_743 = arith.constant 10 : i32
        %broadcast_in_dim3A_744 = vector.broadcast %broadcast_in_dim3A_743 : i32 to vector<16x1xi32>
        %gather3A_745 = vector.shape_cast %broadcast_in_dim3A_744 : vector<16x1xi32> to vector<16xi32>
        %gather3A_746 = tpu.dynamic_gather %get3A_80[%gather3A_745] in [0] : vector<16xf32>, vector<16xi32> -> vector<16xf32>
        %add3A_747 = arith.constant 10 : i32
        %add3A_748 = arith.addi %add3A_77, %add3A_747 : i32
        %get3A_749 = arith.index_cast %add3A_748 : i32 to index
        %get3A_750 = arith.constant 0 : index
        %get3A_751 = tpu.vector_load %arg12[%get3A_749, %get3A_750] {strides = array<i32>} : memref<64x128xf32, #tpu.memory_space<vmem>>, vector<16xf32>,
        %mul3A_752 = arith.mulf %get3A_751, %gather3A_742 : vector<16xf32>
        %swap3A_753 = arith.index_cast %add3A_748 : i32 to index
        %swap3A_754 = arith.constant 0 : index
        %swap3A_755 = tpu.vector_load %arg12[%swap3A_753, %swap3A_754] {strides = array<i32>} : memref<64x128xf32, #tpu.memory_space<vmem>>, vector<16xf32>,
        tpu.vector_store %arg12[%swap3A_753, %swap3A_754], %mul3A_752 {strides = array<i32>} : memref<64x128xf32, #tpu.memory_space<vmem>>, vector<16xf32>,
        %get3A_756 = arith.index_cast %add3A_748 : i32 to index
        %get3A_757 = arith.constant 16 : index
        %get3A_758 = tpu.vector_load %arg12[%get3A_756, %get3A_757] {strides = array<i32>} : memref<64x128xf32, #tpu.memory_space<vmem>>, vector<16xf32>,
        %mul3A_759 = arith.mulf %get3A_758, %gather3A_742 : vector<16xf32>
        %swap3A_760 = arith.index_cast %add3A_748 : i32 to index
        %swap3A_761 = arith.constant 16 : index
        %swap3A_762 = tpu.vector_load %arg12[%swap3A_760, %swap3A_761] {strides = array<i32>} : memref<64x128xf32, #tpu.memory_space<vmem>>, vector<16xf32>,
        tpu.vector_store %arg12[%swap3A_760, %swap3A_761], %mul3A_759 {strides = array<i32>} : memref<64x128xf32, #tpu.memory_space<vmem>>, vector<16xf32>,
        %get3A_763 = arith.index_cast %add3A_748 : i32 to index
        %get3A_764 = arith.constant 32 : index
        %get3A_765 = tpu.vector_load %arg12[%get3A_763, %get3A_764] {strides = array<i32>} : memref<64x128xf32, #tpu.memory_space<vmem>>, vector<16xf32>,
        %mul3A_766 = arith.mulf %get3A_765, %gather3A_742 : vector<16xf32>
        %swap3A_767 = arith.index_cast %add3A_748 : i32 to index
        %swap3A_768 = arith.constant 32 : index
        %swap3A_769 = tpu.vector_load %arg12[%swap3A_767, %swap3A_768] {strides = array<i32>} : memref<64x128xf32, #tpu.memory_space<vmem>>, vector<16xf32>,
        tpu.vector_store %arg12[%swap3A_767, %swap3A_768], %mul3A_766 {strides = array<i32>} : memref<64x128xf32, #tpu.memory_space<vmem>>, vector<16xf32>,
        %get3A_770 = arith.index_cast %add3A_748 : i32 to index
        %get3A_771 = arith.constant 48 : index
        %get3A_772 = tpu.vector_load %arg12[%get3A_770, %get3A_771] {strides = array<i32>} : memref<64x128xf32, #tpu.memory_space<vmem>>, vector<16xf32>,
        %mul3A_773 = arith.mulf %get3A_772, %gather3A_742 : vector<16xf32>
        %swap3A_774 = arith.index_cast %add3A_748 : i32 to index
        %swap3A_775 = arith.constant 48 : index
        %swap3A_776 = tpu.vector_load %arg12[%swap3A_774, %swap3A_775] {strides = array<i32>} : memref<64x128xf32, #tpu.memory_space<vmem>>, vector<16xf32>,
        tpu.vector_store %arg12[%swap3A_774, %swap3A_775], %mul3A_773 {strides = array<i32>} : memref<64x128xf32, #tpu.memory_space<vmem>>, vector<16xf32>,
        %get3A_777 = arith.index_cast %add3A_748 : i32 to index
        %get3A_778 = arith.constant 64 : index
        %get3A_779 = tpu.vector_load %arg12[%get3A_777, %get3A_778] {strides = array<i32>} : memref<64x128xf32, #tpu.memory_space<vmem>>, vector<16xf32>,
        %mul3A_780 = arith.mulf %get3A_779, %gather3A_746 : vector<16xf32>
        %swap3A_781 = arith.index_cast %add3A_748 : i32 to index
        %swap3A_782 = arith.constant 64 : index
        %swap3A_783 = tpu.vector_load %arg12[%swap3A_781, %swap3A_782] {strides = array<i32>} : memref<64x128xf32, #tpu.memory_space<vmem>>, vector<16xf32>,
        tpu.vector_store %arg12[%swap3A_781, %swap3A_782], %mul3A_780 {strides = array<i32>} : memref<64x128xf32, #tpu.memory_space<vmem>>, vector<16xf32>,
        %get3A_784 = arith.index_cast %add3A_748 : i32 to index
        %get3A_785 = arith.constant 80 : index
        %get3A_786 = tpu.vector_load %arg12[%get3A_784, %get3A_785] {strides = array<i32>} : memref<64x128xf32, #tpu.memory_space<vmem>>, vector<16xf32>,
        %mul3A_787 = arith.mulf %get3A_786, %gather3A_746 : vector<16xf32>
        %swap3A_788 = arith.index_cast %add3A_748 : i32 to index
        %swap3A_789 = arith.constant 80 : index
        %swap3A_790 = tpu.vector_load %arg12[%swap3A_788, %swap3A_789] {strides = array<i32>} : memref<64x128xf32, #tpu.memory_space<vmem>>, vector<16xf32>,
        tpu.vector_store %arg12[%swap3A_788, %swap3A_789], %mul3A_787 {strides = array<i32>} : memref<64x128xf32, #tpu.memory_space<vmem>>, vector<16xf32>,
        %get3A_791 = arith.index_cast %add3A_748 : i32 to index
        %get3A_792 = arith.constant 96 : index
        %get3A_793 = tpu.vector_load %arg12[%get3A_791, %get3A_792] {strides = array<i32>} : memref<64x128xf32, #tpu.memory_space<vmem>>, vector<16xf32>,
        %mul3A_794 = arith.mulf %get3A_793, %gather3A_746 : vector<16xf32>
        %swap3A_795 = arith.index_cast %add3A_748 : i32 to index
        %swap3A_796 = arith.constant 96 : index
        %swap3A_797 = tpu.vector_load %arg12[%swap3A_795, %swap3A_796] {strides = array<i32>} : memref<64x128xf32, #tpu.memory_space<vmem>>, vector<16xf32>,
        tpu.vector_store %arg12[%swap3A_795, %swap3A_796], %mul3A_794 {strides = array<i32>} : memref<64x128xf32, #tpu.memory_space<vmem>>, vector<16xf32>,
        %get3A_798 = arith.index_cast %add3A_748 : i32 to index
        %get3A_799 = arith.constant 112 : index
        %get3A_800 = tpu.vector_load %arg12[%get3A_798, %get3A_799] {strides = array<i32>} : memref<64x128xf32, #tpu.memory_space<vmem>>, vector<16xf32>,
        %mul3A_801 = arith.mulf %get3A_800, %gather3A_746 : vector<16xf32>
        %swap3A_802 = arith.index_cast %add3A_748 : i32 to index
        %swap3A_803 = arith.constant 112 : index
        %swap3A_804 = tpu.vector_load %arg12[%swap3A_802, %swap3A_803] {strides = array<i32>} : memref<64x128xf32, #tpu.memory_space<vmem>>, vector<16xf32>,
        tpu.vector_store %arg12[%swap3A_802, %swap3A_803], %mul3A_801 {strides = array<i32>} : memref<64x128xf32, #tpu.memory_space<vmem>>, vector<16xf32>,
        %broadcast_in_dim3A_805 = arith.constant 11 : i32
        %broadcast_in_dim3A_806 = vector.broadcast %broadcast_in_dim3A_805 : i32 to vector<16x1xi32>
        %gather3A_807 = vector.shape_cast %broadcast_in_dim3A_806 : vector<16x1xi32> to vector<16xi32>
        %gather3A_808 = tpu.dynamic_gather %get3A_78[%gather3A_807] in [0] : vector<16xf32>, vector<16xi32> -> vector<16xf32>
        %broadcast_in_dim3A_809 = arith.constant 11 : i32
        %broadcast_in_dim3A_810 = vector.broadcast %broadcast_in_dim3A_809 : i32 to vector<16x1xi32>
        %gather3A_811 = vector.shape_cast %broadcast_in_dim3A_810 : vector<16x1xi32> to vector<16xi32>
        %gather3A_812 = tpu.dynamic_gather %get3A_80[%gather3A_811] in [0] : vector<16xf32>, vector<16xi32> -> vector<16xf32>
        %add3A_813 = arith.constant 11 : i32
        %add3A_814 = arith.addi %add3A_77, %add3A_813 : i32
        %get3A_815 = arith.index_cast %add3A_814 : i32 to index
        %get3A_816 = arith.constant 0 : index
        %get3A_817 = tpu.vector_load %arg12[%get3A_815, %get3A_816] {strides = array<i32>} : memref<64x128xf32, #tpu.memory_space<vmem>>, vector<16xf32>,
        %mul3A_818 = arith.mulf %get3A_817, %gather3A_808 : vector<16xf32>
        %swap3A_819 = arith.index_cast %add3A_814 : i32 to index
        %swap3A_820 = arith.constant 0 : index
        %swap3A_821 = tpu.vector_load %arg12[%swap3A_819, %swap3A_820] {strides = array<i32>} : memref<64x128xf32, #tpu.memory_space<vmem>>, vector<16xf32>,
        tpu.vector_store %arg12[%swap3A_819, %swap3A_820], %mul3A_818 {strides = array<i32>} : memref<64x128xf32, #tpu.memory_space<vmem>>, vector<16xf32>,
        %get3A_822 = arith.index_cast %add3A_814 : i32 to index
        %get3A_823 = arith.constant 16 : index
        %get3A_824 = tpu.vector_load %arg12[%get3A_822, %get3A_823] {strides = array<i32>} : memref<64x128xf32, #tpu.memory_space<vmem>>, vector<16xf32>,
        %mul3A_825 = arith.mulf %get3A_824, %gather3A_808 : vector<16xf32>
        %swap3A_826 = arith.index_cast %add3A_814 : i32 to index
        %swap3A_827 = arith.constant 16 : index
        %swap3A_828 = tpu.vector_load %arg12[%swap3A_826, %swap3A_827] {strides = array<i32>} : memref<64x128xf32, #tpu.memory_space<vmem>>, vector<16xf32>,
        tpu.vector_store %arg12[%swap3A_826, %swap3A_827], %mul3A_825 {strides = array<i32>} : memref<64x128xf32, #tpu.memory_space<vmem>>, vector<16xf32>,
        %get3A_829 = arith.index_cast %add3A_814 : i32 to index
        %get3A_830 = arith.constant 32 : index
        %get3A_831 = tpu.vector_load %arg12[%get3A_829, %get3A_830] {strides = array<i32>} : memref<64x128xf32, #tpu.memory_space<vmem>>, vector<16xf32>,
        %mul3A_832 = arith.mulf %get3A_831, %gather3A_808 : vector<16xf32>
        %swap3A_833 = arith.index_cast %add3A_814 : i32 to index
        %swap3A_834 = arith.constant 32 : index
        %swap3A_835 = tpu.vector_load %arg12[%swap3A_833, %swap3A_834] {strides = array<i32>} : memref<64x128xf32, #tpu.memory_space<vmem>>, vector<16xf32>,
        tpu.vector_store %arg12[%swap3A_833, %swap3A_834], %mul3A_832 {strides = array<i32>} : memref<64x128xf32, #tpu.memory_space<vmem>>, vector<16xf32>,
        %get3A_836 = arith.index_cast %add3A_814 : i32 to index
        %get3A_837 = arith.constant 48 : index
        %get3A_838 = tpu.vector_load %arg12[%get3A_836, %get3A_837] {strides = array<i32>} : memref<64x128xf32, #tpu.memory_space<vmem>>, vector<16xf32>,
        %mul3A_839 = arith.mulf %get3A_838, %gather3A_808 : vector<16xf32>
        %swap3A_840 = arith.index_cast %add3A_814 : i32 to index
        %swap3A_841 = arith.constant 48 : index
        %swap3A_842 = tpu.vector_load %arg12[%swap3A_840, %swap3A_841] {strides = array<i32>} : memref<64x128xf32, #tpu.memory_space<vmem>>, vector<16xf32>,
        tpu.vector_store %arg12[%swap3A_840, %swap3A_841], %mul3A_839 {strides = array<i32>} : memref<64x128xf32, #tpu.memory_space<vmem>>, vector<16xf32>,
        %get3A_843 = arith.index_cast %add3A_814 : i32 to index
        %get3A_844 = arith.constant 64 : index
        %get3A_845 = tpu.vector_load %arg12[%get3A_843, %get3A_844] {strides = array<i32>} : memref<64x128xf32, #tpu.memory_space<vmem>>, vector<16xf32>,
        %mul3A_846 = arith.mulf %get3A_845, %gather3A_812 : vector<16xf32>
        %swap3A_847 = arith.index_cast %add3A_814 : i32 to index
        %swap3A_848 = arith.constant 64 : index
        %swap3A_849 = tpu.vector_load %arg12[%swap3A_847, %swap3A_848] {strides = array<i32>} : memref<64x128xf32, #tpu.memory_space<vmem>>, vector<16xf32>,
        tpu.vector_store %arg12[%swap3A_847, %swap3A_848], %mul3A_846 {strides = array<i32>} : memref<64x128xf32, #tpu.memory_space<vmem>>, vector<16xf32>,
        %get3A_850 = arith.index_cast %add3A_814 : i32 to index
        %get3A_851 = arith.constant 80 : index
        %get3A_852 = tpu.vector_load %arg12[%get3A_850, %get3A_851] {strides = array<i32>} : memref<64x128xf32, #tpu.memory_space<vmem>>, vector<16xf32>,
        %mul3A_853 = arith.mulf %get3A_852, %gather3A_812 : vector<16xf32>
        %swap3A_854 = arith.index_cast %add3A_814 : i32 to index
        %swap3A_855 = arith.constant 80 : index
        %swap3A_856 = tpu.vector_load %arg12[%swap3A_854, %swap3A_855] {strides = array<i32>} : memref<64x128xf32, #tpu.memory_space<vmem>>, vector<16xf32>,
        tpu.vector_store %arg12[%swap3A_854, %swap3A_855], %mul3A_853 {strides = array<i32>} : memref<64x128xf32, #tpu.memory_space<vmem>>, vector<16xf32>,
        %get3A_857 = arith.index_cast %add3A_814 : i32 to index
        %get3A_858 = arith.constant 96 : index
        %get3A_859 = tpu.vector_load %arg12[%get3A_857, %get3A_858] {strides = array<i32>} : memref<64x128xf32, #tpu.memory_space<vmem>>, vector<16xf32>,
        %mul3A_860 = arith.mulf %get3A_859, %gather3A_812 : vector<16xf32>
        %swap3A_861 = arith.index_cast %add3A_814 : i32 to index
        %swap3A_862 = arith.constant 96 : index
        %swap3A_863 = tpu.vector_load %arg12[%swap3A_861, %swap3A_862] {strides = array<i32>} : memref<64x128xf32, #tpu.memory_space<vmem>>, vector<16xf32>,
        tpu.vector_store %arg12[%swap3A_861, %swap3A_862], %mul3A_860 {strides = array<i32>} : memref<64x128xf32, #tpu.memory_space<vmem>>, vector<16xf32>,
        %get3A_864 = arith.index_cast %add3A_814 : i32 to index
        %get3A_865 = arith.constant 112 : index
        %get3A_866 = tpu.vector_load %arg12[%get3A_864, %get3A_865] {strides = array<i32>} : memref<64x128xf32, #tpu.memory_space<vmem>>, vector<16xf32>,
        %mul3A_867 = arith.mulf %get3A_866, %gather3A_812 : vector<16xf32>
        %swap3A_868 = arith.index_cast %add3A_814 : i32 to index
        %swap3A_869 = arith.constant 112 : index
        %swap3A_870 = tpu.vector_load %arg12[%swap3A_868, %swap3A_869] {strides = array<i32>} : memref<64x128xf32, #tpu.memory_space<vmem>>, vector<16xf32>,
        tpu.vector_store %arg12[%swap3A_868, %swap3A_869], %mul3A_867 {strides = array<i32>} : memref<64x128xf32, #tpu.memory_space<vmem>>, vector<16xf32>,
        %broadcast_in_dim3A_871 = arith.constant 12 : i32
        %broadcast_in_dim3A_872 = vector.broadcast %broadcast_in_dim3A_871 : i32 to vector<16x1xi32>
        %gather3A_873 = vector.shape_cast %broadcast_in_dim3A_872 : vector<16x1xi32> to vector<16xi32>
        %gather3A_874 = tpu.dynamic_gather %get3A_78[%gather3A_873] in [0] : vector<16xf32>, vector<16xi32> -> vector<16xf32>
        %broadcast_in_dim3A_875 = arith.constant 12 : i32
        %broadcast_in_dim3A_876 = vector.broadcast %broadcast_in_dim3A_875 : i32 to vector<16x1xi32>
        %gather3A_877 = vector.shape_cast %broadcast_in_dim3A_876 : vector<16x1xi32> to vector<16xi32>
        %gather3A_878 = tpu.dynamic_gather %get3A_80[%gather3A_877] in [0] : vector<16xf32>, vector<16xi32> -> vector<16xf32>
        %add3A_879 = arith.constant 12 : i32
        %add3A_880 = arith.addi %add3A_77, %add3A_879 : i32
        %get3A_881 = arith.index_cast %add3A_880 : i32 to index
        %get3A_882 = arith.constant 0 : index
        %get3A_883 = tpu.vector_load %arg12[%get3A_881, %get3A_882] {strides = array<i32>} : memref<64x128xf32, #tpu.memory_space<vmem>>, vector<16xf32>,
        %mul3A_884 = arith.mulf %get3A_883, %gather3A_874 : vector<16xf32>
        %swap3A_885 = arith.index_cast %add3A_880 : i32 to index
        %swap3A_886 = arith.constant 0 : index
        %swap3A_887 = tpu.vector_load %arg12[%swap3A_885, %swap3A_886] {strides = array<i32>} : memref<64x128xf32, #tpu.memory_space<vmem>>, vector<16xf32>,
        tpu.vector_store %arg12[%swap3A_885, %swap3A_886], %mul3A_884 {strides = array<i32>} : memref<64x128xf32, #tpu.memory_space<vmem>>, vector<16xf32>,
        %get3A_888 = arith.index_cast %add3A_880 : i32 to index
        %get3A_889 = arith.constant 16 : index
        %get3A_890 = tpu.vector_load %arg12[%get3A_888, %get3A_889] {strides = array<i32>} : memref<64x128xf32, #tpu.memory_space<vmem>>, vector<16xf32>,
        %mul3A_891 = arith.mulf %get3A_890, %gather3A_874 : vector<16xf32>
        %swap3A_892 = arith.index_cast %add3A_880 : i32 to index
        %swap3A_893 = arith.constant 16 : index
        %swap3A_894 = tpu.vector_load %arg12[%swap3A_892, %swap3A_893] {strides = array<i32>} : memref<64x128xf32, #tpu.memory_space<vmem>>, vector<16xf32>,
        tpu.vector_store %arg12[%swap3A_892, %swap3A_893], %mul3A_891 {strides = array<i32>} : memref<64x128xf32, #tpu.memory_space<vmem>>, vector<16xf32>,
        %get3A_895 = arith.index_cast %add3A_880 : i32 to index
        %get3A_896 = arith.constant 32 : index
        %get3A_897 = tpu.vector_load %arg12[%get3A_895, %get3A_896] {strides = array<i32>} : memref<64x128xf32, #tpu.memory_space<vmem>>, vector<16xf32>,
        %mul3A_898 = arith.mulf %get3A_897, %gather3A_874 : vector<16xf32>
        %swap3A_899 = arith.index_cast %add3A_880 : i32 to index
        %swap3A_900 = arith.constant 32 : index
        %swap3A_901 = tpu.vector_load %arg12[%swap3A_899, %swap3A_900] {strides = array<i32>} : memref<64x128xf32, #tpu.memory_space<vmem>>, vector<16xf32>,
        tpu.vector_store %arg12[%swap3A_899, %swap3A_900], %mul3A_898 {strides = array<i32>} : memref<64x128xf32, #tpu.memory_space<vmem>>, vector<16xf32>,
        %get3A_902 = arith.index_cast %add3A_880 : i32 to index
        %get3A_903 = arith.constant 48 : index
        %get3A_904 = tpu.vector_load %arg12[%get3A_902, %get3A_903] {strides = array<i32>} : memref<64x128xf32, #tpu.memory_space<vmem>>, vector<16xf32>,
        %mul3A_905 = arith.mulf %get3A_904, %gather3A_874 : vector<16xf32>
        %swap3A_906 = arith.index_cast %add3A_880 : i32 to index
        %swap3A_907 = arith.constant 48 : index
        %swap3A_908 = tpu.vector_load %arg12[%swap3A_906, %swap3A_907] {strides = array<i32>} : memref<64x128xf32, #tpu.memory_space<vmem>>, vector<16xf32>,
        tpu.vector_store %arg12[%swap3A_906, %swap3A_907], %mul3A_905 {strides = array<i32>} : memref<64x128xf32, #tpu.memory_space<vmem>>, vector<16xf32>,
        %get3A_909 = arith.index_cast %add3A_880 : i32 to index
        %get3A_910 = arith.constant 64 : index
        %get3A_911 = tpu.vector_load %arg12[%get3A_909, %get3A_910] {strides = array<i32>} : memref<64x128xf32, #tpu.memory_space<vmem>>, vector<16xf32>,
        %mul3A_912 = arith.mulf %get3A_911, %gather3A_878 : vector<16xf32>
        %swap3A_913 = arith.index_cast %add3A_880 : i32 to index
        %swap3A_914 = arith.constant 64 : index
        %swap3A_915 = tpu.vector_load %arg12[%swap3A_913, %swap3A_914] {strides = array<i32>} : memref<64x128xf32, #tpu.memory_space<vmem>>, vector<16xf32>,
        tpu.vector_store %arg12[%swap3A_913, %swap3A_914], %mul3A_912 {strides = array<i32>} : memref<64x128xf32, #tpu.memory_space<vmem>>, vector<16xf32>,
        %get3A_916 = arith.index_cast %add3A_880 : i32 to index
        %get3A_917 = arith.constant 80 : index
        %get3A_918 = tpu.vector_load %arg12[%get3A_916, %get3A_917] {strides = array<i32>} : memref<64x128xf32, #tpu.memory_space<vmem>>, vector<16xf32>,
        %mul3A_919 = arith.mulf %get3A_918, %gather3A_878 : vector<16xf32>
        %swap3A_920 = arith.index_cast %add3A_880 : i32 to index
        %swap3A_921 = arith.constant 80 : index
        %swap3A_922 = tpu.vector_load %arg12[%swap3A_920, %swap3A_921] {strides = array<i32>} : memref<64x128xf32, #tpu.memory_space<vmem>>, vector<16xf32>,
        tpu.vector_store %arg12[%swap3A_920, %swap3A_921], %mul3A_919 {strides = array<i32>} : memref<64x128xf32, #tpu.memory_space<vmem>>, vector<16xf32>,
        %get3A_923 = arith.index_cast %add3A_880 : i32 to index
        %get3A_924 = arith.constant 96 : index
        %get3A_925 = tpu.vector_load %arg12[%get3A_923, %get3A_924] {strides = array<i32>} : memref<64x128xf32, #tpu.memory_space<vmem>>, vector<16xf32>,
        %mul3A_926 = arith.mulf %get3A_925, %gather3A_878 : vector<16xf32>
        %swap3A_927 = arith.index_cast %add3A_880 : i32 to index
        %swap3A_928 = arith.constant 96 : index
        %swap3A_929 = tpu.vector_load %arg12[%swap3A_927, %swap3A_928] {strides = array<i32>} : memref<64x128xf32, #tpu.memory_space<vmem>>, vector<16xf32>,
        tpu.vector_store %arg12[%swap3A_927, %swap3A_928], %mul3A_926 {strides = array<i32>} : memref<64x128xf32, #tpu.memory_space<vmem>>, vector<16xf32>,
        %get3A_930 = arith.index_cast %add3A_880 : i32 to index
        %get3A_931 = arith.constant 112 : index
        %get3A_932 = tpu.vector_load %arg12[%get3A_930, %get3A_931] {strides = array<i32>} : memref<64x128xf32, #tpu.memory_space<vmem>>, vector<16xf32>,
        %mul3A_933 = arith.mulf %get3A_932, %gather3A_878 : vector<16xf32>
        %swap3A_934 = arith.index_cast %add3A_880 : i32 to index
        %swap3A_935 = arith.constant 112 : index
        %swap3A_936 = tpu.vector_load %arg12[%swap3A_934, %swap3A_935] {strides = array<i32>} : memref<64x128xf32, #tpu.memory_space<vmem>>, vector<16xf32>,
        tpu.vector_store %arg12[%swap3A_934, %swap3A_935], %mul3A_933 {strides = array<i32>} : memref<64x128xf32, #tpu.memory_space<vmem>>, vector<16xf32>,
        %broadcast_in_dim3A_937 = arith.constant 13 : i32
        %broadcast_in_dim3A_938 = vector.broadcast %broadcast_in_dim3A_937 : i32 to vector<16x1xi32>
        %gather3A_939 = vector.shape_cast %broadcast_in_dim3A_938 : vector<16x1xi32> to vector<16xi32>
        %gather3A_940 = tpu.dynamic_gather %get3A_78[%gather3A_939] in [0] : vector<16xf32>, vector<16xi32> -> vector<16xf32>
        %broadcast_in_dim3A_941 = arith.constant 13 : i32
        %broadcast_in_dim3A_942 = vector.broadcast %broadcast_in_dim3A_941 : i32 to vector<16x1xi32>
        %gather3A_943 = vector.shape_cast %broadcast_in_dim3A_942 : vector<16x1xi32> to vector<16xi32>
        %gather3A_944 = tpu.dynamic_gather %get3A_80[%gather3A_943] in [0] : vector<16xf32>, vector<16xi32> -> vector<16xf32>
        %add3A_945 = arith.constant 13 : i32
        %add3A_946 = arith.addi %add3A_77, %add3A_945 : i32
        %get3A_947 = arith.index_cast %add3A_946 : i32 to index
        %get3A_948 = arith.constant 0 : index
        %get3A_949 = tpu.vector_load %arg12[%get3A_947, %get3A_948] {strides = array<i32>} : memref<64x128xf32, #tpu.memory_space<vmem>>, vector<16xf32>,
        %mul3A_950 = arith.mulf %get3A_949, %gather3A_940 : vector<16xf32>
        %swap3A_951 = arith.index_cast %add3A_946 : i32 to index
        %swap3A_952 = arith.constant 0 : index
        %swap3A_953 = tpu.vector_load %arg12[%swap3A_951, %swap3A_952] {strides = array<i32>} : memref<64x128xf32, #tpu.memory_space<vmem>>, vector<16xf32>,
        tpu.vector_store %arg12[%swap3A_951, %swap3A_952], %mul3A_950 {strides = array<i32>} : memref<64x128xf32, #tpu.memory_space<vmem>>, vector<16xf32>,
        %get3A_954 = arith.index_cast %add3A_946 : i32 to index
        %get3A_955 = arith.constant 16 : index
        %get3A_956 = tpu.vector_load %arg12[%get3A_954, %get3A_955] {strides = array<i32>} : memref<64x128xf32, #tpu.memory_space<vmem>>, vector<16xf32>,
        %mul3A_957 = arith.mulf %get3A_956, %gather3A_940 : vector<16xf32>
        %swap3A_958 = arith.index_cast %add3A_946 : i32 to index
        %swap3A_959 = arith.constant 16 : index
        %swap3A_960 = tpu.vector_load %arg12[%swap3A_958, %swap3A_959] {strides = array<i32>} : memref<64x128xf32, #tpu.memory_space<vmem>>, vector<16xf32>,
        tpu.vector_store %arg12[%swap3A_958, %swap3A_959], %mul3A_957 {strides = array<i32>} : memref<64x128xf32, #tpu.memory_space<vmem>>, vector<16xf32>,
        %get3A_961 = arith.index_cast %add3A_946 : i32 to index
        %get3A_962 = arith.constant 32 : index
        %get3A_963 = tpu.vector_load %arg12[%get3A_961, %get3A_962] {strides = array<i32>} : memref<64x128xf32, #tpu.memory_space<vmem>>, vector<16xf32>,
        %mul3A_964 = arith.mulf %get3A_963, %gather3A_940 : vector<16xf32>
        %swap3A_965 = arith.index_cast %add3A_946 : i32 to index
        %swap3A_966 = arith.constant 32 : index
        %swap3A_967 = tpu.vector_load %arg12[%swap3A_965, %swap3A_966] {strides = array<i32>} : memref<64x128xf32, #tpu.memory_space<vmem>>, vector<16xf32>,
        tpu.vector_store %arg12[%swap3A_965, %swap3A_966], %mul3A_964 {strides = array<i32>} : memref<64x128xf32, #tpu.memory_space<vmem>>, vector<16xf32>,
        %get3A_968 = arith.index_cast %add3A_946 : i32 to index
        %get3A_969 = arith.constant 48 : index
        %get3A_970 = tpu.vector_load %arg12[%get3A_968, %get3A_969] {strides = array<i32>} : memref<64x128xf32, #tpu.memory_space<vmem>>, vector<16xf32>,
        %mul3A_971 = arith.mulf %get3A_970, %gather3A_940 : vector<16xf32>
        %swap3A_972 = arith.index_cast %add3A_946 : i32 to index
        %swap3A_973 = arith.constant 48 : index
        %swap3A_974 = tpu.vector_load %arg12[%swap3A_972, %swap3A_973] {strides = array<i32>} : memref<64x128xf32, #tpu.memory_space<vmem>>, vector<16xf32>,
        tpu.vector_store %arg12[%swap3A_972, %swap3A_973], %mul3A_971 {strides = array<i32>} : memref<64x128xf32, #tpu.memory_space<vmem>>, vector<16xf32>,
        %get3A_975 = arith.index_cast %add3A_946 : i32 to index
        %get3A_976 = arith.constant 64 : index
        %get3A_977 = tpu.vector_load %arg12[%get3A_975, %get3A_976] {strides = array<i32>} : memref<64x128xf32, #tpu.memory_space<vmem>>, vector<16xf32>,
        %mul3A_978 = arith.mulf %get3A_977, %gather3A_944 : vector<16xf32>
        %swap3A_979 = arith.index_cast %add3A_946 : i32 to index
        %swap3A_980 = arith.constant 64 : index
        %swap3A_981 = tpu.vector_load %arg12[%swap3A_979, %swap3A_980] {strides = array<i32>} : memref<64x128xf32, #tpu.memory_space<vmem>>, vector<16xf32>,
        tpu.vector_store %arg12[%swap3A_979, %swap3A_980], %mul3A_978 {strides = array<i32>} : memref<64x128xf32, #tpu.memory_space<vmem>>, vector<16xf32>,
        %get3A_982 = arith.index_cast %add3A_946 : i32 to index
        %get3A_983 = arith.constant 80 : index
        %get3A_984 = tpu.vector_load %arg12[%get3A_982, %get3A_983] {strides = array<i32>} : memref<64x128xf32, #tpu.memory_space<vmem>>, vector<16xf32>,
        %mul3A_985 = arith.mulf %get3A_984, %gather3A_944 : vector<16xf32>
        %swap3A_986 = arith.index_cast %add3A_946 : i32 to index
        %swap3A_987 = arith.constant 80 : index
        %swap3A_988 = tpu.vector_load %arg12[%swap3A_986, %swap3A_987] {strides = array<i32>} : memref<64x128xf32, #tpu.memory_space<vmem>>, vector<16xf32>,
        tpu.vector_store %arg12[%swap3A_986, %swap3A_987], %mul3A_985 {strides = array<i32>} : memref<64x128xf32, #tpu.memory_space<vmem>>, vector<16xf32>,
        %get3A_989 = arith.index_cast %add3A_946 : i32 to index
        %get3A_990 = arith.constant 96 : index
        %get3A_991 = tpu.vector_load %arg12[%get3A_989, %get3A_990] {strides = array<i32>} : memref<64x128xf32, #tpu.memory_space<vmem>>, vector<16xf32>,
        %mul3A_992 = arith.mulf %get3A_991, %gather3A_944 : vector<16xf32>
        %swap3A_993 = arith.index_cast %add3A_946 : i32 to index
        %swap3A_994 = arith.constant 96 : index
        %swap3A_995 = tpu.vector_load %arg12[%swap3A_993, %swap3A_994] {strides = array<i32>} : memref<64x128xf32, #tpu.memory_space<vmem>>, vector<16xf32>,
        tpu.vector_store %arg12[%swap3A_993, %swap3A_994], %mul3A_992 {strides = array<i32>} : memref<64x128xf32, #tpu.memory_space<vmem>>, vector<16xf32>,
        %get3A_996 = arith.index_cast %add3A_946 : i32 to index
        %get3A_997 = arith.constant 112 : index
        %get3A_998 = tpu.vector_load %arg12[%get3A_996, %get3A_997] {strides = array<i32>} : memref<64x128xf32, #tpu.memory_space<vmem>>, vector<16xf32>,
        %mul3A_999 = arith.mulf %get3A_998, %gather3A_944 : vector<16xf32>
        %swap3A_1000 = arith.index_cast %add3A_946 : i32 to index
        %swap3A_1001 = arith.constant 112 : index
        %swap3A_1002 = tpu.vector_load %arg12[%swap3A_1000, %swap3A_1001] {strides = array<i32>} : memref<64x128xf32, #tpu.memory_space<vmem>>, vector<16xf32>,
        tpu.vector_store %arg12[%swap3A_1000, %swap3A_1001], %mul3A_999 {strides = array<i32>} : memref<64x128xf32, #tpu.memory_space<vmem>>, vector<16xf32>,
        %broadcast_in_dim3A_1003 = arith.constant 14 : i32
        %broadcast_in_dim3A_1004 = vector.broadcast %broadcast_in_dim3A_1003 : i32 to vector<16x1xi32>
        %gather3A_1005 = vector.shape_cast %broadcast_in_dim3A_1004 : vector<16x1xi32> to vector<16xi32>
        %gather3A_1006 = tpu.dynamic_gather %get3A_78[%gather3A_1005] in [0] : vector<16xf32>, vector<16xi32> -> vector<16xf32>
        %broadcast_in_dim3A_1007 = arith.constant 14 : i32
        %broadcast_in_dim3A_1008 = vector.broadcast %broadcast_in_dim3A_1007 : i32 to vector<16x1xi32>
        %gather3A_1009 = vector.shape_cast %broadcast_in_dim3A_1008 : vector<16x1xi32> to vector<16xi32>
        %gather3A_1010 = tpu.dynamic_gather %get3A_80[%gather3A_1009] in [0] : vector<16xf32>, vector<16xi32> -> vector<16xf32>
        %add3A_1011 = arith.constant 14 : i32
        %add3A_1012 = arith.addi %add3A_77, %add3A_1011 : i32
        %get3A_1013 = arith.index_cast %add3A_1012 : i32 to index
        %get3A_1014 = arith.constant 0 : index
        %get3A_1015 = tpu.vector_load %arg12[%get3A_1013, %get3A_1014] {strides = array<i32>} : memref<64x128xf32, #tpu.memory_space<vmem>>, vector<16xf32>,
        %mul3A_1016 = arith.mulf %get3A_1015, %gather3A_1006 : vector<16xf32>
        %swap3A_1017 = arith.index_cast %add3A_1012 : i32 to index
        %swap3A_1018 = arith.constant 0 : index
        %swap3A_1019 = tpu.vector_load %arg12[%swap3A_1017, %swap3A_1018] {strides = array<i32>} : memref<64x128xf32, #tpu.memory_space<vmem>>, vector<16xf32>,
        tpu.vector_store %arg12[%swap3A_1017, %swap3A_1018], %mul3A_1016 {strides = array<i32>} : memref<64x128xf32, #tpu.memory_space<vmem>>, vector<16xf32>,
        %get3A_1020 = arith.index_cast %add3A_1012 : i32 to index
        %get3A_1021 = arith.constant 16 : index
        %get3A_1022 = tpu.vector_load %arg12[%get3A_1020, %get3A_1021] {strides = array<i32>} : memref<64x128xf32, #tpu.memory_space<vmem>>, vector<16xf32>,
        %mul3A_1023 = arith.mulf %get3A_1022, %gather3A_1006 : vector<16xf32>
        %swap3A_1024 = arith.index_cast %add3A_1012 : i32 to index
        %swap3A_1025 = arith.constant 16 : index
        %swap3A_1026 = tpu.vector_load %arg12[%swap3A_1024, %swap3A_1025] {strides = array<i32>} : memref<64x128xf32, #tpu.memory_space<vmem>>, vector<16xf32>,
        tpu.vector_store %arg12[%swap3A_1024, %swap3A_1025], %mul3A_1023 {strides = array<i32>} : memref<64x128xf32, #tpu.memory_space<vmem>>, vector<16xf32>,
        %get3A_1027 = arith.index_cast %add3A_1012 : i32 to index
        %get3A_1028 = arith.constant 32 : index
        %get3A_1029 = tpu.vector_load %arg12[%get3A_1027, %get3A_1028] {strides = array<i32>} : memref<64x128xf32, #tpu.memory_space<vmem>>, vector<16xf32>,
        %mul3A_1030 = arith.mulf %get3A_1029, %gather3A_1006 : vector<16xf32>
        %swap3A_1031 = arith.index_cast %add3A_1012 : i32 to index
        %swap3A_1032 = arith.constant 32 : index
        %swap3A_1033 = tpu.vector_load %arg12[%swap3A_1031, %swap3A_1032] {strides = array<i32>} : memref<64x128xf32, #tpu.memory_space<vmem>>, vector<16xf32>,
        tpu.vector_store %arg12[%swap3A_1031, %swap3A_1032], %mul3A_1030 {strides = array<i32>} : memref<64x128xf32, #tpu.memory_space<vmem>>, vector<16xf32>,
        %get3A_1034 = arith.index_cast %add3A_1012 : i32 to index
        %get3A_1035 = arith.constant 48 : index
        %get3A_1036 = tpu.vector_load %arg12[%get3A_1034, %get3A_1035] {strides = array<i32>} : memref<64x128xf32, #tpu.memory_space<vmem>>, vector<16xf32>,
        %mul3A_1037 = arith.mulf %get3A_1036, %gather3A_1006 : vector<16xf32>
        %swap3A_1038 = arith.index_cast %add3A_1012 : i32 to index
        %swap3A_1039 = arith.constant 48 : index
        %swap3A_1040 = tpu.vector_load %arg12[%swap3A_1038, %swap3A_1039] {strides = array<i32>} : memref<64x128xf32, #tpu.memory_space<vmem>>, vector<16xf32>,
        tpu.vector_store %arg12[%swap3A_1038, %swap3A_1039], %mul3A_1037 {strides = array<i32>} : memref<64x128xf32, #tpu.memory_space<vmem>>, vector<16xf32>,
        %get3A_1041 = arith.index_cast %add3A_1012 : i32 to index
        %get3A_1042 = arith.constant 64 : index
        %get3A_1043 = tpu.vector_load %arg12[%get3A_1041, %get3A_1042] {strides = array<i32>} : memref<64x128xf32, #tpu.memory_space<vmem>>, vector<16xf32>,
        %mul3A_1044 = arith.mulf %get3A_1043, %gather3A_1010 : vector<16xf32>
        %swap3A_1045 = arith.index_cast %add3A_1012 : i32 to index
        %swap3A_1046 = arith.constant 64 : index
        %swap3A_1047 = tpu.vector_load %arg12[%swap3A_1045, %swap3A_1046] {strides = array<i32>} : memref<64x128xf32, #tpu.memory_space<vmem>>, vector<16xf32>,
        tpu.vector_store %arg12[%swap3A_1045, %swap3A_1046], %mul3A_1044 {strides = array<i32>} : memref<64x128xf32, #tpu.memory_space<vmem>>, vector<16xf32>,
        %get3A_1048 = arith.index_cast %add3A_1012 : i32 to index
        %get3A_1049 = arith.constant 80 : index
        %get3A_1050 = tpu.vector_load %arg12[%get3A_1048, %get3A_1049] {strides = array<i32>} : memref<64x128xf32, #tpu.memory_space<vmem>>, vector<16xf32>,
        %mul3A_1051 = arith.mulf %get3A_1050, %gather3A_1010 : vector<16xf32>
        %swap3A_1052 = arith.index_cast %add3A_1012 : i32 to index
        %swap3A_1053 = arith.constant 80 : index
        %swap3A_1054 = tpu.vector_load %arg12[%swap3A_1052, %swap3A_1053] {strides = array<i32>} : memref<64x128xf32, #tpu.memory_space<vmem>>, vector<16xf32>,
        tpu.vector_store %arg12[%swap3A_1052, %swap3A_1053], %mul3A_1051 {strides = array<i32>} : memref<64x128xf32, #tpu.memory_space<vmem>>, vector<16xf32>,
        %get3A_1055 = arith.index_cast %add3A_1012 : i32 to index
        %get3A_1056 = arith.constant 96 : index
        %get3A_1057 = tpu.vector_load %arg12[%get3A_1055, %get3A_1056] {strides = array<i32>} : memref<64x128xf32, #tpu.memory_space<vmem>>, vector<16xf32>,
        %mul3A_1058 = arith.mulf %get3A_1057, %gather3A_1010 : vector<16xf32>
        %swap3A_1059 = arith.index_cast %add3A_1012 : i32 to index
        %swap3A_1060 = arith.constant 96 : index
        %swap3A_1061 = tpu.vector_load %arg12[%swap3A_1059, %swap3A_1060] {strides = array<i32>} : memref<64x128xf32, #tpu.memory_space<vmem>>, vector<16xf32>,
        tpu.vector_store %arg12[%swap3A_1059, %swap3A_1060], %mul3A_1058 {strides = array<i32>} : memref<64x128xf32, #tpu.memory_space<vmem>>, vector<16xf32>,
        %get3A_1062 = arith.index_cast %add3A_1012 : i32 to index
        %get3A_1063 = arith.constant 112 : index
        %get3A_1064 = tpu.vector_load %arg12[%get3A_1062, %get3A_1063] {strides = array<i32>} : memref<64x128xf32, #tpu.memory_space<vmem>>, vector<16xf32>,
        %mul3A_1065 = arith.mulf %get3A_1064, %gather3A_1010 : vector<16xf32>
        %swap3A_1066 = arith.index_cast %add3A_1012 : i32 to index
        %swap3A_1067 = arith.constant 112 : index
        %swap3A_1068 = tpu.vector_load %arg12[%swap3A_1066, %swap3A_1067] {strides = array<i32>} : memref<64x128xf32, #tpu.memory_space<vmem>>, vector<16xf32>,
        tpu.vector_store %arg12[%swap3A_1066, %swap3A_1067], %mul3A_1065 {strides = array<i32>} : memref<64x128xf32, #tpu.memory_space<vmem>>, vector<16xf32>,
        %broadcast_in_dim3A_1069 = arith.constant 15 : i32
        %broadcast_in_dim3A_1070 = vector.broadcast %broadcast_in_dim3A_1069 : i32 to vector<16x1xi32>
        %gather3A_1071 = vector.shape_cast %broadcast_in_dim3A_1070 : vector<16x1xi32> to vector<16xi32>
        %gather3A_1072 = tpu.dynamic_gather %get3A_78[%gather3A_1071] in [0] : vector<16xf32>, vector<16xi32> -> vector<16xf32>
        %broadcast_in_dim3A_1073 = arith.constant 15 : i32
        %broadcast_in_dim3A_1074 = vector.broadcast %broadcast_in_dim3A_1073 : i32 to vector<16x1xi32>
        %gather3A_1075 = vector.shape_cast %broadcast_in_dim3A_1074 : vector<16x1xi32> to vector<16xi32>
        %gather3A_1076 = tpu.dynamic_gather %get3A_80[%gather3A_1075] in [0] : vector<16xf32>, vector<16xi32> -> vector<16xf32>
        %add3A_1077 = arith.constant 15 : i32
        %add3A_1078 = arith.addi %add3A_77, %add3A_1077 : i32
        %get3A_1079 = arith.index_cast %add3A_1078 : i32 to index
        %get3A_1080 = arith.constant 0 : index
        %get3A_1081 = tpu.vector_load %arg12[%get3A_1079, %get3A_1080] {strides = array<i32>} : memref<64x128xf32, #tpu.memory_space<vmem>>, vector<16xf32>,
        %mul3A_1082 = arith.mulf %get3A_1081, %gather3A_1072 : vector<16xf32>
        %swap3A_1083 = arith.index_cast %add3A_1078 : i32 to index
        %swap3A_1084 = arith.constant 0 : index
        %swap3A_1085 = tpu.vector_load %arg12[%swap3A_1083, %swap3A_1084] {strides = array<i32>} : memref<64x128xf32, #tpu.memory_space<vmem>>, vector<16xf32>,
        tpu.vector_store %arg12[%swap3A_1083, %swap3A_1084], %mul3A_1082 {strides = array<i32>} : memref<64x128xf32, #tpu.memory_space<vmem>>, vector<16xf32>,
        %get3A_1086 = arith.index_cast %add3A_1078 : i32 to index
        %get3A_1087 = arith.constant 16 : index
        %get3A_1088 = tpu.vector_load %arg12[%get3A_1086, %get3A_1087] {strides = array<i32>} : memref<64x128xf32, #tpu.memory_space<vmem>>, vector<16xf32>,
        %mul3A_1089 = arith.mulf %get3A_1088, %gather3A_1072 : vector<16xf32>
        %swap3A_1090 = arith.index_cast %add3A_1078 : i32 to index
        %swap3A_1091 = arith.constant 16 : index
        %swap3A_1092 = tpu.vector_load %arg12[%swap3A_1090, %swap3A_1091] {strides = array<i32>} : memref<64x128xf32, #tpu.memory_space<vmem>>, vector<16xf32>,
        tpu.vector_store %arg12[%swap3A_1090, %swap3A_1091], %mul3A_1089 {strides = array<i32>} : memref<64x128xf32, #tpu.memory_space<vmem>>, vector<16xf32>,
        %get3A_1093 = arith.index_cast %add3A_1078 : i32 to index
        %get3A_1094 = arith.constant 32 : index
        %get3A_1095 = tpu.vector_load %arg12[%get3A_1093, %get3A_1094] {strides = array<i32>} : memref<64x128xf32, #tpu.memory_space<vmem>>, vector<16xf32>,
        %mul3A_1096 = arith.mulf %get3A_1095, %gather3A_1072 : vector<16xf32>
        %swap3A_1097 = arith.index_cast %add3A_1078 : i32 to index
        %swap3A_1098 = arith.constant 32 : index
        %swap3A_1099 = tpu.vector_load %arg12[%swap3A_1097, %swap3A_1098] {strides = array<i32>} : memref<64x128xf32, #tpu.memory_space<vmem>>, vector<16xf32>,
        tpu.vector_store %arg12[%swap3A_1097, %swap3A_1098], %mul3A_1096 {strides = array<i32>} : memref<64x128xf32, #tpu.memory_space<vmem>>, vector<16xf32>,
        %get3A_1100 = arith.index_cast %add3A_1078 : i32 to index
        %get3A_1101 = arith.constant 48 : index
        %get3A_1102 = tpu.vector_load %arg12[%get3A_1100, %get3A_1101] {strides = array<i32>} : memref<64x128xf32, #tpu.memory_space<vmem>>, vector<16xf32>,
        %mul3A_1103 = arith.mulf %get3A_1102, %gather3A_1072 : vector<16xf32>
        %swap3A_1104 = arith.index_cast %add3A_1078 : i32 to index
        %swap3A_1105 = arith.constant 48 : index
        %swap3A_1106 = tpu.vector_load %arg12[%swap3A_1104, %swap3A_1105] {strides = array<i32>} : memref<64x128xf32, #tpu.memory_space<vmem>>, vector<16xf32>,
        tpu.vector_store %arg12[%swap3A_1104, %swap3A_1105], %mul3A_1103 {strides = array<i32>} : memref<64x128xf32, #tpu.memory_space<vmem>>, vector<16xf32>,
        %get3A_1107 = arith.index_cast %add3A_1078 : i32 to index
        %get3A_1108 = arith.constant 64 : index
        %get3A_1109 = tpu.vector_load %arg12[%get3A_1107, %get3A_1108] {strides = array<i32>} : memref<64x128xf32, #tpu.memory_space<vmem>>, vector<16xf32>,
        %mul3A_1110 = arith.mulf %get3A_1109, %gather3A_1076 : vector<16xf32>
        %swap3A_1111 = arith.index_cast %add3A_1078 : i32 to index
        %swap3A_1112 = arith.constant 64 : index
        %swap3A_1113 = tpu.vector_load %arg12[%swap3A_1111, %swap3A_1112] {strides = array<i32>} : memref<64x128xf32, #tpu.memory_space<vmem>>, vector<16xf32>,
        tpu.vector_store %arg12[%swap3A_1111, %swap3A_1112], %mul3A_1110 {strides = array<i32>} : memref<64x128xf32, #tpu.memory_space<vmem>>, vector<16xf32>,
        %get3A_1114 = arith.index_cast %add3A_1078 : i32 to index
        %get3A_1115 = arith.constant 80 : index
        %get3A_1116 = tpu.vector_load %arg12[%get3A_1114, %get3A_1115] {strides = array<i32>} : memref<64x128xf32, #tpu.memory_space<vmem>>, vector<16xf32>,
        %mul3A_1117 = arith.mulf %get3A_1116, %gather3A_1076 : vector<16xf32>
        %swap3A_1118 = arith.index_cast %add3A_1078 : i32 to index
        %swap3A_1119 = arith.constant 80 : index
        %swap3A_1120 = tpu.vector_load %arg12[%swap3A_1118, %swap3A_1119] {strides = array<i32>} : memref<64x128xf32, #tpu.memory_space<vmem>>, vector<16xf32>,
        tpu.vector_store %arg12[%swap3A_1118, %swap3A_1119], %mul3A_1117 {strides = array<i32>} : memref<64x128xf32, #tpu.memory_space<vmem>>, vector<16xf32>,
        %get3A_1121 = arith.index_cast %add3A_1078 : i32 to index
        %get3A_1122 = arith.constant 96 : index
        %get3A_1123 = tpu.vector_load %arg12[%get3A_1121, %get3A_1122] {strides = array<i32>} : memref<64x128xf32, #tpu.memory_space<vmem>>, vector<16xf32>,
        %mul3A_1124 = arith.mulf %get3A_1123, %gather3A_1076 : vector<16xf32>
        %swap3A_1125 = arith.index_cast %add3A_1078 : i32 to index
        %swap3A_1126 = arith.constant 96 : index
        %swap3A_1127 = tpu.vector_load %arg12[%swap3A_1125, %swap3A_1126] {strides = array<i32>} : memref<64x128xf32, #tpu.memory_space<vmem>>, vector<16xf32>,
        tpu.vector_store %arg12[%swap3A_1125, %swap3A_1126], %mul3A_1124 {strides = array<i32>} : memref<64x128xf32, #tpu.memory_space<vmem>>, vector<16xf32>,
        %get3A_1128 = arith.index_cast %add3A_1078 : i32 to index
        %get3A_1129 = arith.constant 112 : index
        %get3A_1130 = tpu.vector_load %arg12[%get3A_1128, %get3A_1129] {strides = array<i32>} : memref<64x128xf32, #tpu.memory_space<vmem>>, vector<16xf32>,
        %mul3A_1131 = arith.mulf %get3A_1130, %gather3A_1076 : vector<16xf32>
        %swap3A_1132 = arith.index_cast %add3A_1078 : i32 to index
        %swap3A_1133 = arith.constant 112 : index
        %swap3A_1134 = tpu.vector_load %arg12[%swap3A_1132, %swap3A_1133] {strides = array<i32>} : memref<64x128xf32, #tpu.memory_space<vmem>>, vector<16xf32>,
        tpu.vector_store %arg12[%swap3A_1132, %swap3A_1133], %mul3A_1131 {strides = array<i32>} : memref<64x128xf32, #tpu.memory_space<vmem>>, vector<16xf32>,
      }
      %scan3A_71 = arith.constant 4 : i32
      %run_scoped3A_72 = arith.constant 0 : i32
      "tpu.region"() ({
        %run_scoped3A_73 = tpu.sem_alloc : memref<!tpu.dma_semaphore, #tpu.memory_space<semaphore_mem>>
        %dma_start3A = arith.constant 0 : i32
        %dma_start3A_74 = tpu.memref_slice %arg13[%run_scoped3A_72, %dma_start3A] : memref<1x64xi32, #tpu.memory_space<vmem>> -> memref<1x64xi32, #tpu.memory_space<vmem>>
        %dma_start3A_75 = tpu.memref_squeeze %dma_start3A_74 : memref<1x64xi32, #tpu.memory_space<vmem>> -> memref<64xi32, #tpu.memory_space<vmem>>
        %dma_start3A_76 = arith.constant 0 : i32
        %dma_start3A_77 = arith.constant 0 : i32
        %dma_start3A_78 = tpu.memref_slice %arg14[%dma_start3A_76, %dma_start3A_77] : memref<10240x128xf32, #tpu.memory_space<vmem_shared>> -> memref<10240x128xf32, #tpu.memory_space<vmem_shared>>
        tpu.enqueue_indirect_dma source(%arg12 : memref<64x128xf32, #tpu.memory_space<vmem>>) target(%dma_start3A_78 : memref<10240x128xf32, #tpu.memory_space<vmem_shared>>) offsets(%dma_start3A_75 : memref<64xi32, #tpu.memory_space<vmem>>) semaphore(%run_scoped3A_73 : memref<!tpu.dma_semaphore, #tpu.memory_space<semaphore_mem>>) {add = true}
        %dma_wait3A = arith.constant 0 : i32
        %dma_wait3A_79 = tpu.memref_slice %arg13[%run_scoped3A_72, %dma_wait3A] : memref<1x64xi32, #tpu.memory_space<vmem>> -> memref<1x64xi32, #tpu.memory_space<vmem>>
        %dma_wait3A_80 = tpu.memref_squeeze %dma_wait3A_79 : memref<1x64xi32, #tpu.memory_space<vmem>> -> memref<64xi32, #tpu.memory_space<vmem>>
        %dma_wait3A_81 = arith.constant 0 : i32
        %dma_wait3A_82 = arith.constant 0 : i32
        %dma_wait3A_83 = tpu.memref_slice %arg14[%dma_wait3A_81, %dma_wait3A_82] : memref<10240x128xf32, #tpu.memory_space<vmem_shared>> -> memref<10240x128xf32, #tpu.memory_space<vmem_shared>>
        tpu.wait_indirect_dma semaphore(%run_scoped3A_73 : memref<!tpu.dma_semaphore, #tpu.memory_space<semaphore_mem>>) src(%arg12 : memref<64x128xf32, #tpu.memory_space<vmem>>) dst(%dma_wait3A_83 : memref<10240x128xf32, #tpu.memory_space<vmem_shared>>)
        tpu.yield
      }) : () -> ()
    }
    %scan3A_25 = arith.constant 162 : i32
    %barrier3A_26 = arith.constant 0 : index
    tpu.barrier barrier_id(%barrier3A_26)
    %scan3A_27 = arith.constant 0 : i32
    %scan3A_28 = arith.constant 10 : i32
    %scan3A_29 = arith.addi %scan3A_27, %scan3A_28 : i32
    %scan3A_30 = arith.constant 1 : i32
    scf.for %scan3A_55 = %scan3A_27 to %scan3A_29 step %scan3A_30  : i32 {
      %mul3A_56 = arith.constant 1 : i32
      %mul3A_57 = arith.muli %scan3A_55, %mul3A_56 : i32
      %add3A_58 = arith.constant 0 : i32
      %add3A_59 = arith.addi %add3A_58, %mul3A_57 : i32
      %mul3A_60 = arith.constant 64 : i32
      %mul3A_61 = arith.muli %add3A_59, %mul3A_60 : i32
      %add3A_62 = arith.addi %mul3A_2, %mul3A_61 : i32
      "tpu.region"() ({
        %run_scoped3A = tpu.sem_alloc : memref<!tpu.dma_semaphore, #tpu.memory_space<semaphore_mem>>
        %dma_start3A = arith.constant 0 : i32
        %dma_start3A_63 = tpu.memref_slice %arg7[%arg0, %add3A_62, %dma_start3A] : memref<2x10240x128xf32, #tpu.memory_space<hbm>> -> memref<1x64x128xf32, #tpu.memory_space<hbm>>
        %dma_start3A_64 = tpu.memref_squeeze %dma_start3A_63 : memref<1x64x128xf32, #tpu.memory_space<hbm>> -> memref<64x128xf32, #tpu.memory_space<hbm>>
        %dma_start3A_65 = arith.constant 0 : i32
        %dma_start3A_66 = tpu.memref_slice %arg14[%add3A_62, %dma_start3A_65] : memref<10240x128xf32, #tpu.memory_space<vmem_shared>> -> memref<64x128xf32, #tpu.memory_space<vmem_shared>>
        tpu.enqueue_dma source(%dma_start3A_66 : memref<64x128xf32, #tpu.memory_space<vmem_shared>>) target(%dma_start3A_64 : memref<64x128xf32, #tpu.memory_space<hbm>>) target_semaphore(%run_scoped3A : memref<!tpu.dma_semaphore, #tpu.memory_space<semaphore_mem>>)
        %dma_wait3A = arith.constant 0 : i32
        %dma_wait3A_67 = tpu.memref_slice %arg7[%arg0, %add3A_62, %dma_wait3A] : memref<2x10240x128xf32, #tpu.memory_space<hbm>> -> memref<1x64x128xf32, #tpu.memory_space<hbm>>
        %dma_wait3A_68 = tpu.memref_squeeze %dma_wait3A_67 : memref<1x64x128xf32, #tpu.memory_space<hbm>> -> memref<64x128xf32, #tpu.memory_space<hbm>>
        %dma_wait3A_69 = arith.constant 0 : i32
        %dma_wait3A_70 = tpu.memref_slice %arg14[%add3A_62, %dma_wait3A_69] : memref<10240x128xf32, #tpu.memory_space<vmem_shared>> -> memref<64x128xf32, #tpu.memory_space<vmem_shared>>
        tpu.wait_dma2 semaphore(%run_scoped3A : memref<!tpu.dma_semaphore, #tpu.memory_space<semaphore_mem>>) src(%dma_wait3A_70 : memref<64x128xf32, #tpu.memory_space<vmem_shared>>) dst(%dma_wait3A_68 : memref<64x128xf32, #tpu.memory_space<hbm>>)
        tpu.yield
      }) : () -> ()
    }
    %scan3A_31 = arith.constant 10 : i32
    %barrier3A_32 = arith.constant 0 : index
    tpu.barrier barrier_id(%barrier3A_32)
    %scan3A_33 = arith.constant 0 : i32
    %scan3A_34 = arith.constant 10 : i32
    %scan3A_35 = arith.addi %scan3A_33, %scan3A_34 : i32
    %scan3A_36 = arith.constant 1 : i32
    scf.for %scan3A_55 = %scan3A_33 to %scan3A_35 step %scan3A_36  : i32 {
      %mul3A_56 = arith.constant 1 : i32
      %mul3A_57 = arith.muli %scan3A_55, %mul3A_56 : i32
      %add3A_58 = arith.constant 0 : i32
      %add3A_59 = arith.addi %add3A_58, %mul3A_57 : i32
      %mul3A_60 = arith.constant 64 : i32
      %mul3A_61 = arith.muli %add3A_59, %mul3A_60 : i32
      %add3A_62 = arith.addi %mul3A_2, %mul3A_61 : i32
      "tpu.region"() ({
        %run_scoped3A = tpu.sem_alloc : memref<!tpu.dma_semaphore, #tpu.memory_space<semaphore_mem>>
        %dma_start3A = arith.constant 0 : i32
        %dma_start3A_63 = tpu.memref_slice %arg14[%add3A_62, %dma_start3A] : memref<10240x128xf32, #tpu.memory_space<vmem_shared>> -> memref<64x128xf32, #tpu.memory_space<vmem_shared>>
        %dma_start3A_64 = arith.constant 0 : i32
        %dma_start3A_65 = tpu.memref_slice %arg6[%add3A_62, %dma_start3A_64] : memref<10240x128xf32, #tpu.memory_space<hbm>> -> memref<64x128xf32, #tpu.memory_space<hbm>>
        tpu.enqueue_dma source(%dma_start3A_65 : memref<64x128xf32, #tpu.memory_space<hbm>>) target(%dma_start3A_63 : memref<64x128xf32, #tpu.memory_space<vmem_shared>>) target_semaphore(%run_scoped3A : memref<!tpu.dma_semaphore, #tpu.memory_space<semaphore_mem>>)
        %dma_wait3A = arith.constant 0 : i32
        %dma_wait3A_66 = tpu.memref_slice %arg14[%add3A_62, %dma_wait3A] : memref<10240x128xf32, #tpu.memory_space<vmem_shared>> -> memref<64x128xf32, #tpu.memory_space<vmem_shared>>
        %dma_wait3A_67 = arith.constant 0 : i32
        %dma_wait3A_68 = tpu.memref_slice %arg6[%add3A_62, %dma_wait3A_67] : memref<10240x128xf32, #tpu.memory_space<hbm>> -> memref<64x128xf32, #tpu.memory_space<hbm>>
        tpu.wait_dma2 semaphore(%run_scoped3A : memref<!tpu.dma_semaphore, #tpu.memory_space<semaphore_mem>>) src(%dma_wait3A_68 : memref<64x128xf32, #tpu.memory_space<hbm>>) dst(%dma_wait3A_66 : memref<64x128xf32, #tpu.memory_space<vmem_shared>>)
        tpu.yield
      }) : () -> ()
    }
    %scan3A_37 = arith.constant 10 : i32
    %barrier3A_38 = arith.constant 0 : index
    tpu.barrier barrier_id(%barrier3A_38)
    %scan3A_39 = arith.constant 0 : i32
    %scan3A_40 = arith.constant 64 : i32
    %scan3A_41 = arith.addi %scan3A_39, %scan3A_40 : i32
    %scan3A_42 = arith.constant 1 : i32
    scf.for %scan3A_55 = %scan3A_39 to %scan3A_41 step %scan3A_42  : i32 {
      %mul3A_56 = arith.constant 1 : i32
      %mul3A_57 = arith.muli %scan3A_55, %mul3A_56 : i32
      %add3A_58 = arith.constant 0 : i32
      %add3A_59 = arith.addi %add3A_58, %mul3A_57 : i32
      %scan3A_60 = arith.constant 0 : i32
      %scan3A_61 = arith.constant 8 : i32
      %scan3A_62 = arith.addi %scan3A_60, %scan3A_61 : i32
      %scan3A_63 = arith.constant 1 : i32
      scf.for %scan3A_65 = %scan3A_60 to %scan3A_62 step %scan3A_63  : i32 {
        %mul3A_66 = arith.constant 16 : i32
        %mul3A_67 = arith.muli %scan3A_65, %mul3A_66 : i32
        %add3A_68 = arith.constant 0 : i32
        %add3A_69 = arith.addi %add3A_68, %mul3A_67 : i32
        %swap3A = arith.index_cast %add3A_59 : i32 to index
        %swap3A_70 = arith.index_cast %add3A_69 : i32 to index
        %swap3A_71 = tpu.vector_load %arg12[%swap3A, %swap3A_70] {strides = array<i32>} : memref<64x128xf32, #tpu.memory_space<vmem>>, vector<16xf32>,
        tpu.vector_store %arg12[%swap3A, %swap3A_70], %broadcast_in_dim3A_16 {strides = array<i32>} : memref<64x128xf32, #tpu.memory_space<vmem>>, vector<16xf32>,
      }
      %scan3A_64 = arith.constant 8 : i32
    }
    %scan3A_43 = arith.constant 64 : i32
    %scan3A_44 = arith.constant 0 : i32
    %scan3A_45 = arith.constant 162 : i32
    %scan3A_46 = arith.addi %scan3A_44, %scan3A_45 : i32
    %scan3A_47 = arith.constant 1 : i32
    scf.for %scan3A_55 = %scan3A_44 to %scan3A_46 step %scan3A_47  : i32 {
      %mul3A_56 = arith.constant 1 : i32
      %mul3A_57 = arith.muli %scan3A_55, %mul3A_56 : i32
      %add3A_58 = arith.constant 0 : i32
      %add3A_59 = arith.addi %add3A_58, %mul3A_57 : i32
      %mul3A_60 = arith.constant 10368 : i32
      %mul3A_61 = arith.muli %add3A, %mul3A_60 : i32
      %mul3A_62 = arith.constant 64 : i32
      %mul3A_63 = arith.muli %add3A_59, %mul3A_62 : i32
      %add3A_64 = arith.addi %mul3A_61, %mul3A_63 : i32
      %run_scoped3A = arith.constant 0 : i32
      "tpu.region"() ({
        %run_scoped3A_73 = tpu.sem_alloc : memref<!tpu.dma_semaphore, #tpu.memory_space<semaphore_mem>>
        %dma_start3A = arith.constant 0 : i32
        %dma_start3A_74 = tpu.memref_slice %arg13[%run_scoped3A, %dma_start3A] : memref<1x64xi32, #tpu.memory_space<vmem>> -> memref<1x64xi32, #tpu.memory_space<vmem>>
        %dma_start3A_75 = tpu.memref_squeeze %dma_start3A_74 : memref<1x64xi32, #tpu.memory_space<vmem>> -> memref<64xi32, #tpu.memory_space<vmem>>
        %dma_start3A_76 = tpu.memref_slice %arg3[%add3A_64] : memref<331776xi32, #tpu.memory_space<hbm>> -> memref<64xi32, #tpu.memory_space<hbm>>
        %dma_start3A_77 = arith.constant 0 : i32
        %dma_start3A_78 = tpu.memref_slice %arg13[%run_scoped3A, %dma_start3A_77] : memref<1x64xi32, #tpu.memory_space<vmem>> -> memref<1x64xi32, #tpu.memory_space<vmem>>
        %dma_start3A_79 = tpu.memref_squeeze %dma_start3A_78 : memref<1x64xi32, #tpu.memory_space<vmem>> -> memref<64xi32, #tpu.memory_space<vmem>>
        %dma_start3A_80 = tpu.memref_slice %arg3[%add3A_64] : memref<331776xi32, #tpu.memory_space<hbm>> -> memref<64xi32, #tpu.memory_space<hbm>>
        tpu.enqueue_dma source(%dma_start3A_80 : memref<64xi32, #tpu.memory_space<hbm>>) target(%dma_start3A_79 : memref<64xi32, #tpu.memory_space<vmem>>) target_semaphore(%run_scoped3A_73 : memref<!tpu.dma_semaphore, #tpu.memory_space<semaphore_mem>>)
        %dma_wait3A = arith.constant 0 : i32
        %dma_wait3A_81 = tpu.memref_slice %arg13[%run_scoped3A, %dma_wait3A] : memref<1x64xi32, #tpu.memory_space<vmem>> -> memref<1x64xi32, #tpu.memory_space<vmem>>
        %dma_wait3A_82 = tpu.memref_squeeze %dma_wait3A_81 : memref<1x64xi32, #tpu.memory_space<vmem>> -> memref<64xi32, #tpu.memory_space<vmem>>
        %dma_wait3A_83 = tpu.memref_slice %arg3[%add3A_64] : memref<331776xi32, #tpu.memory_space<hbm>> -> memref<64xi32, #tpu.memory_space<hbm>>
        %dma_wait3A_84 = arith.constant 0 : i32
        %dma_wait3A_85 = tpu.memref_slice %arg13[%run_scoped3A, %dma_wait3A_84] : memref<1x64xi32, #tpu.memory_space<vmem>> -> memref<1x64xi32, #tpu.memory_space<vmem>>
        %dma_wait3A_86 = tpu.memref_squeeze %dma_wait3A_85 : memref<1x64xi32, #tpu.memory_space<vmem>> -> memref<64xi32, #tpu.memory_space<vmem>>
        %dma_wait3A_87 = tpu.memref_slice %arg3[%add3A_64] : memref<331776xi32, #tpu.memory_space<hbm>> -> memref<64xi32, #tpu.memory_space<hbm>>
        tpu.wait_dma2 semaphore(%run_scoped3A_73 : memref<!tpu.dma_semaphore, #tpu.memory_space<semaphore_mem>>) src(%dma_wait3A_87 : memref<64xi32, #tpu.memory_space<hbm>>) dst(%dma_wait3A_86 : memref<64xi32, #tpu.memory_space<vmem>>)
        tpu.yield
      }) : () -> ()
      %run_scoped3A_65 = arith.constant 0 : i32
      "tpu.region"() ({
        %run_scoped3A_73 = tpu.sem_alloc : memref<!tpu.dma_semaphore, #tpu.memory_space<semaphore_mem>>
        %dma_start3A = tpu.memref_slice %arg4[%run_scoped3A_65, %add3A_64] : memref<2x331776xf32, #tpu.memory_space<hbm>> -> memref<1x64xf32, #tpu.memory_space<hbm>>
        %dma_start3A_74 = tpu.memref_squeeze %dma_start3A : memref<1x64xf32, #tpu.memory_space<hbm>> -> memref<64xf32, #tpu.memory_space<hbm>>
        %dma_start3A_75 = tpu.memref_slice %arg4[%run_scoped3A_65, %add3A_64] : memref<2x331776xf32, #tpu.memory_space<hbm>> -> memref<1x64xf32, #tpu.memory_space<hbm>>
        %dma_start3A_76 = tpu.memref_squeeze %dma_start3A_75 : memref<1x64xf32, #tpu.memory_space<hbm>> -> memref<64xf32, #tpu.memory_space<hbm>>
        tpu.enqueue_dma source(%dma_start3A_76 : memref<64xf32, #tpu.memory_space<hbm>>) target(%arg10 : memref<64xf32, #tpu.memory_space<vmem>>) target_semaphore(%run_scoped3A_73 : memref<!tpu.dma_semaphore, #tpu.memory_space<semaphore_mem>>)
        %dma_wait3A = tpu.memref_slice %arg4[%run_scoped3A_65, %add3A_64] : memref<2x331776xf32, #tpu.memory_space<hbm>> -> memref<1x64xf32, #tpu.memory_space<hbm>>
        %dma_wait3A_77 = tpu.memref_squeeze %dma_wait3A : memref<1x64xf32, #tpu.memory_space<hbm>> -> memref<64xf32, #tpu.memory_space<hbm>>
        %dma_wait3A_78 = tpu.memref_slice %arg4[%run_scoped3A_65, %add3A_64] : memref<2x331776xf32, #tpu.memory_space<hbm>> -> memref<1x64xf32, #tpu.memory_space<hbm>>
        %dma_wait3A_79 = tpu.memref_squeeze %dma_wait3A_78 : memref<1x64xf32, #tpu.memory_space<hbm>> -> memref<64xf32, #tpu.memory_space<hbm>>
        tpu.wait_dma2 semaphore(%run_scoped3A_73 : memref<!tpu.dma_semaphore, #tpu.memory_space<semaphore_mem>>) src(%dma_wait3A_79 : memref<64xf32, #tpu.memory_space<hbm>>) dst(%arg10 : memref<64xf32, #tpu.memory_space<vmem>>)
        tpu.yield
      }) : () -> ()
      %run_scoped3A_66 = arith.constant 1 : i32
      "tpu.region"() ({
        %run_scoped3A_73 = tpu.sem_alloc : memref<!tpu.dma_semaphore, #tpu.memory_space<semaphore_mem>>
        %dma_start3A = tpu.memref_slice %arg4[%run_scoped3A_66, %add3A_64] : memref<2x331776xf32, #tpu.memory_space<hbm>> -> memref<1x64xf32, #tpu.memory_space<hbm>>
        %dma_start3A_74 = tpu.memref_squeeze %dma_start3A : memref<1x64xf32, #tpu.memory_space<hbm>> -> memref<64xf32, #tpu.memory_space<hbm>>
        %dma_start3A_75 = tpu.memref_slice %arg4[%run_scoped3A_66, %add3A_64] : memref<2x331776xf32, #tpu.memory_space<hbm>> -> memref<1x64xf32, #tpu.memory_space<hbm>>
        %dma_start3A_76 = tpu.memref_squeeze %dma_start3A_75 : memref<1x64xf32, #tpu.memory_space<hbm>> -> memref<64xf32, #tpu.memory_space<hbm>>
        tpu.enqueue_dma source(%dma_start3A_76 : memref<64xf32, #tpu.memory_space<hbm>>) target(%arg11 : memref<64xf32, #tpu.memory_space<vmem>>) target_semaphore(%run_scoped3A_73 : memref<!tpu.dma_semaphore, #tpu.memory_space<semaphore_mem>>)
        %dma_wait3A = tpu.memref_slice %arg4[%run_scoped3A_66, %add3A_64] : memref<2x331776xf32, #tpu.memory_space<hbm>> -> memref<1x64xf32, #tpu.memory_space<hbm>>
        %dma_wait3A_77 = tpu.memref_squeeze %dma_wait3A : memref<1x64xf32, #tpu.memory_space<hbm>> -> memref<64xf32, #tpu.memory_space<hbm>>
        %dma_wait3A_78 = tpu.memref_slice %arg4[%run_scoped3A_66, %add3A_64] : memref<2x331776xf32, #tpu.memory_space<hbm>> -> memref<1x64xf32, #tpu.memory_space<hbm>>
        %dma_wait3A_79 = tpu.memref_squeeze %dma_wait3A_78 : memref<1x64xf32, #tpu.memory_space<hbm>> -> memref<64xf32, #tpu.memory_space<hbm>>
        tpu.wait_dma2 semaphore(%run_scoped3A_73 : memref<!tpu.dma_semaphore, #tpu.memory_space<semaphore_mem>>) src(%dma_wait3A_79 : memref<64xf32, #tpu.memory_space<hbm>>) dst(%arg11 : memref<64xf32, #tpu.memory_space<vmem>>)
        tpu.yield
      }) : () -> ()
      %scan3A_67 = arith.constant 0 : i32
      %scan3A_68 = arith.constant 4 : i32
      %scan3A_69 = arith.addi %scan3A_67, %scan3A_68 : i32
      %scan3A_70 = arith.constant 1 : i32
      scf.for %scan3A_73 = %scan3A_67 to %scan3A_69 step %scan3A_70  : i32 {
        %mul3A_74 = arith.constant 16 : i32
        %mul3A_75 = arith.muli %scan3A_73, %mul3A_74 : i32
        %add3A_76 = arith.constant 0 : i32
        %add3A_77 = arith.addi %add3A_76, %mul3A_75 : i32
        %get3A = arith.index_cast %add3A_77 : i32 to index
        %get3A_78 = tpu.vector_load %arg10[%get3A] {strides = array<i32>} : memref<64xf32, #tpu.memory_space<vmem>>, vector<16xf32>,
        %get3A_79 = arith.index_cast %add3A_77 : i32 to index
        %get3A_80 = tpu.vector_load %arg11[%get3A_79] {strides = array<i32>} : memref<64xf32, #tpu.memory_space<vmem>>, vector<16xf32>,
        %broadcast_in_dim3A_81 = arith.constant 0 : i32
        %broadcast_in_dim3A_82 = vector.broadcast %broadcast_in_dim3A_81 : i32 to vector<16x1xi32>
        %gather3A = vector.shape_cast %broadcast_in_dim3A_82 : vector<16x1xi32> to vector<16xi32>
        %gather3A_83 = tpu.dynamic_gather %get3A_78[%gather3A] in [0] : vector<16xf32>, vector<16xi32> -> vector<16xf32>
        %broadcast_in_dim3A_84 = arith.constant 0 : i32
        %broadcast_in_dim3A_85 = vector.broadcast %broadcast_in_dim3A_84 : i32 to vector<16x1xi32>
        %gather3A_86 = vector.shape_cast %broadcast_in_dim3A_85 : vector<16x1xi32> to vector<16xi32>
        %gather3A_87 = tpu.dynamic_gather %get3A_80[%gather3A_86] in [0] : vector<16xf32>, vector<16xi32> -> vector<16xf32>
        %mul3A_88 = arith.mulf %gather3A_83, %select_n3A : vector<16xf32>
        %mul3A_89 = arith.mulf %gather3A_87, %select_n3A_14 : vector<16xf32>
        %add3A_90 = arith.addf %mul3A_88, %mul3A_89 : vector<16xf32>
        %add3A_91 = arith.constant 0 : i32
        %add3A_92 = arith.addi %add3A_77, %add3A_91 : i32
        %swap3A = arith.index_cast %add3A_92 : i32 to index
        %swap3A_93 = arith.constant 0 : index
        %swap3A_94 = tpu.vector_load %arg12[%swap3A, %swap3A_93] {strides = array<i32>} : memref<64x128xf32, #tpu.memory_space<vmem>>, vector<16xf32>,
        tpu.vector_store %arg12[%swap3A, %swap3A_93], %add3A_90 {strides = array<i32>} : memref<64x128xf32, #tpu.memory_space<vmem>>, vector<16xf32>,
        %broadcast_in_dim3A_95 = arith.constant 1 : i32
        %broadcast_in_dim3A_96 = vector.broadcast %broadcast_in_dim3A_95 : i32 to vector<16x1xi32>
        %gather3A_97 = vector.shape_cast %broadcast_in_dim3A_96 : vector<16x1xi32> to vector<16xi32>
        %gather3A_98 = tpu.dynamic_gather %get3A_78[%gather3A_97] in [0] : vector<16xf32>, vector<16xi32> -> vector<16xf32>
        %broadcast_in_dim3A_99 = arith.constant 1 : i32
        %broadcast_in_dim3A_100 = vector.broadcast %broadcast_in_dim3A_99 : i32 to vector<16x1xi32>
        %gather3A_101 = vector.shape_cast %broadcast_in_dim3A_100 : vector<16x1xi32> to vector<16xi32>
        %gather3A_102 = tpu.dynamic_gather %get3A_80[%gather3A_101] in [0] : vector<16xf32>, vector<16xi32> -> vector<16xf32>
        %mul3A_103 = arith.mulf %gather3A_98, %select_n3A : vector<16xf32>
        %mul3A_104 = arith.mulf %gather3A_102, %select_n3A_14 : vector<16xf32>
        %add3A_105 = arith.addf %mul3A_103, %mul3A_104 : vector<16xf32>
        %add3A_106 = arith.constant 1 : i32
        %add3A_107 = arith.addi %add3A_77, %add3A_106 : i32
        %swap3A_108 = arith.index_cast %add3A_107 : i32 to index
        %swap3A_109 = arith.constant 0 : index
        %swap3A_110 = tpu.vector_load %arg12[%swap3A_108, %swap3A_109] {strides = array<i32>} : memref<64x128xf32, #tpu.memory_space<vmem>>, vector<16xf32>,
        tpu.vector_store %arg12[%swap3A_108, %swap3A_109], %add3A_105 {strides = array<i32>} : memref<64x128xf32, #tpu.memory_space<vmem>>, vector<16xf32>,
        %broadcast_in_dim3A_111 = arith.constant 2 : i32
        %broadcast_in_dim3A_112 = vector.broadcast %broadcast_in_dim3A_111 : i32 to vector<16x1xi32>
        %gather3A_113 = vector.shape_cast %broadcast_in_dim3A_112 : vector<16x1xi32> to vector<16xi32>
        %gather3A_114 = tpu.dynamic_gather %get3A_78[%gather3A_113] in [0] : vector<16xf32>, vector<16xi32> -> vector<16xf32>
        %broadcast_in_dim3A_115 = arith.constant 2 : i32
        %broadcast_in_dim3A_116 = vector.broadcast %broadcast_in_dim3A_115 : i32 to vector<16x1xi32>
        %gather3A_117 = vector.shape_cast %broadcast_in_dim3A_116 : vector<16x1xi32> to vector<16xi32>
        %gather3A_118 = tpu.dynamic_gather %get3A_80[%gather3A_117] in [0] : vector<16xf32>, vector<16xi32> -> vector<16xf32>
        %mul3A_119 = arith.mulf %gather3A_114, %select_n3A : vector<16xf32>
        %mul3A_120 = arith.mulf %gather3A_118, %select_n3A_14 : vector<16xf32>
        %add3A_121 = arith.addf %mul3A_119, %mul3A_120 : vector<16xf32>
        %add3A_122 = arith.constant 2 : i32
        %add3A_123 = arith.addi %add3A_77, %add3A_122 : i32
        %swap3A_124 = arith.index_cast %add3A_123 : i32 to index
        %swap3A_125 = arith.constant 0 : index
        %swap3A_126 = tpu.vector_load %arg12[%swap3A_124, %swap3A_125] {strides = array<i32>} : memref<64x128xf32, #tpu.memory_space<vmem>>, vector<16xf32>,
        tpu.vector_store %arg12[%swap3A_124, %swap3A_125], %add3A_121 {strides = array<i32>} : memref<64x128xf32, #tpu.memory_space<vmem>>, vector<16xf32>,
        %broadcast_in_dim3A_127 = arith.constant 3 : i32
        %broadcast_in_dim3A_128 = vector.broadcast %broadcast_in_dim3A_127 : i32 to vector<16x1xi32>
        %gather3A_129 = vector.shape_cast %broadcast_in_dim3A_128 : vector<16x1xi32> to vector<16xi32>
        %gather3A_130 = tpu.dynamic_gather %get3A_78[%gather3A_129] in [0] : vector<16xf32>, vector<16xi32> -> vector<16xf32>
        %broadcast_in_dim3A_131 = arith.constant 3 : i32
        %broadcast_in_dim3A_132 = vector.broadcast %broadcast_in_dim3A_131 : i32 to vector<16x1xi32>
        %gather3A_133 = vector.shape_cast %broadcast_in_dim3A_132 : vector<16x1xi32> to vector<16xi32>
        %gather3A_134 = tpu.dynamic_gather %get3A_80[%gather3A_133] in [0] : vector<16xf32>, vector<16xi32> -> vector<16xf32>
        %mul3A_135 = arith.mulf %gather3A_130, %select_n3A : vector<16xf32>
        %mul3A_136 = arith.mulf %gather3A_134, %select_n3A_14 : vector<16xf32>
        %add3A_137 = arith.addf %mul3A_135, %mul3A_136 : vector<16xf32>
        %add3A_138 = arith.constant 3 : i32
        %add3A_139 = arith.addi %add3A_77, %add3A_138 : i32
        %swap3A_140 = arith.index_cast %add3A_139 : i32 to index
        %swap3A_141 = arith.constant 0 : index
        %swap3A_142 = tpu.vector_load %arg12[%swap3A_140, %swap3A_141] {strides = array<i32>} : memref<64x128xf32, #tpu.memory_space<vmem>>, vector<16xf32>,
        tpu.vector_store %arg12[%swap3A_140, %swap3A_141], %add3A_137 {strides = array<i32>} : memref<64x128xf32, #tpu.memory_space<vmem>>, vector<16xf32>,
        %broadcast_in_dim3A_143 = arith.constant 4 : i32
        %broadcast_in_dim3A_144 = vector.broadcast %broadcast_in_dim3A_143 : i32 to vector<16x1xi32>
        %gather3A_145 = vector.shape_cast %broadcast_in_dim3A_144 : vector<16x1xi32> to vector<16xi32>
        %gather3A_146 = tpu.dynamic_gather %get3A_78[%gather3A_145] in [0] : vector<16xf32>, vector<16xi32> -> vector<16xf32>
        %broadcast_in_dim3A_147 = arith.constant 4 : i32
        %broadcast_in_dim3A_148 = vector.broadcast %broadcast_in_dim3A_147 : i32 to vector<16x1xi32>
        %gather3A_149 = vector.shape_cast %broadcast_in_dim3A_148 : vector<16x1xi32> to vector<16xi32>
        %gather3A_150 = tpu.dynamic_gather %get3A_80[%gather3A_149] in [0] : vector<16xf32>, vector<16xi32> -> vector<16xf32>
        %mul3A_151 = arith.mulf %gather3A_146, %select_n3A : vector<16xf32>
        %mul3A_152 = arith.mulf %gather3A_150, %select_n3A_14 : vector<16xf32>
        %add3A_153 = arith.addf %mul3A_151, %mul3A_152 : vector<16xf32>
        %add3A_154 = arith.constant 4 : i32
        %add3A_155 = arith.addi %add3A_77, %add3A_154 : i32
        %swap3A_156 = arith.index_cast %add3A_155 : i32 to index
        %swap3A_157 = arith.constant 0 : index
        %swap3A_158 = tpu.vector_load %arg12[%swap3A_156, %swap3A_157] {strides = array<i32>} : memref<64x128xf32, #tpu.memory_space<vmem>>, vector<16xf32>,
        tpu.vector_store %arg12[%swap3A_156, %swap3A_157], %add3A_153 {strides = array<i32>} : memref<64x128xf32, #tpu.memory_space<vmem>>, vector<16xf32>,
        %broadcast_in_dim3A_159 = arith.constant 5 : i32
        %broadcast_in_dim3A_160 = vector.broadcast %broadcast_in_dim3A_159 : i32 to vector<16x1xi32>
        %gather3A_161 = vector.shape_cast %broadcast_in_dim3A_160 : vector<16x1xi32> to vector<16xi32>
        %gather3A_162 = tpu.dynamic_gather %get3A_78[%gather3A_161] in [0] : vector<16xf32>, vector<16xi32> -> vector<16xf32>
        %broadcast_in_dim3A_163 = arith.constant 5 : i32
        %broadcast_in_dim3A_164 = vector.broadcast %broadcast_in_dim3A_163 : i32 to vector<16x1xi32>
        %gather3A_165 = vector.shape_cast %broadcast_in_dim3A_164 : vector<16x1xi32> to vector<16xi32>
        %gather3A_166 = tpu.dynamic_gather %get3A_80[%gather3A_165] in [0] : vector<16xf32>, vector<16xi32> -> vector<16xf32>
        %mul3A_167 = arith.mulf %gather3A_162, %select_n3A : vector<16xf32>
        %mul3A_168 = arith.mulf %gather3A_166, %select_n3A_14 : vector<16xf32>
        %add3A_169 = arith.addf %mul3A_167, %mul3A_168 : vector<16xf32>
        %add3A_170 = arith.constant 5 : i32
        %add3A_171 = arith.addi %add3A_77, %add3A_170 : i32
        %swap3A_172 = arith.index_cast %add3A_171 : i32 to index
        %swap3A_173 = arith.constant 0 : index
        %swap3A_174 = tpu.vector_load %arg12[%swap3A_172, %swap3A_173] {strides = array<i32>} : memref<64x128xf32, #tpu.memory_space<vmem>>, vector<16xf32>,
        tpu.vector_store %arg12[%swap3A_172, %swap3A_173], %add3A_169 {strides = array<i32>} : memref<64x128xf32, #tpu.memory_space<vmem>>, vector<16xf32>,
        %broadcast_in_dim3A_175 = arith.constant 6 : i32
        %broadcast_in_dim3A_176 = vector.broadcast %broadcast_in_dim3A_175 : i32 to vector<16x1xi32>
        %gather3A_177 = vector.shape_cast %broadcast_in_dim3A_176 : vector<16x1xi32> to vector<16xi32>
        %gather3A_178 = tpu.dynamic_gather %get3A_78[%gather3A_177] in [0] : vector<16xf32>, vector<16xi32> -> vector<16xf32>
        %broadcast_in_dim3A_179 = arith.constant 6 : i32
        %broadcast_in_dim3A_180 = vector.broadcast %broadcast_in_dim3A_179 : i32 to vector<16x1xi32>
        %gather3A_181 = vector.shape_cast %broadcast_in_dim3A_180 : vector<16x1xi32> to vector<16xi32>
        %gather3A_182 = tpu.dynamic_gather %get3A_80[%gather3A_181] in [0] : vector<16xf32>, vector<16xi32> -> vector<16xf32>
        %mul3A_183 = arith.mulf %gather3A_178, %select_n3A : vector<16xf32>
        %mul3A_184 = arith.mulf %gather3A_182, %select_n3A_14 : vector<16xf32>
        %add3A_185 = arith.addf %mul3A_183, %mul3A_184 : vector<16xf32>
        %add3A_186 = arith.constant 6 : i32
        %add3A_187 = arith.addi %add3A_77, %add3A_186 : i32
        %swap3A_188 = arith.index_cast %add3A_187 : i32 to index
        %swap3A_189 = arith.constant 0 : index
        %swap3A_190 = tpu.vector_load %arg12[%swap3A_188, %swap3A_189] {strides = array<i32>} : memref<64x128xf32, #tpu.memory_space<vmem>>, vector<16xf32>,
        tpu.vector_store %arg12[%swap3A_188, %swap3A_189], %add3A_185 {strides = array<i32>} : memref<64x128xf32, #tpu.memory_space<vmem>>, vector<16xf32>,
        %broadcast_in_dim3A_191 = arith.constant 7 : i32
        %broadcast_in_dim3A_192 = vector.broadcast %broadcast_in_dim3A_191 : i32 to vector<16x1xi32>
        %gather3A_193 = vector.shape_cast %broadcast_in_dim3A_192 : vector<16x1xi32> to vector<16xi32>
        %gather3A_194 = tpu.dynamic_gather %get3A_78[%gather3A_193] in [0] : vector<16xf32>, vector<16xi32> -> vector<16xf32>
        %broadcast_in_dim3A_195 = arith.constant 7 : i32
        %broadcast_in_dim3A_196 = vector.broadcast %broadcast_in_dim3A_195 : i32 to vector<16x1xi32>
        %gather3A_197 = vector.shape_cast %broadcast_in_dim3A_196 : vector<16x1xi32> to vector<16xi32>
        %gather3A_198 = tpu.dynamic_gather %get3A_80[%gather3A_197] in [0] : vector<16xf32>, vector<16xi32> -> vector<16xf32>
        %mul3A_199 = arith.mulf %gather3A_194, %select_n3A : vector<16xf32>
        %mul3A_200 = arith.mulf %gather3A_198, %select_n3A_14 : vector<16xf32>
        %add3A_201 = arith.addf %mul3A_199, %mul3A_200 : vector<16xf32>
        %add3A_202 = arith.constant 7 : i32
        %add3A_203 = arith.addi %add3A_77, %add3A_202 : i32
        %swap3A_204 = arith.index_cast %add3A_203 : i32 to index
        %swap3A_205 = arith.constant 0 : index
        %swap3A_206 = tpu.vector_load %arg12[%swap3A_204, %swap3A_205] {strides = array<i32>} : memref<64x128xf32, #tpu.memory_space<vmem>>, vector<16xf32>,
        tpu.vector_store %arg12[%swap3A_204, %swap3A_205], %add3A_201 {strides = array<i32>} : memref<64x128xf32, #tpu.memory_space<vmem>>, vector<16xf32>,
        %broadcast_in_dim3A_207 = arith.constant 8 : i32
        %broadcast_in_dim3A_208 = vector.broadcast %broadcast_in_dim3A_207 : i32 to vector<16x1xi32>
        %gather3A_209 = vector.shape_cast %broadcast_in_dim3A_208 : vector<16x1xi32> to vector<16xi32>
        %gather3A_210 = tpu.dynamic_gather %get3A_78[%gather3A_209] in [0] : vector<16xf32>, vector<16xi32> -> vector<16xf32>
        %broadcast_in_dim3A_211 = arith.constant 8 : i32
        %broadcast_in_dim3A_212 = vector.broadcast %broadcast_in_dim3A_211 : i32 to vector<16x1xi32>
        %gather3A_213 = vector.shape_cast %broadcast_in_dim3A_212 : vector<16x1xi32> to vector<16xi32>
        %gather3A_214 = tpu.dynamic_gather %get3A_80[%gather3A_213] in [0] : vector<16xf32>, vector<16xi32> -> vector<16xf32>
        %mul3A_215 = arith.mulf %gather3A_210, %select_n3A : vector<16xf32>
        %mul3A_216 = arith.mulf %gather3A_214, %select_n3A_14 : vector<16xf32>
        %add3A_217 = arith.addf %mul3A_215, %mul3A_216 : vector<16xf32>
        %add3A_218 = arith.constant 8 : i32
        %add3A_219 = arith.addi %add3A_77, %add3A_218 : i32
        %swap3A_220 = arith.index_cast %add3A_219 : i32 to index
        %swap3A_221 = arith.constant 0 : index
        %swap3A_222 = tpu.vector_load %arg12[%swap3A_220, %swap3A_221] {strides = array<i32>} : memref<64x128xf32, #tpu.memory_space<vmem>>, vector<16xf32>,
        tpu.vector_store %arg12[%swap3A_220, %swap3A_221], %add3A_217 {strides = array<i32>} : memref<64x128xf32, #tpu.memory_space<vmem>>, vector<16xf32>,
        %broadcast_in_dim3A_223 = arith.constant 9 : i32
        %broadcast_in_dim3A_224 = vector.broadcast %broadcast_in_dim3A_223 : i32 to vector<16x1xi32>
        %gather3A_225 = vector.shape_cast %broadcast_in_dim3A_224 : vector<16x1xi32> to vector<16xi32>
        %gather3A_226 = tpu.dynamic_gather %get3A_78[%gather3A_225] in [0] : vector<16xf32>, vector<16xi32> -> vector<16xf32>
        %broadcast_in_dim3A_227 = arith.constant 9 : i32
        %broadcast_in_dim3A_228 = vector.broadcast %broadcast_in_dim3A_227 : i32 to vector<16x1xi32>
        %gather3A_229 = vector.shape_cast %broadcast_in_dim3A_228 : vector<16x1xi32> to vector<16xi32>
        %gather3A_230 = tpu.dynamic_gather %get3A_80[%gather3A_229] in [0] : vector<16xf32>, vector<16xi32> -> vector<16xf32>
        %mul3A_231 = arith.mulf %gather3A_226, %select_n3A : vector<16xf32>
        %mul3A_232 = arith.mulf %gather3A_230, %select_n3A_14 : vector<16xf32>
        %add3A_233 = arith.addf %mul3A_231, %mul3A_232 : vector<16xf32>
        %add3A_234 = arith.constant 9 : i32
        %add3A_235 = arith.addi %add3A_77, %add3A_234 : i32
        %swap3A_236 = arith.index_cast %add3A_235 : i32 to index
        %swap3A_237 = arith.constant 0 : index
        %swap3A_238 = tpu.vector_load %arg12[%swap3A_236, %swap3A_237] {strides = array<i32>} : memref<64x128xf32, #tpu.memory_space<vmem>>, vector<16xf32>,
        tpu.vector_store %arg12[%swap3A_236, %swap3A_237], %add3A_233 {strides = array<i32>} : memref<64x128xf32, #tpu.memory_space<vmem>>, vector<16xf32>,
        %broadcast_in_dim3A_239 = arith.constant 10 : i32
        %broadcast_in_dim3A_240 = vector.broadcast %broadcast_in_dim3A_239 : i32 to vector<16x1xi32>
        %gather3A_241 = vector.shape_cast %broadcast_in_dim3A_240 : vector<16x1xi32> to vector<16xi32>
        %gather3A_242 = tpu.dynamic_gather %get3A_78[%gather3A_241] in [0] : vector<16xf32>, vector<16xi32> -> vector<16xf32>
        %broadcast_in_dim3A_243 = arith.constant 10 : i32
        %broadcast_in_dim3A_244 = vector.broadcast %broadcast_in_dim3A_243 : i32 to vector<16x1xi32>
        %gather3A_245 = vector.shape_cast %broadcast_in_dim3A_244 : vector<16x1xi32> to vector<16xi32>
        %gather3A_246 = tpu.dynamic_gather %get3A_80[%gather3A_245] in [0] : vector<16xf32>, vector<16xi32> -> vector<16xf32>
        %mul3A_247 = arith.mulf %gather3A_242, %select_n3A : vector<16xf32>
        %mul3A_248 = arith.mulf %gather3A_246, %select_n3A_14 : vector<16xf32>
        %add3A_249 = arith.addf %mul3A_247, %mul3A_248 : vector<16xf32>
        %add3A_250 = arith.constant 10 : i32
        %add3A_251 = arith.addi %add3A_77, %add3A_250 : i32
        %swap3A_252 = arith.index_cast %add3A_251 : i32 to index
        %swap3A_253 = arith.constant 0 : index
        %swap3A_254 = tpu.vector_load %arg12[%swap3A_252, %swap3A_253] {strides = array<i32>} : memref<64x128xf32, #tpu.memory_space<vmem>>, vector<16xf32>,
        tpu.vector_store %arg12[%swap3A_252, %swap3A_253], %add3A_249 {strides = array<i32>} : memref<64x128xf32, #tpu.memory_space<vmem>>, vector<16xf32>,
        %broadcast_in_dim3A_255 = arith.constant 11 : i32
        %broadcast_in_dim3A_256 = vector.broadcast %broadcast_in_dim3A_255 : i32 to vector<16x1xi32>
        %gather3A_257 = vector.shape_cast %broadcast_in_dim3A_256 : vector<16x1xi32> to vector<16xi32>
        %gather3A_258 = tpu.dynamic_gather %get3A_78[%gather3A_257] in [0] : vector<16xf32>, vector<16xi32> -> vector<16xf32>
        %broadcast_in_dim3A_259 = arith.constant 11 : i32
        %broadcast_in_dim3A_260 = vector.broadcast %broadcast_in_dim3A_259 : i32 to vector<16x1xi32>
        %gather3A_261 = vector.shape_cast %broadcast_in_dim3A_260 : vector<16x1xi32> to vector<16xi32>
        %gather3A_262 = tpu.dynamic_gather %get3A_80[%gather3A_261] in [0] : vector<16xf32>, vector<16xi32> -> vector<16xf32>
        %mul3A_263 = arith.mulf %gather3A_258, %select_n3A : vector<16xf32>
        %mul3A_264 = arith.mulf %gather3A_262, %select_n3A_14 : vector<16xf32>
        %add3A_265 = arith.addf %mul3A_263, %mul3A_264 : vector<16xf32>
        %add3A_266 = arith.constant 11 : i32
        %add3A_267 = arith.addi %add3A_77, %add3A_266 : i32
        %swap3A_268 = arith.index_cast %add3A_267 : i32 to index
        %swap3A_269 = arith.constant 0 : index
        %swap3A_270 = tpu.vector_load %arg12[%swap3A_268, %swap3A_269] {strides = array<i32>} : memref<64x128xf32, #tpu.memory_space<vmem>>, vector<16xf32>,
        tpu.vector_store %arg12[%swap3A_268, %swap3A_269], %add3A_265 {strides = array<i32>} : memref<64x128xf32, #tpu.memory_space<vmem>>, vector<16xf32>,
        %broadcast_in_dim3A_271 = arith.constant 12 : i32
        %broadcast_in_dim3A_272 = vector.broadcast %broadcast_in_dim3A_271 : i32 to vector<16x1xi32>
        %gather3A_273 = vector.shape_cast %broadcast_in_dim3A_272 : vector<16x1xi32> to vector<16xi32>
        %gather3A_274 = tpu.dynamic_gather %get3A_78[%gather3A_273] in [0] : vector<16xf32>, vector<16xi32> -> vector<16xf32>
        %broadcast_in_dim3A_275 = arith.constant 12 : i32
        %broadcast_in_dim3A_276 = vector.broadcast %broadcast_in_dim3A_275 : i32 to vector<16x1xi32>
        %gather3A_277 = vector.shape_cast %broadcast_in_dim3A_276 : vector<16x1xi32> to vector<16xi32>
        %gather3A_278 = tpu.dynamic_gather %get3A_80[%gather3A_277] in [0] : vector<16xf32>, vector<16xi32> -> vector<16xf32>
        %mul3A_279 = arith.mulf %gather3A_274, %select_n3A : vector<16xf32>
        %mul3A_280 = arith.mulf %gather3A_278, %select_n3A_14 : vector<16xf32>
        %add3A_281 = arith.addf %mul3A_279, %mul3A_280 : vector<16xf32>
        %add3A_282 = arith.constant 12 : i32
        %add3A_283 = arith.addi %add3A_77, %add3A_282 : i32
        %swap3A_284 = arith.index_cast %add3A_283 : i32 to index
        %swap3A_285 = arith.constant 0 : index
        %swap3A_286 = tpu.vector_load %arg12[%swap3A_284, %swap3A_285] {strides = array<i32>} : memref<64x128xf32, #tpu.memory_space<vmem>>, vector<16xf32>,
        tpu.vector_store %arg12[%swap3A_284, %swap3A_285], %add3A_281 {strides = array<i32>} : memref<64x128xf32, #tpu.memory_space<vmem>>, vector<16xf32>,
        %broadcast_in_dim3A_287 = arith.constant 13 : i32
        %broadcast_in_dim3A_288 = vector.broadcast %broadcast_in_dim3A_287 : i32 to vector<16x1xi32>
        %gather3A_289 = vector.shape_cast %broadcast_in_dim3A_288 : vector<16x1xi32> to vector<16xi32>
        %gather3A_290 = tpu.dynamic_gather %get3A_78[%gather3A_289] in [0] : vector<16xf32>, vector<16xi32> -> vector<16xf32>
        %broadcast_in_dim3A_291 = arith.constant 13 : i32
        %broadcast_in_dim3A_292 = vector.broadcast %broadcast_in_dim3A_291 : i32 to vector<16x1xi32>
        %gather3A_293 = vector.shape_cast %broadcast_in_dim3A_292 : vector<16x1xi32> to vector<16xi32>
        %gather3A_294 = tpu.dynamic_gather %get3A_80[%gather3A_293] in [0] : vector<16xf32>, vector<16xi32> -> vector<16xf32>
        %mul3A_295 = arith.mulf %gather3A_290, %select_n3A : vector<16xf32>
        %mul3A_296 = arith.mulf %gather3A_294, %select_n3A_14 : vector<16xf32>
        %add3A_297 = arith.addf %mul3A_295, %mul3A_296 : vector<16xf32>
        %add3A_298 = arith.constant 13 : i32
        %add3A_299 = arith.addi %add3A_77, %add3A_298 : i32
        %swap3A_300 = arith.index_cast %add3A_299 : i32 to index
        %swap3A_301 = arith.constant 0 : index
        %swap3A_302 = tpu.vector_load %arg12[%swap3A_300, %swap3A_301] {strides = array<i32>} : memref<64x128xf32, #tpu.memory_space<vmem>>, vector<16xf32>,
        tpu.vector_store %arg12[%swap3A_300, %swap3A_301], %add3A_297 {strides = array<i32>} : memref<64x128xf32, #tpu.memory_space<vmem>>, vector<16xf32>,
        %broadcast_in_dim3A_303 = arith.constant 14 : i32
        %broadcast_in_dim3A_304 = vector.broadcast %broadcast_in_dim3A_303 : i32 to vector<16x1xi32>
        %gather3A_305 = vector.shape_cast %broadcast_in_dim3A_304 : vector<16x1xi32> to vector<16xi32>
        %gather3A_306 = tpu.dynamic_gather %get3A_78[%gather3A_305] in [0] : vector<16xf32>, vector<16xi32> -> vector<16xf32>
        %broadcast_in_dim3A_307 = arith.constant 14 : i32
        %broadcast_in_dim3A_308 = vector.broadcast %broadcast_in_dim3A_307 : i32 to vector<16x1xi32>
        %gather3A_309 = vector.shape_cast %broadcast_in_dim3A_308 : vector<16x1xi32> to vector<16xi32>
        %gather3A_310 = tpu.dynamic_gather %get3A_80[%gather3A_309] in [0] : vector<16xf32>, vector<16xi32> -> vector<16xf32>
        %mul3A_311 = arith.mulf %gather3A_306, %select_n3A : vector<16xf32>
        %mul3A_312 = arith.mulf %gather3A_310, %select_n3A_14 : vector<16xf32>
        %add3A_313 = arith.addf %mul3A_311, %mul3A_312 : vector<16xf32>
        %add3A_314 = arith.constant 14 : i32
        %add3A_315 = arith.addi %add3A_77, %add3A_314 : i32
        %swap3A_316 = arith.index_cast %add3A_315 : i32 to index
        %swap3A_317 = arith.constant 0 : index
        %swap3A_318 = tpu.vector_load %arg12[%swap3A_316, %swap3A_317] {strides = array<i32>} : memref<64x128xf32, #tpu.memory_space<vmem>>, vector<16xf32>,
        tpu.vector_store %arg12[%swap3A_316, %swap3A_317], %add3A_313 {strides = array<i32>} : memref<64x128xf32, #tpu.memory_space<vmem>>, vector<16xf32>,
        %broadcast_in_dim3A_319 = arith.constant 15 : i32
        %broadcast_in_dim3A_320 = vector.broadcast %broadcast_in_dim3A_319 : i32 to vector<16x1xi32>
        %gather3A_321 = vector.shape_cast %broadcast_in_dim3A_320 : vector<16x1xi32> to vector<16xi32>
        %gather3A_322 = tpu.dynamic_gather %get3A_78[%gather3A_321] in [0] : vector<16xf32>, vector<16xi32> -> vector<16xf32>
        %broadcast_in_dim3A_323 = arith.constant 15 : i32
        %broadcast_in_dim3A_324 = vector.broadcast %broadcast_in_dim3A_323 : i32 to vector<16x1xi32>
        %gather3A_325 = vector.shape_cast %broadcast_in_dim3A_324 : vector<16x1xi32> to vector<16xi32>
        %gather3A_326 = tpu.dynamic_gather %get3A_80[%gather3A_325] in [0] : vector<16xf32>, vector<16xi32> -> vector<16xf32>
        %mul3A_327 = arith.mulf %gather3A_322, %select_n3A : vector<16xf32>
        %mul3A_328 = arith.mulf %gather3A_326, %select_n3A_14 : vector<16xf32>
        %add3A_329 = arith.addf %mul3A_327, %mul3A_328 : vector<16xf32>
        %add3A_330 = arith.constant 15 : i32
        %add3A_331 = arith.addi %add3A_77, %add3A_330 : i32
        %swap3A_332 = arith.index_cast %add3A_331 : i32 to index
        %swap3A_333 = arith.constant 0 : index
        %swap3A_334 = tpu.vector_load %arg12[%swap3A_332, %swap3A_333] {strides = array<i32>} : memref<64x128xf32, #tpu.memory_space<vmem>>, vector<16xf32>,
        tpu.vector_store %arg12[%swap3A_332, %swap3A_333], %add3A_329 {strides = array<i32>} : memref<64x128xf32, #tpu.memory_space<vmem>>, vector<16xf32>,
      }
      %scan3A_71 = arith.constant 4 : i32
      %run_scoped3A_72 = arith.constant 0 : i32
      "tpu.region"() ({
        %run_scoped3A_73 = tpu.sem_alloc : memref<!tpu.dma_semaphore, #tpu.memory_space<semaphore_mem>>
        %dma_start3A = arith.constant 0 : i32
        %dma_start3A_74 = tpu.memref_slice %arg13[%run_scoped3A_72, %dma_start3A] : memref<1x64xi32, #tpu.memory_space<vmem>> -> memref<1x64xi32, #tpu.memory_space<vmem>>
        %dma_start3A_75 = tpu.memref_squeeze %dma_start3A_74 : memref<1x64xi32, #tpu.memory_space<vmem>> -> memref<64xi32, #tpu.memory_space<vmem>>
        %dma_start3A_76 = arith.constant 0 : i32
        %dma_start3A_77 = arith.constant 0 : i32
        %dma_start3A_78 = tpu.memref_slice %arg14[%dma_start3A_76, %dma_start3A_77] : memref<10240x128xf32, #tpu.memory_space<vmem_shared>> -> memref<10240x128xf32, #tpu.memory_space<vmem_shared>>
        tpu.enqueue_indirect_dma source(%arg12 : memref<64x128xf32, #tpu.memory_space<vmem>>) target(%dma_start3A_78 : memref<10240x128xf32, #tpu.memory_space<vmem_shared>>) offsets(%dma_start3A_75 : memref<64xi32, #tpu.memory_space<vmem>>) semaphore(%run_scoped3A_73 : memref<!tpu.dma_semaphore, #tpu.memory_space<semaphore_mem>>) {add = true}
        %dma_wait3A = arith.constant 0 : i32
        %dma_wait3A_79 = tpu.memref_slice %arg13[%run_scoped3A_72, %dma_wait3A] : memref<1x64xi32, #tpu.memory_space<vmem>> -> memref<1x64xi32, #tpu.memory_space<vmem>>
        %dma_wait3A_80 = tpu.memref_squeeze %dma_wait3A_79 : memref<1x64xi32, #tpu.memory_space<vmem>> -> memref<64xi32, #tpu.memory_space<vmem>>
        %dma_wait3A_81 = arith.constant 0 : i32
        %dma_wait3A_82 = arith.constant 0 : i32
        %dma_wait3A_83 = tpu.memref_slice %arg14[%dma_wait3A_81, %dma_wait3A_82] : memref<10240x128xf32, #tpu.memory_space<vmem_shared>> -> memref<10240x128xf32, #tpu.memory_space<vmem_shared>>
        tpu.wait_indirect_dma semaphore(%run_scoped3A_73 : memref<!tpu.dma_semaphore, #tpu.memory_space<semaphore_mem>>) src(%arg12 : memref<64x128xf32, #tpu.memory_space<vmem>>) dst(%dma_wait3A_83 : memref<10240x128xf32, #tpu.memory_space<vmem_shared>>)
        tpu.yield
      }) : () -> ()
    }
    %scan3A_48 = arith.constant 162 : i32
    %barrier3A_49 = arith.constant 0 : index
    tpu.barrier barrier_id(%barrier3A_49)
    %scan3A_50 = arith.constant 0 : i32
    %scan3A_51 = arith.constant 10 : i32
    %scan3A_52 = arith.addi %scan3A_50, %scan3A_51 : i32
    %scan3A_53 = arith.constant 1 : i32
    scf.for %scan3A_55 = %scan3A_50 to %scan3A_52 step %scan3A_53  : i32 {
      %mul3A_56 = arith.constant 1 : i32
      %mul3A_57 = arith.muli %scan3A_55, %mul3A_56 : i32
      %add3A_58 = arith.constant 0 : i32
      %add3A_59 = arith.addi %add3A_58, %mul3A_57 : i32
      %mul3A_60 = arith.constant 64 : i32
      %mul3A_61 = arith.muli %add3A_59, %mul3A_60 : i32
      %add3A_62 = arith.addi %mul3A_2, %mul3A_61 : i32
      "tpu.region"() ({
        %run_scoped3A = tpu.sem_alloc : memref<!tpu.dma_semaphore, #tpu.memory_space<semaphore_mem>>
        %dma_start3A = arith.constant 0 : i32
        %dma_start3A_63 = tpu.memref_slice %arg8[%arg0, %add3A_62, %dma_start3A] : memref<2x10240x128xf32, #tpu.memory_space<hbm>> -> memref<1x64x128xf32, #tpu.memory_space<hbm>>
        %dma_start3A_64 = tpu.memref_squeeze %dma_start3A_63 : memref<1x64x128xf32, #tpu.memory_space<hbm>> -> memref<64x128xf32, #tpu.memory_space<hbm>>
        %dma_start3A_65 = arith.constant 0 : i32
        %dma_start3A_66 = tpu.memref_slice %arg14[%add3A_62, %dma_start3A_65] : memref<10240x128xf32, #tpu.memory_space<vmem_shared>> -> memref<64x128xf32, #tpu.memory_space<vmem_shared>>
        tpu.enqueue_dma source(%dma_start3A_66 : memref<64x128xf32, #tpu.memory_space<vmem_shared>>) target(%dma_start3A_64 : memref<64x128xf32, #tpu.memory_space<hbm>>) target_semaphore(%run_scoped3A : memref<!tpu.dma_semaphore, #tpu.memory_space<semaphore_mem>>)
        %dma_wait3A = arith.constant 0 : i32
        %dma_wait3A_67 = tpu.memref_slice %arg8[%arg0, %add3A_62, %dma_wait3A] : memref<2x10240x128xf32, #tpu.memory_space<hbm>> -> memref<1x64x128xf32, #tpu.memory_space<hbm>>
        %dma_wait3A_68 = tpu.memref_squeeze %dma_wait3A_67 : memref<1x64x128xf32, #tpu.memory_space<hbm>> -> memref<64x128xf32, #tpu.memory_space<hbm>>
        %dma_wait3A_69 = arith.constant 0 : i32
        %dma_wait3A_70 = tpu.memref_slice %arg14[%add3A_62, %dma_wait3A_69] : memref<10240x128xf32, #tpu.memory_space<vmem_shared>> -> memref<64x128xf32, #tpu.memory_space<vmem_shared>>
        tpu.wait_dma2 semaphore(%run_scoped3A : memref<!tpu.dma_semaphore, #tpu.memory_space<semaphore_mem>>) src(%dma_wait3A_70 : memref<64x128xf32, #tpu.memory_space<vmem_shared>>) dst(%dma_wait3A_68 : memref<64x128xf32, #tpu.memory_space<hbm>>)
        tpu.yield
      }) : () -> ()
    }
    %scan3A_54 = arith.constant 10 : i32
    return
  }
}

#map = affine_map<(d0, d1) -> (0)>
#map1 = affine_map<(d0, d1) -> (0, 0)>
module attributes {stable_mosaic.version = 14 : i64} {
  func.func @_wcalc_body(%arg0: i32, %arg1: i32, %arg2: memref<331776xi32, #tpu.memory_space<hbm>>, %arg3: memref<331776xi32, #tpu.memory_space<hbm>>, %arg4: memref<20000xf32, #tpu.memory_space<hbm>>, %arg5: memref<20000xf32, #tpu.memory_space<hbm>>, %arg6: memref<2x331776xf32, #tpu.memory_space<hbm>>, %arg7: memref<20000xf32, #tpu.memory_space<vmem>>, %arg8: memref<20000xf32, #tpu.memory_space<vmem>>, %arg9: memref<64xi32, #tpu.memory_space<vmem>>, %arg10: memref<64xi32, #tpu.memory_space<vmem>>, %arg11: memref<64xf32, #tpu.memory_space<vmem>>, %arg12: memref<64xf32, #tpu.memory_space<vmem>>) attributes {dimension_semantics = [#tpu.dimension_semantics<core_parallel>, #tpu.dimension_semantics<subcore_parallel>], iteration_bounds = array<i64: 2, 16>, scalar_prefetch = 0 : i64, scratch_operands = 6 : i64, tpu.core_type = #tpu.core_type<sc_vector_subcore>, window_params = [{transform_indices = #map}, {transform_indices = #map}, {transform_indices = #map}, {transform_indices = #map}, {transform_indices = #map1}]} {
    %mul3A = arith.constant 16 : i32
    %mul3A_0 = arith.muli %arg0, %mul3A : i32
    %add3A = arith.addi %mul3A_0, %arg1 : i32
    "tpu.region"() ({
      %run_scoped3A = tpu.sem_alloc : memref<!tpu.dma_semaphore, #tpu.memory_space<semaphore_mem>>
      tpu.enqueue_dma source(%arg4 : memref<20000xf32, #tpu.memory_space<hbm>>) target(%arg7 : memref<20000xf32, #tpu.memory_space<vmem>>) target_semaphore(%run_scoped3A : memref<!tpu.dma_semaphore, #tpu.memory_space<semaphore_mem>>)
      tpu.wait_dma2 semaphore(%run_scoped3A : memref<!tpu.dma_semaphore, #tpu.memory_space<semaphore_mem>>) src(%arg4 : memref<20000xf32, #tpu.memory_space<hbm>>) dst(%arg7 : memref<20000xf32, #tpu.memory_space<vmem>>)
      tpu.yield
    }) : () -> ()
    "tpu.region"() ({
      %run_scoped3A = tpu.sem_alloc : memref<!tpu.dma_semaphore, #tpu.memory_space<semaphore_mem>>
      tpu.enqueue_dma source(%arg5 : memref<20000xf32, #tpu.memory_space<hbm>>) target(%arg8 : memref<20000xf32, #tpu.memory_space<vmem>>) target_semaphore(%run_scoped3A : memref<!tpu.dma_semaphore, #tpu.memory_space<semaphore_mem>>)
      tpu.wait_dma2 semaphore(%run_scoped3A : memref<!tpu.dma_semaphore, #tpu.memory_space<semaphore_mem>>) src(%arg5 : memref<20000xf32, #tpu.memory_space<hbm>>) dst(%arg8 : memref<20000xf32, #tpu.memory_space<vmem>>)
      tpu.yield
    }) : () -> ()
    %scan3A = arith.constant 0 : i32
    %scan3A_1 = arith.constant 162 : i32
    %scan3A_2 = arith.addi %scan3A, %scan3A_1 : i32
    %scan3A_3 = arith.constant 1 : i32
    scf.for %scan3A_5 = %scan3A to %scan3A_2 step %scan3A_3  : i32 {
      %mul3A_6 = arith.constant 1 : i32
      %mul3A_7 = arith.muli %scan3A_5, %mul3A_6 : i32
      %add3A_8 = arith.constant 0 : i32
      %add3A_9 = arith.addi %add3A_8, %mul3A_7 : i32
      %mul3A_10 = arith.constant 10368 : i32
      %mul3A_11 = arith.muli %add3A, %mul3A_10 : i32
      %mul3A_12 = arith.constant 64 : i32
      %mul3A_13 = arith.muli %add3A_9, %mul3A_12 : i32
      %add3A_14 = arith.addi %mul3A_11, %mul3A_13 : i32
      "tpu.region"() ({
        %run_scoped3A_21 = tpu.sem_alloc : memref<!tpu.dma_semaphore, #tpu.memory_space<semaphore_mem>>
        %dma_start3A = tpu.memref_slice %arg2[%add3A_14] : memref<331776xi32, #tpu.memory_space<hbm>> -> memref<64xi32, #tpu.memory_space<hbm>>
        %dma_start3A_22 = tpu.memref_slice %arg2[%add3A_14] : memref<331776xi32, #tpu.memory_space<hbm>> -> memref<64xi32, #tpu.memory_space<hbm>>
        tpu.enqueue_dma source(%dma_start3A_22 : memref<64xi32, #tpu.memory_space<hbm>>) target(%arg9 : memref<64xi32, #tpu.memory_space<vmem>>) target_semaphore(%run_scoped3A_21 : memref<!tpu.dma_semaphore, #tpu.memory_space<semaphore_mem>>)
        %dma_wait3A = tpu.memref_slice %arg2[%add3A_14] : memref<331776xi32, #tpu.memory_space<hbm>> -> memref<64xi32, #tpu.memory_space<hbm>>
        %dma_wait3A_23 = tpu.memref_slice %arg2[%add3A_14] : memref<331776xi32, #tpu.memory_space<hbm>> -> memref<64xi32, #tpu.memory_space<hbm>>
        tpu.wait_dma2 semaphore(%run_scoped3A_21 : memref<!tpu.dma_semaphore, #tpu.memory_space<semaphore_mem>>) src(%dma_wait3A_23 : memref<64xi32, #tpu.memory_space<hbm>>) dst(%arg9 : memref<64xi32, #tpu.memory_space<vmem>>)
        tpu.yield
      }) : () -> ()
      "tpu.region"() ({
        %run_scoped3A_21 = tpu.sem_alloc : memref<!tpu.dma_semaphore, #tpu.memory_space<semaphore_mem>>
        %dma_start3A = tpu.memref_slice %arg3[%add3A_14] : memref<331776xi32, #tpu.memory_space<hbm>> -> memref<64xi32, #tpu.memory_space<hbm>>
        %dma_start3A_22 = tpu.memref_slice %arg3[%add3A_14] : memref<331776xi32, #tpu.memory_space<hbm>> -> memref<64xi32, #tpu.memory_space<hbm>>
        tpu.enqueue_dma source(%dma_start3A_22 : memref<64xi32, #tpu.memory_space<hbm>>) target(%arg10 : memref<64xi32, #tpu.memory_space<vmem>>) target_semaphore(%run_scoped3A_21 : memref<!tpu.dma_semaphore, #tpu.memory_space<semaphore_mem>>)
        %dma_wait3A = tpu.memref_slice %arg3[%add3A_14] : memref<331776xi32, #tpu.memory_space<hbm>> -> memref<64xi32, #tpu.memory_space<hbm>>
        %dma_wait3A_23 = tpu.memref_slice %arg3[%add3A_14] : memref<331776xi32, #tpu.memory_space<hbm>> -> memref<64xi32, #tpu.memory_space<hbm>>
        tpu.wait_dma2 semaphore(%run_scoped3A_21 : memref<!tpu.dma_semaphore, #tpu.memory_space<semaphore_mem>>) src(%dma_wait3A_23 : memref<64xi32, #tpu.memory_space<hbm>>) dst(%arg10 : memref<64xi32, #tpu.memory_space<vmem>>)
        tpu.yield
      }) : () -> ()
      %scan3A_15 = arith.constant 0 : i32
      %scan3A_16 = arith.constant 4 : i32
      %scan3A_17 = arith.addi %scan3A_15, %scan3A_16 : i32
      %scan3A_18 = arith.constant 1 : i32
      scf.for %scan3A_21 = %scan3A_15 to %scan3A_17 step %scan3A_18  : i32 {
        %mul3A_22 = arith.constant 16 : i32
        %mul3A_23 = arith.muli %scan3A_21, %mul3A_22 : i32
        %add3A_24 = arith.constant 0 : i32
        %add3A_25 = arith.addi %add3A_24, %mul3A_23 : i32
        %get3A = arith.index_cast %add3A_25 : i32 to index
        %get3A_26 = tpu.vector_load %arg9[%get3A] {strides = array<i32>} : memref<64xi32, #tpu.memory_space<vmem>>, vector<16xi32>,
        %get3A_27 = arith.index_cast %add3A_25 : i32 to index
        %get3A_28 = tpu.vector_load %arg10[%get3A_27] {strides = array<i32>} : memref<64xi32, #tpu.memory_space<vmem>>, vector<16xi32>,
        %add3A_29 = arith.addi %get3A_26, %get3A_26 : vector<16xi32>
        %add3A_30 = arith.addi %get3A_28, %get3A_28 : vector<16xi32>
        %gather3A = tpu.vector_load_idx %arg7[%add3A_29] : memref<20000xf32, #tpu.memory_space<vmem>>[vector<16xi32>], vector<16xf32>,
        %add3A_31 = arith.constant 1 : i32
        %add3A_32 = vector.broadcast %add3A_31 : i32 to vector<16xi32>
        %add3A_33 = arith.addi %add3A_29, %add3A_32 : vector<16xi32>
        %gather3A_34 = tpu.vector_load_idx %arg7[%add3A_33] : memref<20000xf32, #tpu.memory_space<vmem>>[vector<16xi32>], vector<16xf32>,
        %gather3A_35 = tpu.vector_load_idx %arg8[%add3A_30] : memref<20000xf32, #tpu.memory_space<vmem>>[vector<16xi32>], vector<16xf32>,
        %add3A_36 = arith.constant 1 : i32
        %add3A_37 = vector.broadcast %add3A_36 : i32 to vector<16xi32>
        %add3A_38 = arith.addi %add3A_30, %add3A_37 : vector<16xi32>
        %gather3A_39 = tpu.vector_load_idx %arg8[%add3A_38] : memref<20000xf32, #tpu.memory_space<vmem>>[vector<16xi32>], vector<16xf32>,
        %add3A_40 = arith.addf %gather3A, %gather3A_35 : vector<16xf32>
        %add3A_41 = arith.addf %gather3A_34, %gather3A_39 : vector<16xf32>
        %gt3A = arith.constant 0.000000e+00 : f32
        %gt3A_42 = vector.broadcast %gt3A : f32 to vector<16xf32>
        %gt3A_43 = arith.cmpf ogt, %add3A_40, %gt3A_42 : vector<16xf32>
        %mul3A_44 = arith.constant 2.000000e-01 : f32
        %mul3A_45 = vector.broadcast %mul3A_44 : f32 to vector<16xf32>
        %mul3A_46 = arith.mulf %mul3A_45, %add3A_40 : vector<16xf32>
        %select_n3A = arith.select %gt3A_43, %add3A_40, %mul3A_46 : vector<16xi1>, vector<16xf32>
        %gt3A_47 = arith.constant 0.000000e+00 : f32
        %gt3A_48 = vector.broadcast %gt3A_47 : f32 to vector<16xf32>
        %gt3A_49 = arith.cmpf ogt, %add3A_41, %gt3A_48 : vector<16xf32>
        %mul3A_50 = arith.constant 2.000000e-01 : f32
        %mul3A_51 = vector.broadcast %mul3A_50 : f32 to vector<16xf32>
        %mul3A_52 = arith.mulf %mul3A_51, %add3A_41 : vector<16xf32>
        %select_n3A_53 = arith.select %gt3A_49, %add3A_41, %mul3A_52 : vector<16xi1>, vector<16xf32>
        %exp3A = math.exp %select_n3A : vector<16xf32>
        %swap3A = arith.index_cast %add3A_25 : i32 to index
        %swap3A_54 = tpu.vector_load %arg11[%swap3A] {strides = array<i32>} : memref<64xf32, #tpu.memory_space<vmem>>, vector<16xf32>,
        tpu.vector_store %arg11[%swap3A], %exp3A {strides = array<i32>} : memref<64xf32, #tpu.memory_space<vmem>>, vector<16xf32>,
        %exp3A_55 = math.exp %select_n3A_53 : vector<16xf32>
        %swap3A_56 = arith.index_cast %add3A_25 : i32 to index
        %swap3A_57 = tpu.vector_load %arg12[%swap3A_56] {strides = array<i32>} : memref<64xf32, #tpu.memory_space<vmem>>, vector<16xf32>,
        tpu.vector_store %arg12[%swap3A_56], %exp3A_55 {strides = array<i32>} : memref<64xf32, #tpu.memory_space<vmem>>, vector<16xf32>,
      }
      %scan3A_19 = arith.constant 4 : i32
      %run_scoped3A = arith.constant 0 : i32
      "tpu.region"() ({
        %run_scoped3A_21 = tpu.sem_alloc : memref<!tpu.dma_semaphore, #tpu.memory_space<semaphore_mem>>
        %dma_start3A = tpu.memref_slice %arg6[%run_scoped3A, %add3A_14] : memref<2x331776xf32, #tpu.memory_space<hbm>> -> memref<1x64xf32, #tpu.memory_space<hbm>>
        %dma_start3A_22 = tpu.memref_squeeze %dma_start3A : memref<1x64xf32, #tpu.memory_space<hbm>> -> memref<64xf32, #tpu.memory_space<hbm>>
        %dma_start3A_23 = tpu.memref_slice %arg6[%run_scoped3A, %add3A_14] : memref<2x331776xf32, #tpu.memory_space<hbm>> -> memref<1x64xf32, #tpu.memory_space<hbm>>
        %dma_start3A_24 = tpu.memref_squeeze %dma_start3A_23 : memref<1x64xf32, #tpu.memory_space<hbm>> -> memref<64xf32, #tpu.memory_space<hbm>>
        tpu.enqueue_dma source(%arg11 : memref<64xf32, #tpu.memory_space<vmem>>) target(%dma_start3A_24 : memref<64xf32, #tpu.memory_space<hbm>>) target_semaphore(%run_scoped3A_21 : memref<!tpu.dma_semaphore, #tpu.memory_space<semaphore_mem>>)
        %dma_wait3A = tpu.memref_slice %arg6[%run_scoped3A, %add3A_14] : memref<2x331776xf32, #tpu.memory_space<hbm>> -> memref<1x64xf32, #tpu.memory_space<hbm>>
        %dma_wait3A_25 = tpu.memref_squeeze %dma_wait3A : memref<1x64xf32, #tpu.memory_space<hbm>> -> memref<64xf32, #tpu.memory_space<hbm>>
        %dma_wait3A_26 = tpu.memref_slice %arg6[%run_scoped3A, %add3A_14] : memref<2x331776xf32, #tpu.memory_space<hbm>> -> memref<1x64xf32, #tpu.memory_space<hbm>>
        %dma_wait3A_27 = tpu.memref_squeeze %dma_wait3A_26 : memref<1x64xf32, #tpu.memory_space<hbm>> -> memref<64xf32, #tpu.memory_space<hbm>>
        tpu.wait_dma2 semaphore(%run_scoped3A_21 : memref<!tpu.dma_semaphore, #tpu.memory_space<semaphore_mem>>) src(%arg11 : memref<64xf32, #tpu.memory_space<vmem>>) dst(%dma_wait3A_27 : memref<64xf32, #tpu.memory_space<hbm>>)
        tpu.yield
      }) : () -> ()
      %run_scoped3A_20 = arith.constant 1 : i32
      "tpu.region"() ({
        %run_scoped3A_21 = tpu.sem_alloc : memref<!tpu.dma_semaphore, #tpu.memory_space<semaphore_mem>>
        %dma_start3A = tpu.memref_slice %arg6[%run_scoped3A_20, %add3A_14] : memref<2x331776xf32, #tpu.memory_space<hbm>> -> memref<1x64xf32, #tpu.memory_space<hbm>>
        %dma_start3A_22 = tpu.memref_squeeze %dma_start3A : memref<1x64xf32, #tpu.memory_space<hbm>> -> memref<64xf32, #tpu.memory_space<hbm>>
        %dma_start3A_23 = tpu.memref_slice %arg6[%run_scoped3A_20, %add3A_14] : memref<2x331776xf32, #tpu.memory_space<hbm>> -> memref<1x64xf32, #tpu.memory_space<hbm>>
        %dma_start3A_24 = tpu.memref_squeeze %dma_start3A_23 : memref<1x64xf32, #tpu.memory_space<hbm>> -> memref<64xf32, #tpu.memory_space<hbm>>
        tpu.enqueue_dma source(%arg12 : memref<64xf32, #tpu.memory_space<vmem>>) target(%dma_start3A_24 : memref<64xf32, #tpu.memory_space<hbm>>) target_semaphore(%run_scoped3A_21 : memref<!tpu.dma_semaphore, #tpu.memory_space<semaphore_mem>>)
        %dma_wait3A = tpu.memref_slice %arg6[%run_scoped3A_20, %add3A_14] : memref<2x331776xf32, #tpu.memory_space<hbm>> -> memref<1x64xf32, #tpu.memory_space<hbm>>
        %dma_wait3A_25 = tpu.memref_squeeze %dma_wait3A : memref<1x64xf32, #tpu.memory_space<hbm>> -> memref<64xf32, #tpu.memory_space<hbm>>
        %dma_wait3A_26 = tpu.memref_slice %arg6[%run_scoped3A_20, %add3A_14] : memref<2x331776xf32, #tpu.memory_space<hbm>> -> memref<1x64xf32, #tpu.memory_space<hbm>>
        %dma_wait3A_27 = tpu.memref_squeeze %dma_wait3A_26 : memref<1x64xf32, #tpu.memory_space<hbm>> -> memref<64xf32, #tpu.memory_space<hbm>>
        tpu.wait_dma2 semaphore(%run_scoped3A_21 : memref<!tpu.dma_semaphore, #tpu.memory_space<semaphore_mem>>) src(%arg12 : memref<64xf32, #tpu.memory_space<vmem>>) dst(%dma_wait3A_27 : memref<64xf32, #tpu.memory_space<hbm>>)
        tpu.yield
      }) : () -> ()
    }
    %scan3A_4 = arith.constant 162 : i32
    return
  }
}

module attributes {stable_mosaic.version = 14 : i64} {
  func.func @_prologue_body(%arg0: i32, %arg1: memref<2000x128xf32, #tpu.memory_space<vmem>>, %arg2: memref<128xf32, #tpu.memory_space<vmem>>, %arg3: memref<128xf32, #tpu.memory_space<vmem>>, %arg4: memref<128x128xf32, #tpu.memory_space<vmem>>, %arg5: memref<128xf32, #tpu.memory_space<vmem>>, %arg6: memref<128x128xf32, #tpu.memory_space<vmem>>, %arg7: memref<1x2x64xf32, #tpu.memory_space<vmem>>, %arg8: memref<1x2x64xf32, #tpu.memory_space<vmem>>, %arg9: memref<2000x128xf32, #tpu.memory_space<vmem>>, %arg10: memref<2000x128xf32, #tpu.memory_space<vmem>>, %arg11: memref<2000x4xf32, #tpu.memory_space<vmem>>) attributes {dimension_semantics = [#tpu.dimension_semantics<arbitrary>], iteration_bounds = array<i64: 5>, scalar_prefetch = 0 : i64, scratch_operands = 0 : i64, tpu.core_type = #tpu.core_type<tc>, window_params = [{transform_indices = @transform_0, window_bounds = array<i64: 2000, 128>}, {pipeline_mode = #tpu.pipeline_mode<synchronous>, transform_indices = @transform_1, window_bounds = array<i64: 128>}, {pipeline_mode = #tpu.pipeline_mode<synchronous>, transform_indices = @transform_2, window_bounds = array<i64: 128>}, {pipeline_mode = #tpu.pipeline_mode<synchronous>, transform_indices = @transform_3, window_bounds = array<i64: 128, 128>}, {pipeline_mode = #tpu.pipeline_mode<synchronous>, transform_indices = @transform_4, window_bounds = array<i64: 128>}, {pipeline_mode = #tpu.pipeline_mode<synchronous>, transform_indices = @transform_5, window_bounds = array<i64: 128, 128>}, {pipeline_mode = #tpu.pipeline_mode<synchronous>, transform_indices = @transform_6, window_bounds = array<i64: 1, 2, 64>}, {pipeline_mode = #tpu.pipeline_mode<synchronous>, transform_indices = @transform_7, window_bounds = array<i64: 1, 2, 64>}, {transform_indices = @transform_8, window_bounds = array<i64: 2000, 128>}, {transform_indices = @transform_9, window_bounds = array<i64: 2000, 128>}, {transform_indices = @transform_10, window_bounds = array<i64: 2000, 4>}]} {
    %get3A = arith.constant 0 : index
    %get3A_0 = arith.constant 0 : index
    %get3A_1 = vector.load %arg1[%get3A, %get3A_0] : memref<2000x128xf32, #tpu.memory_space<vmem>>, vector<2000x128xf32>
    %get3A_2 = arith.constant 0 : index
    %get3A_3 = arith.constant 0 : index
    %get3A_4 = vector.load %arg4[%get3A_2, %get3A_3] : memref<128x128xf32, #tpu.memory_space<vmem>>, vector<128x128xf32>
    %dot_general3A = arith.constant dense<0.000000e+00> : vector<2000x128xf32>
    %dot_general3A_5 = tpu.matmul %get3A_1, %get3A_4, %dot_general3A {dimension_numbers = #tpu.dot_dimension_numbers<[1], [0], [0], [1], [0, 0, 1, 1], [], []>, transpose_lhs_hint = false} : vector<2000x128xf32>, vector<128x128xf32>, vector<2000x128xf32> -> vector<2000x128xf32>
    %get3A_6 = arith.constant 0 : index
    %get3A_7 = vector.load %arg5[%get3A_6] : memref<128xf32, #tpu.memory_space<vmem>>, vector<128xf32>
    %broadcast_in_dim3A = vector.shape_cast %get3A_7 : vector<128xf32> to vector<1x128xf32>
    %add3A = vector.broadcast %broadcast_in_dim3A : vector<1x128xf32> to vector<2000x128xf32>
    %add3A_8 = arith.addf %dot_general3A_5, %add3A : vector<2000x128xf32>
    %swap3A = arith.constant 0 : index
    %swap3A_9 = arith.constant 0 : index
    %swap3A_10 = vector.load %arg9[%swap3A, %swap3A_9] : memref<2000x128xf32, #tpu.memory_space<vmem>>, vector<2000x128xf32>
    tpu.vector_store %arg9[%swap3A, %swap3A_9], %add3A_8 {strides = array<i32>} : memref<2000x128xf32, #tpu.memory_space<vmem>>, vector<2000x128xf32>,
    %reduce_sum3A = arith.constant dense<0.000000e+00> : vector<2000xf32>
    %reduce_sum3A_11 = vector.multi_reduction <add>, %get3A_1, %reduce_sum3A [1] : vector<2000x128xf32> to vector<2000xf32>
    %broadcast_in_dim3A_12 = vector.shape_cast %reduce_sum3A_11 : vector<2000xf32> to vector<2000x1xf32>
    %div3A = arith.constant 1.280000e+02 : f32
    %div3A_13 = vector.broadcast %div3A : f32 to vector<2000x1xf32>
    %div3A_14 = arith.divf %broadcast_in_dim3A_12, %div3A_13 : vector<2000x1xf32>
    %sub3A = vector.broadcast %div3A_14 : vector<2000x1xf32> to vector<2000x128xf32>
    %sub3A_15 = arith.subf %get3A_1, %sub3A : vector<2000x128xf32>
    %integer_pow3A = arith.mulf %sub3A_15, %sub3A_15 : vector<2000x128xf32>
    %reduce_sum3A_16 = arith.constant dense<0.000000e+00> : vector<2000xf32>
    %reduce_sum3A_17 = vector.multi_reduction <add>, %integer_pow3A, %reduce_sum3A_16 [1] : vector<2000x128xf32> to vector<2000xf32>
    %broadcast_in_dim3A_18 = vector.shape_cast %reduce_sum3A_17 : vector<2000xf32> to vector<2000x1xf32>
    %div3A_19 = arith.constant 1.280000e+02 : f32
    %div3A_20 = vector.broadcast %div3A_19 : f32 to vector<2000x1xf32>
    %div3A_21 = arith.divf %broadcast_in_dim3A_18, %div3A_20 : vector<2000x1xf32>
    %sub3A_22 = vector.broadcast %div3A_14 : vector<2000x1xf32> to vector<2000x128xf32>
    %sub3A_23 = arith.subf %get3A_1, %sub3A_22 : vector<2000x128xf32>
    %add3A_24 = arith.constant 9.99999974E-6 : f32
    %add3A_25 = vector.broadcast %add3A_24 : f32 to vector<2000x1xf32>
    %add3A_26 = arith.addf %div3A_21, %add3A_25 : vector<2000x1xf32>
    %rsqrt3A = math.rsqrt %add3A_26 : vector<2000x1xf32>
    %mul3A = vector.broadcast %rsqrt3A : vector<2000x1xf32> to vector<2000x128xf32>
    %mul3A_27 = arith.mulf %sub3A_23, %mul3A : vector<2000x128xf32>
    %get3A_28 = arith.constant 0 : index
    %get3A_29 = vector.load %arg2[%get3A_28] : memref<128xf32, #tpu.memory_space<vmem>>, vector<128xf32>
    %broadcast_in_dim3A_30 = vector.shape_cast %get3A_29 : vector<128xf32> to vector<1x128xf32>
    %mul3A_31 = vector.broadcast %broadcast_in_dim3A_30 : vector<1x128xf32> to vector<2000x128xf32>
    %mul3A_32 = arith.mulf %mul3A_27, %mul3A_31 : vector<2000x128xf32>
    %get3A_33 = arith.constant 0 : index
    %get3A_34 = vector.load %arg3[%get3A_33] : memref<128xf32, #tpu.memory_space<vmem>>, vector<128xf32>
    %broadcast_in_dim3A_35 = vector.shape_cast %get3A_34 : vector<128xf32> to vector<1x128xf32>
    %add3A_36 = vector.broadcast %broadcast_in_dim3A_35 : vector<1x128xf32> to vector<2000x128xf32>
    %add3A_37 = arith.addf %mul3A_32, %add3A_36 : vector<2000x128xf32>
    %get3A_38 = arith.constant 0 : index
    %get3A_39 = arith.constant 0 : index
    %get3A_40 = vector.load %arg6[%get3A_38, %get3A_39] : memref<128x128xf32, #tpu.memory_space<vmem>>, vector<128x128xf32>
    %dot_general3A_41 = arith.constant dense<0.000000e+00> : vector<2000x128xf32>
    %dot_general3A_42 = tpu.matmul %add3A_37, %get3A_40, %dot_general3A_41 {dimension_numbers = #tpu.dot_dimension_numbers<[1], [0], [0], [1], [0, 0, 1, 1], [], []>, transpose_lhs_hint = false} : vector<2000x128xf32>, vector<128x128xf32>, vector<2000x128xf32> -> vector<2000x128xf32>
    %swap3A_43 = arith.constant 0 : index
    %swap3A_44 = arith.constant 0 : index
    %swap3A_45 = vector.load %arg10[%swap3A_43, %swap3A_44] : memref<2000x128xf32, #tpu.memory_space<vmem>>, vector<2000x128xf32>
    tpu.vector_store %arg10[%swap3A_43, %swap3A_44], %dot_general3A_42 {strides = array<i32>} : memref<2000x128xf32, #tpu.memory_space<vmem>>, vector<2000x128xf32>,
    %reshape3A = vector.shape_cast %dot_general3A_42 : vector<2000x128xf32> to vector<2000x2x64xf32>
    %get3A_46 = arith.constant 0 : index
    %get3A_47 = arith.constant 0 : index
    %get3A_48 = arith.constant 0 : index
    %get3A_49 = vector.load %arg7[%get3A_46, %get3A_47, %get3A_48] : memref<1x2x64xf32, #tpu.memory_space<vmem>>, vector<1x2x64xf32>
    %mul3A_50 = vector.broadcast %get3A_49 : vector<1x2x64xf32> to vector<2000x2x64xf32>
    %mul3A_51 = arith.mulf %reshape3A, %mul3A_50 : vector<2000x2x64xf32>
    %reduce_sum3A_52 = arith.constant dense<0.000000e+00> : vector<2000x2xf32>
    %reduce_sum3A_53 = vector.multi_reduction <add>, %mul3A_51, %reduce_sum3A_52 [2] : vector<2000x2x64xf32> to vector<2000x2xf32>
    %get3A_54 = arith.constant 0 : index
    %get3A_55 = arith.constant 0 : index
    %get3A_56 = arith.constant 0 : index
    %get3A_57 = vector.load %arg8[%get3A_54, %get3A_55, %get3A_56] : memref<1x2x64xf32, #tpu.memory_space<vmem>>, vector<1x2x64xf32>
    %mul3A_58 = vector.broadcast %get3A_57 : vector<1x2x64xf32> to vector<2000x2x64xf32>
    %mul3A_59 = arith.mulf %reshape3A, %mul3A_58 : vector<2000x2x64xf32>
    %reduce_sum3A_60 = arith.constant dense<0.000000e+00> : vector<2000x2xf32>
    %reduce_sum3A_61 = vector.multi_reduction <add>, %mul3A_59, %reduce_sum3A_60 [2] : vector<2000x2x64xf32> to vector<2000x2xf32>
    %concatenate3A = tpu.concatenate %reduce_sum3A_53, %reduce_sum3A_61 in 1 : vector<2000x2xf32>, vector<2000x2xf32> -> vector<2000x4xf32>
    %swap3A_62 = arith.constant 0 : index
    %swap3A_63 = arith.constant 0 : index
    %swap3A_64 = vector.load %arg11[%swap3A_62, %swap3A_63] : memref<2000x4xf32, #tpu.memory_space<vmem>>, vector<2000x4xf32>
    tpu.vector_store %arg11[%swap3A_62, %swap3A_63], %concatenate3A {strides = array<i32>} : memref<2000x4xf32, #tpu.memory_space<vmem>>, vector<2000x4xf32>,
    return
  }
  func.func @transform_0(%arg0: i32) -> (i32, i32) {
    %c0_i32 = arith.constant 0 : i32
    %c0_i32_0 = arith.constant 0 : i32
    return %arg0, %c0_i32 : i32, i32
  }
  func.func @transform_1(%arg0: i32) -> i32 {
    %c0_i32 = arith.constant 0 : i32
    %c0_i32_0 = arith.constant 0 : i32
    return %c0_i32 : i32
  }
  func.func @transform_2(%arg0: i32) -> i32 {
    %c0_i32 = arith.constant 0 : i32
    %c0_i32_0 = arith.constant 0 : i32
    return %c0_i32 : i32
  }
  func.func @transform_3(%arg0: i32) -> (i32, i32) {
    %c0_i32 = arith.constant 0 : i32
    %c0_i32_0 = arith.constant 0 : i32
    %c0_i32_1 = arith.constant 0 : i32
    return %c0_i32, %c0_i32_0 : i32, i32
  }
  func.func @transform_4(%arg0: i32) -> i32 {
    %c0_i32 = arith.constant 0 : i32
    %c0_i32_0 = arith.constant 0 : i32
    return %c0_i32 : i32
  }
  func.func @transform_5(%arg0: i32) -> (i32, i32) {
    %c0_i32 = arith.constant 0 : i32
    %c0_i32_0 = arith.constant 0 : i32
    %c0_i32_1 = arith.constant 0 : i32
    return %c0_i32, %c0_i32_0 : i32, i32
  }
  func.func @transform_6(%arg0: i32) -> (i32, i32, i32) {
    %c0_i32 = arith.constant 0 : i32
    %c0_i32_0 = arith.constant 0 : i32
    %c0_i32_1 = arith.constant 0 : i32
    %c0_i32_2 = arith.constant 0 : i32
    return %c0_i32, %c0_i32_0, %c0_i32_1 : i32, i32, i32
  }
  func.func @transform_7(%arg0: i32) -> (i32, i32, i32) {
    %c0_i32 = arith.constant 0 : i32
    %c0_i32_0 = arith.constant 0 : i32
    %c0_i32_1 = arith.constant 0 : i32
    %c0_i32_2 = arith.constant 0 : i32
    return %c0_i32, %c0_i32_0, %c0_i32_1 : i32, i32, i32
  }
  func.func @transform_8(%arg0: i32) -> (i32, i32) {
    %c0_i32 = arith.constant 0 : i32
    %c0_i32_0 = arith.constant 0 : i32
    return %arg0, %c0_i32 : i32, i32
  }
  func.func @transform_9(%arg0: i32) -> (i32, i32) {
    %c0_i32 = arith.constant 0 : i32
    %c0_i32_0 = arith.constant 0 : i32
    return %arg0, %c0_i32 : i32, i32
  }
  func.func @transform_10(%arg0: i32) -> (i32, i32) {
    %c0_i32 = arith.constant 0 : i32
    %c0_i32_0 = arith.constant 0 : i32
    return %arg0, %c0_i32 : i32, i32
  }
}

module attributes {stable_mosaic.version = 14 : i64} {
  func.func @_epilogue_body(%arg0: i32, %arg1: memref<2000x128xf32, #tpu.memory_space<vmem>>, %arg2: memref<2x2000x128xf32, #tpu.memory_space<vmem>>, %arg3: memref<2x2000x128xf32, #tpu.memory_space<vmem>>, %arg4: memref<128xf32, #tpu.memory_space<vmem>>, %arg5: memref<2000x128xf32, #tpu.memory_space<vmem>>) attributes {dimension_semantics = [#tpu.dimension_semantics<arbitrary>], iteration_bounds = array<i64: 5>, scalar_prefetch = 0 : i64, scratch_operands = 0 : i64, tpu.core_type = #tpu.core_type<tc>, window_params = [{transform_indices = @transform_0, window_bounds = array<i64: 2000, 128>}, {transform_indices = @transform_1, window_bounds = array<i64: 2, 2000, 128>}, {transform_indices = @transform_2, window_bounds = array<i64: 2, 2000, 128>}, {pipeline_mode = #tpu.pipeline_mode<synchronous>, transform_indices = @transform_3, window_bounds = array<i64: 128>}, {transform_indices = @transform_4, window_bounds = array<i64: 2000, 128>}]} {
    %get3A = arith.constant 0 : index
    %get3A_0 = arith.constant 0 : index
    %get3A_1 = arith.constant 0 : index
    %get3A_2 = vector.load %arg3[%get3A, %get3A_0, %get3A_1] : memref<2x2000x128xf32, #tpu.memory_space<vmem>>, vector<1x2000x2xf32>
    %get3A_3 = vector.shape_cast %get3A_2 : vector<1x2000x2xf32> to vector<2000x2xf32>
    %get3A_4 = arith.constant 1 : index
    %get3A_5 = arith.constant 0 : index
    %get3A_6 = arith.constant 0 : index
    %get3A_7 = vector.load %arg3[%get3A_4, %get3A_5, %get3A_6] : memref<2x2000x128xf32, #tpu.memory_space<vmem>>, vector<1x2000x2xf32>
    %get3A_8 = vector.shape_cast %get3A_7 : vector<1x2000x2xf32> to vector<2000x2xf32>
    %add3A = arith.addf %get3A_3, %get3A_8 : vector<2000x2xf32>
    %add3A_9 = arith.constant 1.000000e-16 : f32
    %add3A_10 = vector.broadcast %add3A_9 : f32 to vector<2000x2xf32>
    %add3A_11 = arith.addf %add3A, %add3A_10 : vector<2000x2xf32>
    %get3A_12 = arith.constant 0 : index
    %get3A_13 = arith.constant 0 : index
    %get3A_14 = arith.constant 0 : index
    %get3A_15 = vector.load %arg2[%get3A_12, %get3A_13, %get3A_14] : memref<2x2000x128xf32, #tpu.memory_space<vmem>>, vector<1x2000x128xf32>
    %get3A_16 = vector.shape_cast %get3A_15 : vector<1x2000x128xf32> to vector<2000x128xf32>
    %get3A_17 = arith.constant 1 : index
    %get3A_18 = arith.constant 0 : index
    %get3A_19 = arith.constant 0 : index
    %get3A_20 = vector.load %arg2[%get3A_17, %get3A_18, %get3A_19] : memref<2x2000x128xf32, #tpu.memory_space<vmem>>, vector<1x2000x128xf32>
    %get3A_21 = vector.shape_cast %get3A_20 : vector<1x2000x128xf32> to vector<2000x128xf32>
    %add3A_22 = arith.addf %get3A_16, %get3A_21 : vector<2000x128xf32>
    %reshape3A = vector.shape_cast %add3A_22 : vector<2000x128xf32> to vector<2000x2x64xf32>
    %broadcast_in_dim3A = vector.shape_cast %add3A_11 : vector<2000x2xf32> to vector<2000x2x1xf32>
    %div3A = vector.broadcast %broadcast_in_dim3A : vector<2000x2x1xf32> to vector<2000x2x64xf32>
    %div3A_23 = arith.divf %reshape3A, %div3A : vector<2000x2x64xf32>
    %reshape3A_24 = vector.shape_cast %div3A_23 : vector<2000x2x64xf32> to vector<2000x128xf32>
    %get3A_25 = arith.constant 0 : index
    %get3A_26 = vector.load %arg4[%get3A_25] : memref<128xf32, #tpu.memory_space<vmem>>, vector<128xf32>
    %broadcast_in_dim3A_27 = vector.shape_cast %get3A_26 : vector<128xf32> to vector<1x128xf32>
    %add3A_28 = vector.broadcast %broadcast_in_dim3A_27 : vector<1x128xf32> to vector<2000x128xf32>
    %add3A_29 = arith.addf %reshape3A_24, %add3A_28 : vector<2000x128xf32>
    %get3A_30 = arith.constant 0 : index
    %get3A_31 = arith.constant 0 : index
    %get3A_32 = vector.load %arg1[%get3A_30, %get3A_31] : memref<2000x128xf32, #tpu.memory_space<vmem>>, vector<2000x128xf32>
    %add3A_33 = arith.addf %get3A_32, %add3A_29 : vector<2000x128xf32>
    %max3A = arith.constant 0.000000e+00 : f32
    %max3A_34 = vector.broadcast %max3A : f32 to vector<2000x128xf32>
    %max3A_35 = arith.maximumf %add3A_33, %max3A_34 : vector<2000x128xf32>
    %swap3A = arith.constant 0 : index
    %swap3A_36 = arith.constant 0 : index
    %swap3A_37 = vector.load %arg5[%swap3A, %swap3A_36] : memref<2000x128xf32, #tpu.memory_space<vmem>>, vector<2000x128xf32>
    tpu.vector_store %arg5[%swap3A, %swap3A_36], %max3A_35 {strides = array<i32>} : memref<2000x128xf32, #tpu.memory_space<vmem>>, vector<2000x128xf32>,
    return
  }
  func.func @transform_0(%arg0: i32) -> (i32, i32) {
    %c0_i32 = arith.constant 0 : i32
    %c0_i32_0 = arith.constant 0 : i32
    return %arg0, %c0_i32 : i32, i32
  }
  func.func @transform_1(%arg0: i32) -> (i32, i32, i32) {
    %c0_i32 = arith.constant 0 : i32
    %c0_i32_0 = arith.constant 0 : i32
    %c0_i32_1 = arith.constant 0 : i32
    return %c0_i32, %arg0, %c0_i32_0 : i32, i32, i32
  }
  func.func @transform_2(%arg0: i32) -> (i32, i32, i32) {
    %c0_i32 = arith.constant 0 : i32
    %c0_i32_0 = arith.constant 0 : i32
    %c0_i32_1 = arith.constant 0 : i32
    return %c0_i32, %arg0, %c0_i32_0 : i32, i32, i32
  }
  func.func @transform_3(%arg0: i32) -> i32 {
    %c0_i32 = arith.constant 0 : i32
    %c0_i32_0 = arith.constant 0 : i32
    return %c0_i32 : i32
  }
  func.func @transform_4(%arg0: i32) -> (i32, i32) {
    %c0_i32 = arith.constant 0 : i32
    %c0_i32_0 = arith.constant 0 : i32
    return %arg0, %c0_i32 : i32, i32
  }
}

</mosaic_0001>

<sc_bundles>
// kernel: kernel.6.cloned.1.call-start
scs
__scs_entry_jumppad:
0x0: {  	(pc) =	sbr.rel $0x88, $3  }
0x1: {  	(tag) =	ssettag $0x0;
	lr =	simm.s32 $0x1  }
0x2: {  	[smem:$0x3F97] =	sst lr;
	_ =	strace $0xD0000000  }
0x3: {  	_ = 	snop  }
0x4: {  	_ = 	snop  }
0x5: {  	_ = 	snop  }
0x6: {  	_ = 	snop  }
0x7: {  	_ = 	snop  }
__scs_overlays_trampoline_lowered:
0x8: {  	[smem:$0x3FA6] =	sst s0  }
0x9: {  	[smem:$0x3FA7] =	sst s1  }
0xa: {  	[smem:$0x3FA8] =	sst s2  }
0xb: {  	[smem:$0x3FA9] =	sst s3  }
0xc: {  	[smem:$0x3FAA] =	sst s4  }
0xd: {  	[smem:$0x3FAB] =	sst s5  }
0xe: {  	[smem:$0x3FAC] =	sst s6  }
0xf: {  	[smem:$0x3FAD] =	sst s7  }
0x10: {  	[smem:$0x3FAE] =	sst s8  }
0x11: {  	[smem:$0x3FAF] =	sst s9;
	s0 =	simm.s32 @!p0 $0x0  }
0x12: {  	s1 =	sld [smem:$0x3F95];
	s0 =	simm.s32 @p0 $0x1  }
0x13: {  	[smem:$0x3FB0] =	sst s0;
	s0 =	simm.s32 @!p1 $0x0  }
0x14: {  	s2 =	sld [smem:$0x3F94];
	s0 =	simm.s32 @p1 $0x1  }
0x15: {  	[smem:$0x3FB1] =	sst s0;
	s0 =	simm.s32 @!p2 $0x0  }
0x16: {  	s3 =	sld [smem:$0x3FDB];
	s0 =	simm.s32 @p2 $0x1  }
0x17: {  	s4 =	simm.s32 $0x1BF5;
	[smem:$0x3FB3] =	sst s0  }
0x18: {  	s0 =	sld [smem:$0x3F96];
	_ =	swait.ge [sflag:s4], $0x0  }
0x19: {  	s7 =	sld [smem:$0x3F97]  }
0x1a: {  	s8 =	sadd.s32 $0xFFFFE003, lr  }
0x1b: {  	s9 =	sadd.s32 $0xFFFFFEF7, lr;
	s5 =	simm.s32 $0xFFFFFFFF;
	p2 =	slt.u32 s8, $0xFFFFF086  }
0x1c: {  	p1 =	slt.u32 s9, $0xF7A;
	s5 =	simm.s32 @!p2 $0x0  }
0x1d: {  	s5 =	simm.s32 @p1 $0x1;
	p0 =	seq.s32 s7, s2  }
0x1e: {  	s7 =	smul.u32 @!p0 $0xF7A, s2;
	p2 =	seq.s32 @!p0 s5, $0x0  }
0x1f: {  	s9 =	smul.u32 $0xF7A, s1;
	s8 =	simm.s32 @!p0 $0x1BF5;
	p2 =	por !p2, p0  }
0x20: {  	[sflag:s8] =	ssyncset.s32 @!p0 $0xFFFFF086;
	s6 =	sadd.s32 @!p0 s3, s7;
	s7 =	simm.s32 @!p0 $0x108  }
0x21: {  	s3 =	sadd.s32 s3, s9;
	s6 =	sadd.s32 @!p0 $0x88, s6;
	s7 =	simm.s32 @p2 $0x1082  }
0x22: {  	[simem:s7], [sflag:s8] =	dma.local @!p0 [hbm:s6], $0xF7A  }
0x23: {  	s9 =	sor.u32 $0xD0000000, s2;
	s6 =	simm.s32 $0x108;
	_ =	swait.ge @!p0 [sflag:s8], $0x0  }
0x24: {  	s3 =	sadd.s32 $0x88, s3;
	s6 =	simm.s32 @!p1 $0x1082;
	[sflag:s4] =	ssyncset.s32 $0xFFFFF086  }
0x25: {  	[simem:s6], [sflag:s4] =	dma.local [hbm:s3], $0xF7A  }
0x26: {  	[smem:$0x3F97] =	sst s1;
	(tag) =	ssettag s2;
	_ =	strace s9  }
0x27: {  	s1 =	sld [smem:$0x3FA7]  }
0x28: {  	s2 =	sld [smem:$0x3FA8]  }
0x29: {  	s4 =	sld [smem:$0x3FAA]  }
0x2a: {  	p0 =	seq.s32 s5, $0x0;
	s5 =	sld [smem:$0x3FAB]  }
0x2b: {  	s6 =	sld [smem:$0x3FAC]  }
0x2c: {  	s7 =	sld [smem:$0x3FAD]  }
0x2d: {  	s3 =	simm.s32 $0x108;
	s8 =	sld [smem:$0x3FAE]  }
0x2e: {  	s3 =	simm.s32 @!p0 $0x1082;
	s9 =	sld [smem:$0x3FAF]  }
0x2f: {  	lr =	sadd.s32 s0, s3;
	s0 =	sld [smem:$0x3FA6]  }
0x30: {  	s3 =	sld [smem:$0x3FA9]  }
0x31: {  	[smem:$0x3FB2] =	sst s10  }
0x32: {  	s10 =	sld [smem:$0x3FB0];
	_ =	sdelay $0x3  }
0x33: {  	p0 =	seq.s32 s10, $0x1;
	s10 =	sld [smem:$0x3FB2];
	_ =	sdelay $0x3  }
0x34: {  	[smem:$0x3FB2] =	sst s10  }
0x35: {  	s10 =	sld [smem:$0x3FB1];
	_ =	sdelay $0x3  }
0x36: {  	p1 =	seq.s32 s10, $0x1;
	s10 =	sld [smem:$0x3FB2];
	_ =	sdelay $0x3  }
0x37: {  	[smem:$0x3FB2] =	sst s10  }
0x38: {  	s10 =	sld [smem:$0x3FB3]  }
0x39: {  	_ = 	snop;
	(pc) =	sbr.ind lr, $3  }
0x3a: {  	_ = 	snop  }
0x3b: {  	_ = 	snop  }
0x3c: {  	p2 =	seq.s32 s10, $0x1;
	s10 =	sld [smem:$0x3FB2]  }
0x3d: {  	_ =	shalt  }
0x3e: {  	_ =	shalt  }
0x3f: {  	_ =	shalt  }
0x40: {  	_ =	shalt  }
0x41: {  	_ =	shalt  }
0x42: {  	_ =	shalt  }
0x43: {  	_ =	shalt  }
0x44: {  	_ =	shalt  }
0x45: {  	_ =	shalt  }
0x46: {  	_ =	shalt  }
0x47: {  	_ =	shalt  }
0x48: {  	_ =	shalt  }
0x49: {  	_ =	shalt  }
0x4a: {  	_ =	shalt  }
0x4b: {  	_ =	shalt  }
0x4c: {  	_ =	shalt  }
0x4d: {  	_ =	shalt  }
0x4e: {  	_ =	shalt  }
0x4f: {  	_ =	shalt  }
0x50: {  	_ =	shalt  }
0x51: {  	_ =	shalt  }
0x52: {  	_ =	shalt  }
0x53: {  	_ =	shalt  }
0x54: {  	_ =	shalt  }
0x55: {  	_ =	shalt  }
0x56: {  	_ =	shalt  }
0x57: {  	_ =	shalt  }
0x58: {  	_ =	shalt  }
0x59: {  	_ =	shalt  }
0x5a: {  	_ =	shalt  }
0x5b: {  	_ =	shalt  }
0x5c: {  	_ =	shalt  }
0x5d: {  	_ =	shalt  }
0x5e: {  	_ =	shalt  }
0x5f: {  	_ =	shalt  }
0x60: {  	_ =	shalt  }
0x61: {  	_ =	shalt  }
0x62: {  	_ =	shalt  }
0x63: {  	_ =	shalt  }
0x64: {  	_ =	shalt  }
0x65: {  	_ =	shalt  }
0x66: {  	_ =	shalt  }
0x67: {  	_ =	shalt  }
0x68: {  	_ =	shalt  }
0x69: {  	_ =	shalt  }
0x6a: {  	_ =	shalt  }
0x6b: {  	_ =	shalt  }
0x6c: {  	_ =	shalt  }
0x6d: {  	_ =	shalt  }
0x6e: {  	_ =	shalt  }
0x6f: {  	_ =	shalt  }
0x70: {  	_ =	shalt  }
0x71: {  	_ =	shalt  }
0x72: {  	_ =	shalt  }
0x73: {  	_ =	shalt  }
0x74: {  	_ =	shalt  }
0x75: {  	_ =	shalt  }
0x76: {  	_ =	shalt  }
0x77: {  	_ =	shalt  }
0x78: {  	_ =	shalt  }
0x79: {  	_ =	shalt  }
0x7a: {  	_ =	shalt  }
0x7b: {  	_ =	shalt  }
0x7c: {  	_ =	shalt  }
0x7d: {  	_ =	shalt  }
0x7e: {  	_ =	shalt  }
0x7f: {  	_ =	shalt  }
0x80: {  	_ =	shalt  }
0x81: {  	_ =	shalt  }
0x82: {  	_ =	shalt  }
0x83: {  	_ =	shalt  }
0x84: {  	_ =	shalt  }
0x85: {  	_ =	shalt  }
0x86: {  	_ =	shalt  }
0x87: {  	_ =	shalt  }
.Lfunc_end0:
.L_simem_size_0:
called_computation_lowered:
.L_overlay_start_0:
0x88: {  	s2 =	sld [smem:$0x3FD9]  }
0x89: {  	s3 =	sld [smem:$0x3FFE];
	_ =	sdelay $0x1  }
0x8a: {  	s1 =	srdreg.scid  }
0x8b: {  	s0 =	sand.u32 $0x1, s1  }
0x8c: {  	s16 =	sshll.u32 s0, $0xA;
	s2 =	sadd.s32 s3, s2  }
0x8d: {  	s2 =	sadd.s32 s2, s16  }
0x8e: {  	[smem:$0x3FBE] =	sst s2  }
0x8f: {  	_ = 	snop  }
0x90: {  	(tm) =	ssettm $0x1  }
0x91: {  	s17 =	sld [smem:$0x3FFB];
	_ =	sdelay $0x3  }
0x92: {  	_ =	strace s17  }
0x93: {  	s2 =	sld [smem:$0x3FFC];
	_ =	sdelay $0x3  }
0x94: {  	_ =	strace s2  }
0x95: {  	s2 =	sld [smem:$0x3FFD];
	_ =	sdelay $0x3  }
0x96: {  	_ =	strace s2  }
0x97: {  	_ =	strace $0x8FFFFFFF  }
0x98: {  	s18 =	sld [smem:$0x3FDB];
	_ =	sdelay $0x1  }
0x99: {  	s19 =	simm.s32 $_scs_section_size  }
0x9a: {  	s4 =	simm.s32 $_size__tile_overlayer_lowered;
	s5 =	simm.s32 $_tile_overlayer_lowered  }
0x9b: {  	s22 =	simm.s32 $0x1BFF;
	s21 =	sshll.u32 s5, $0x1;
	s2 =	sadd.s32 s19, s18  }
0x9c: {  	s6 =	simm.s32 $0x0;
	s20 =	sshll.u32 s4, $0x1;
	s4 =	sadd.s32 s21, s2  }
0x9d: {  	[timem:s6], [sflag:s22] =	dma.local [hbm:s4], s20  }
0x9e: {  	_ =	swait.ge [sflag:s22], s20  }
0x9f: {  	s3 =	ssub.s32 $0x0, s20;
	[sflag:s22] =	ssyncset.done $0x0  }
0xa0: {  	[sflag:s22] =	ssyncadd.s32 s3;
	_ =	sdelay $0x1  }
0xa1: {  	s23 =	simm.s32 $0x1B8B  }
0xa2: {  	_ =	swait.ge [sflag:s23], $0x1  }
0xa3: {  	[sflag:s23] =	ssyncset.done $0x0  }
0xa4: {  	s25 =	simm.s32 $0x1B8E;
	s24 =	sld [smem:$0x3FFE];
	[sflag:s23] =	ssyncadd.s32 $0xFFFFFFFF  }
0xa5: {  	s26 =	simm.s32 $execute0_lowered;
	[smem:$0x3FD2] =	sst s25  }
0xa6: {  	s4 =	sshll.u32 s26, $0x1;
	_ =	strace $0x80000046;
	[dreg:$0x1] =	wrdreg $0xFFFFFFFF  }
0xa7: {  	s28 =	simm.s32 $_size_execute0_lowered;
	s2 =	sadd.s32 s2, s4;
	[dreg:$0x0] =	wrdreg $0x0  }
0xa8: {  	s4 =	sshll.u32 s28, $0x1;
	[dreg:$0x2] =	wrdreg s2  }
0xa9: {  	[dreg:$0x3] =	wrdreg s4  }
0xaa: {  	[dreg:$0x4] =	wrdreg $0xC0  }
0xab: {  	_ =	task [dreg:s6], $0x5FFFF  }
0xac: {  	[dreg:$0x1] =	wrdreg $0xFFFFFFFF  }
0xad: {  	[dreg:$0x0] =	wrdreg $0x60  }
0xae: {  	[dreg:$0x2] =	wrdreg s24  }
0xaf: {  	[dreg:$0x3] =	wrdreg $0x9  }
0xb0: {  	_ =	task.clear_ibuf [dreg:s6], $0x4FFFF;
	_ =	strace $0x90000046  }
0xb1: {  	s29 =	simm.s32 $0x9;
	_ =	strace $0x80000048  }
0xb2: {  	_ =	swait.ge [sflag:s29], $0x1  }
0xb3: {  	[sflag:s29] =	ssyncadd.s32 $0xFFFFFFFF  }
0xb4: {  	_ =	strace $0x90000048  }
0xb5: {  	_ =	sfence  }
0xb6: {  	s30 =	sld [smem:$0x0];
	_ =	sdelay $0x2  }
0xb7: {  	s31 =	sshll.u32 s1, $0xD;
	s1 =	sshrl.u32 s1, $0x2  }
0xb8: {  	s3 =	sand.u32 $0x4000, s31;
	s1 =	sadd.s32 s1, s30  }
0xb9: {  	s0 =	sor.u32 s3, s0;
	s1 =	sshll.u32 s1, $0x11  }
0xba: {  	s0 =	sor.u32 s1, s0  }
0xbb: {  	s0 =	sadd.s32 $0x8F2B, s0  }
0xbc: {  	[sflag:s0] =	ssyncadd.remote.s32 $0x1  }
0xbd: {  	_ =	sfence.sel $0xFFFF  }
0xbe: {  	[dreg:$0x0] =	wrdreg $0xFFFFFFFF;
	(pc) =	sbr.abs _section_cstart, $3  }
0xbf: {  	[dreg:$0x1] =	wrdreg $0xFFFFFFFF  }
0xc0: {  	_ =	task.clear_ibuf [dreg:s6], $0x2FFFF;
	_ =	strace $0x9FFFFFFF  }
0xc1: {  	(tm) =	ssettm $0x7FFFFFFF  }
tec
execute0_lowered:
.L_overlay_start_1:
0x0: {  	(tag) =	ssettag $0x1  }
0x1: {  	s0 =	srdreg.scid;
	s5 =	rddreg [dreg:$0x0]  }
0x2: {  	s1 =	stileid.u32;
	s2 =	simm.s32 $0x0;
	s11 =	simm.s32 $0x4E80  }
0x3: {  	s12 =	simm.s32 $0x9D00;
	s13 =	simm.s32 $0x9D80;
	s14 =	simm.s32 $0x9E00  }
0x4: {  	s15 =	simm.s32 $0x9E80;
	s16 =	simm.s32 $0x0;
	s6 =	smul.u32 $0x2880, s1  }
0x5: {  	s3 =	sand.u32 $0x1, s0;
	s0 =	rddreg [dreg:$0x1];
	s10 =	smul.u32 $0x5100, s1  }
0x6: {  	[smem:$0x7FF] =	sst s2;
	s4 =	smul.u32 $0x28800, s3;
	s31 =	ssub.s32 $0x2, s3  }
0x7: {  	_ =	strace $0x80000047;
	s7 =	smul.u32 $0x51000, s3;
	s8 =	sshrl.u32 s31, $0x1  }
0x8: {  	s3 =	sadd.s32 $0x2800, s5;
	s4 =	sadd.s32 s6, s4;
	s6 =	ssub.s32 s31, s8  }
0x9: {  	s7 =	sadd.s32 s10, s7;
	s10 =	simm.s32 $0x1;
	s4 =	sshrl.u32 s4, $0x3  }
0xa: {  	s6 =	smax.u32 s6, $0x1;
	s9 =	sadd.s32 s4, s5;
	s4 =	sadd.s32 $0x1E00, s5  }
0xb: {  	s5 =	sadd.s32 $0x17600, s5;
	s8 =	sadd.s32 $0x3200, s9;
	s9 =	sadd.s32 $0xD400, s9  }
.LBB2_1:
0xc: {  	[tilespmem:s2], [sflag:$0x1] =	stream.linear.gather [hbm4b:s3+s2], $0x4E80, $0x38;
	[tilespmem:$0x9F00] =	vst v63  }
0xd: {  	_ =	swait.ge [sflag:s10], $0x4E80  }
0xe: {  	[sflag:s10] =	ssyncset.done $0x0  }
0xf: {  	[sflag:s10] =	ssyncadd.s32 $0xFFFFB180  }
0x10: {  	[tilespmem:s11], [sflag:$0x1] =	stream.linear.gather [hbm4b:s4+s2], $0x4E80, $0x38;
	[tilespmem:$0x9F00] =	vst v63  }
0x11: {  	_ =	swait.ge [sflag:s10], $0x4E80  }
0x12: {  	[sflag:s10] =	ssyncset.done $0x0  }
0x13: {  	[sflag:s10] =	ssyncadd.s32 $0xFFFFB180  }
0x14: {  	[tilespmem:s12], [sflag:$0x1] =	stream.linear.gather [hbm4b:s9+s2], $0x40, $0x38;
	[tilespmem:$0x9F00] =	vst v63  }
0x15: {  	_ =	swait.ge [sflag:s10], $0x40  }
0x16: {  	[sflag:s10] =	ssyncset.done $0x0  }
0x17: {  	[sflag:s10] =	ssyncadd.s32 $0xFFFFFFC0  }
0x18: {  	[tilespmem:s13], [sflag:$0x1] =	stream.linear.gather [hbm4b:s8+s2], $0x40, $0x38;
	[tilespmem:$0x9F00] =	vst v63  }
0x19: {  	_ =	swait.ge [sflag:s10], $0x40  }
0x1a: {  	[sflag:s10] =	ssyncset.done $0x0  }
0x1b: {  	[sflag:s10] =	ssyncadd.s32 $0xFFFFFFC0  }
0x1c: {  	v0 =	vld [tilespmem:$0x9D00]  }
0x1d: {  	v1 =	vld [tilespmem:$0x9D80];
	_ =	sdelay $0x2  }
0x1e: {  	v4 =	vld [tilespmem:$0x9D90]  }
0x1f: {  	v5 =	vld [tilespmem:$0x9D10];
	v6 =	vshll.u32 v0, $0x1  }
0x20: {  	v2 =	vld [tilespmem:$0x9D20];
	v8 =	vshll.u32 v1, $0x1  }
0x21: {  	v3 =	vld [tilespmem:$0x9DA0];
	v7 =	vor.u32 $0x1, v6  }
0x22: {  	v0 =	vld [tilespmem:$0x9DB0];
	v9 =	vor.u32 $0x1, v8  }
0x23: {  	v1 =	vld [tilespmem:$0x9D30]  }
0x24: {  	v6 =	vld.idx.msk [tilespmem:v6+s2+$0x0], $0xffff  }
0x25: {  	p1 =	por $0x0, $0x0;
	s19 =	simm.s32 $0x40;
	s20 =	sadd.s32 $0x8, s8;
	v8 =	vld.idx.msk [tilespmem:v8+s11+$0x0], $0xffff  }
0x26: {  	s21 =	sadd.s32 $0x8, s9;
	s17 =	smov.u32 s7;
	s18 =	simm.s32 $0x0;
	v7 =	vld.idx.msk [tilespmem:v7+s2+$0x0], $0xffff  }
0x27: {  	s22 =	smov.u32 s7;
	p0 =	por p1, p1;
	p1 =	por !p1, !p1;
	v9 =	vld.idx.msk [tilespmem:v9+s11+$0x0], $0xffff  }
.LBB2_2:
0x28: {  	s23 =	sand.u32 $0x7FFFFF00, s17;
	s24 =	sand.u32 $0x40, s18  }
0x29: {  	s22 =	sadd.s32 $0x80, s22;
	s18 =	smov.u32 s19;
	p2 =	sne.s32 s19, $0x2840  }
0x2a: {  	s19 =	sadd.s32 $0x40, s19;
	s23 =	sor.u32 s24, s23;
	s24 =	simm.s32 $0x1  }
0x2b: {  	s24 =	simm.s32 @!p0 $0x0;
	s23 =	sshrl.u32 s23, $0x3;
	p0 =	por p1, p1  }
0x2c: {  	v7 =	vadd.f32 v9, v7;
	s24 =	sshll.u32 s24, $0x6;
	s23 =	sadd.s32 s5, s23  }
0x2d: {  	v6 =	vadd.f32 v8, v6;
	s24 =	sadd.s32 s24, s17;
	s17 =	smov.u32 s22  }
0x2e: {  	v8 =	vmul.f32 $2.000000030e-01, v7;
	s24 =	sshrl.u32 s24, $0x3  }
0x2f: {  	vm0 =	vgt.f32 v7, $0.0e+00;
	v9 =	vmul.f32 $2.000000030e-01, v6  }
0x30: {  	vm1 =	vgt.f32 v6, $0.0e+00;
	v7 =	vsel vm0, v7, v8;
	s24 =	sor.u32 $0x10, s24  }
0x31: {  	v6 =	vsel vm1, v6, v9;
	v7 =	vmul.f32 $1.442695020e+00, v7;
	s24 =	sadd.s32 s5, s24  }
0x32: {  	v6 =	vmul.f32 $1.442695020e+00, v6  }
0x33: {  	(erf) = vpow2.f32 v7  }
0x34: {  	(erf) = vpow2.f32 v6;
	_ =	sdelay $0x4  }
0x35: {  	v4 =	vshll.u32 v4, $0x1  }
0x36: {  	v5 =	vshll.u32 v5, $0x1;
	v6 =	vor.u32 $0x1, v4  }
0x37: {  	v7 =	vor.u32 $0x1, v5  }
0x38: {  	v8 =	vpop (erf)  }
0x39: {  	[tilespmem:$0x9E80] =	vst v8;
	v8 =	vpop (erf)  }
0x3a: {  	[tilespmem:$0x9E00] =	vst v8  }
0x3b: {  	v6 =	vld.idx.msk [tilespmem:v6+s11+$0x0], $0xffff  }
0x3c: {  	v7 =	vld.idx.msk [tilespmem:v7+s2+$0x0], $0xffff  }
0x3d: {  	v5 =	vld.idx.msk [tilespmem:v5+s2+$0x0], $0xffff  }
0x3e: {  	v4 =	vld.idx.msk [tilespmem:v4+s11+$0x0], $0xffff;
	_ =	sdelay $0x3  }
0x3f: {  	v6 =	vadd.f32 v6, v7;
	_ =	sdelay $0x1  }
0x40: {  	v4 =	vadd.f32 v4, v5;
	v5 =	vmul.f32 $2.000000030e-01, v6  }
0x41: {  	vm0 =	vgt.f32 v6, $0.0e+00  }
0x42: {  	v7 =	vmul.f32 $2.000000030e-01, v4;
	v5 =	vsel vm0, v6, v5  }
0x43: {  	vm0 =	vgt.f32 v4, $0.0e+00;
	v5 =	vmul.f32 $1.442695020e+00, v5  }
0x44: {  	v4 =	vsel vm0, v4, v7  }
0x45: {  	v4 =	vmul.f32 $1.442695020e+00, v4;
	(erf) = vpow2.f32 v5;
	_ =	sdelay $0x1  }
0x46: {  	(erf) = vpow2.f32 v4;
	_ =	sdelay $0x5  }
0x47: {  	v2 =	vshll.u32 v2, $0x1  }
0x48: {  	v3 =	vshll.u32 v3, $0x1;
	v4 =	vpop (erf)  }
0x49: {  	[tilespmem:$0x9E90] =	vst v4;
	v4 =	vor.u32 $0x1, v3  }
0x4a: {  	v5 =	vor.u32 $0x1, v2;
	v6 =	vpop (erf)  }
0x4b: {  	[tilespmem:$0x9E10] =	vst v6  }
0x4c: {  	v2 =	vld.idx.msk [tilespmem:v2+s2+$0x0], $0xffff  }
0x4d: {  	v3 =	vld.idx.msk [tilespmem:v3+s11+$0x0], $0xffff  }
0x4e: {  	v4 =	vld.idx.msk [tilespmem:v4+s11+$0x0], $0xffff  }
0x4f: {  	v5 =	vld.idx.msk [tilespmem:v5+s2+$0x0], $0xffff;
	_ =	sdelay $0x3  }
0x50: {  	v2 =	vadd.f32 v3, v2;
	_ =	sdelay $0x1  }
0x51: {  	v3 =	vadd.f32 v4, v5;
	v4 =	vmul.f32 $2.000000030e-01, v2  }
0x52: {  	vm0 =	vgt.f32 v2, $0.0e+00  }
0x53: {  	v2 =	vsel vm0, v2, v4;
	v4 =	vmul.f32 $2.000000030e-01, v3  }
0x54: {  	vm0 =	vgt.f32 v3, $0.0e+00;
	v2 =	vmul.f32 $1.442695020e+00, v2  }
0x55: {  	v3 =	vsel vm0, v3, v4  }
0x56: {  	v3 =	vmul.f32 $1.442695020e+00, v3;
	(erf) = vpow2.f32 v2;
	_ =	sdelay $0x1  }
0x57: {  	(erf) = vpow2.f32 v3;
	_ =	sdelay $0x4  }
0x58: {  	v0 =	vshll.u32 v0, $0x1  }
0x59: {  	v1 =	vshll.u32 v1, $0x1;
	v2 =	vor.u32 $0x1, v0  }
0x5a: {  	v3 =	vor.u32 $0x1, v1;
	v4 =	vpop (erf)  }
0x5b: {  	[tilespmem:$0x9E20] =	vst v4  }
0x5c: {  	v4 =	vpop (erf)  }
0x5d: {  	[tilespmem:$0x9EA0] =	vst v4  }
0x5e: {  	v2 =	vld.idx.msk [tilespmem:v2+s11+$0x0], $0xffff  }
0x5f: {  	v3 =	vld.idx.msk [tilespmem:v3+s2+$0x0], $0xffff  }
0x60: {  	v1 =	vld.idx.msk [tilespmem:v1+s2+$0x0], $0xffff  }
0x61: {  	v0 =	vld.idx.msk [tilespmem:v0+s11+$0x0], $0xffff;
	_ =	sdelay $0x3  }
0x62: {  	v2 =	vadd.f32 v2, v3;
	_ =	sdelay $0x1  }
0x63: {  	v0 =	vadd.f32 v0, v1;
	v1 =	vmul.f32 $2.000000030e-01, v2  }
0x64: {  	vm0 =	vgt.f32 v2, $0.0e+00  }
0x65: {  	v3 =	vmul.f32 $2.000000030e-01, v0;
	v1 =	vsel vm0, v2, v1  }
0x66: {  	vm0 =	vgt.f32 v0, $0.0e+00;
	v1 =	vmul.f32 $1.442695020e+00, v1  }
0x67: {  	v0 =	vsel vm0, v0, v3  }
0x68: {  	v0 =	vmul.f32 $1.442695020e+00, v0;
	(erf) = vpow2.f32 v1;
	_ =	sdelay $0x1  }
0x69: {  	(erf) = vpow2.f32 v0;
	_ =	sdelay $0x6  }
0x6a: {  	v0 =	vpop (erf)  }
0x6b: {  	[tilespmem:$0x9EB0] =	vst v0  }
0x6c: {  	v0 =	vpop (erf)  }
0x6d: {  	[tilespmem:$0x9E30] =	vst v0  }
0x6e: {  	[hbm4b:s23+s2] =	stream.linear.scatter [tilespmem:s14], [sflag:$0x1], $0x40, $0x38;
	[tilespmem:$0x9F00] =	vst v63  }
0x6f: {  	_ =	swait.ge [sflag:s10], $0x40  }
0x70: {  	[sflag:s10] =	ssyncset.done $0x0  }
0x71: {  	[sflag:s10] =	ssyncadd.s32 $0xFFFFFFC0  }
0x72: {  	[hbm4b:s24+s2] =	stream.linear.scatter [tilespmem:s15], [sflag:$0x1], $0x40, $0x38;
	[tilespmem:$0x9F00] =	vst v63  }
0x73: {  	_ =	swait.ge [sflag:s10], $0x40  }
0x74: {  	[sflag:s10] =	ssyncset.done $0x0  }
0x75: {  	[sflag:s10] =	ssyncadd.s32 $0xFFFFFFC0  }
0x76: {  	[tilespmem:s12], [sflag:$0x1] =	stream.linear.gather [hbm4b:s21+s2], $0x40, $0x38;
	[tilespmem:$0x9F00] =	vst v63  }
0x77: {  	_ =	swait.ge [sflag:s10], $0x40  }
0x78: {  	[sflag:s10] =	ssyncset.done $0x0  }
0x79: {  	[sflag:s10] =	ssyncadd.s32 $0xFFFFFFC0  }
0x7a: {  	[tilespmem:s13], [sflag:$0x1] =	stream.linear.gather [hbm4b:s20+s2], $0x40, $0x38;
	[tilespmem:$0x9F00] =	vst v63  }
0x7b: {  	_ =	swait.ge [sflag:s10], $0x40  }
0x7c: {  	[sflag:s10] =	ssyncset.done $0x0  }
0x7d: {  	[sflag:s10] =	ssyncadd.s32 $0xFFFFFFC0  }
0x7e: {  	v0 =	vld [tilespmem:$0x9D00]  }
0x7f: {  	v1 =	vld [tilespmem:$0x9D80]  }
0x80: {  	v4 =	vld [tilespmem:$0x9D90]  }
0x81: {  	v5 =	vld [tilespmem:$0x9D10]  }
0x82: {  	v2 =	vld [tilespmem:$0x9D20]  }
0x83: {  	v6 =	vshll.u32 v0, $0x1;
	v3 =	vld [tilespmem:$0x9DA0]  }
0x84: {  	v8 =	vshll.u32 v1, $0x1;
	v7 =	vor.u32 $0x1, v6;
	v0 =	vld [tilespmem:$0x9DB0]  }
0x85: {  	v9 =	vor.u32 $0x1, v8;
	v1 =	vld [tilespmem:$0x9D30];
	_ =	sdelay $0x2  }
.Ltmp0:
0x86: {  	v6 =	vld.idx.msk [tilespmem:v6+s2+$0x0], $0xffff;
	(pc) =	sbr.rel @p2 .LBB2_2-.Ltmp0, $4  }
0x87: {  	v7 =	vld.idx.msk [tilespmem:v7+s2+$0x0], $0xffff  }
0x88: {  	v9 =	vld.idx.msk [tilespmem:v9+s11+$0x0], $0xffff  }
0x89: {  	v8 =	vld.idx.msk [tilespmem:v8+s11+$0x0], $0xffff  }
0x8a: {  	p1 =	por !p1, !p1;
	s21 =	sadd.s32 $0x8, s21;
	s20 =	sadd.s32 $0x8, s20  }
0x8b: {  	_ =	sdelay $0x1  }
0x8c: {  	v7 =	vadd.f32 v9, v7  }
0x8d: {  	v6 =	vadd.f32 v8, v6  }
0x8e: {  	v42 =	vmul.f32 $2.000000030e-01, v7  }
0x8f: {  	vm0 =	vgt.f32 v7, $0.0e+00;
	v43 =	vmul.f32 $2.000000030e-01, v6  }
0x90: {  	vm1 =	vgt.f32 v6, $0.0e+00;
	v7 =	vsel vm0, v7, v42  }
0x91: {  	v6 =	vsel vm1, v6, v43;
	v7 =	vmul.f32 $1.442695020e+00, v7  }
0x92: {  	v6 =	vmul.f32 $1.442695020e+00, v6  }
0x93: {  	(erf) = vpow2.f32 v7  }
0x94: {  	(erf) = vpow2.f32 v6;
	_ =	sdelay $0x4  }
0x95: {  	v4 =	vshll.u32 v4, $0x1  }
0x96: {  	v5 =	vshll.u32 v5, $0x1;
	v44 =	vor.u32 $0x1, v4  }
0x97: {  	v45 =	vor.u32 $0x1, v5  }
0x98: {  	v46 =	vpop (erf)  }
0x99: {  	[tilespmem:$0x9E80] =	vst v46;
	v47 =	vpop (erf)  }
0x9a: {  	[tilespmem:$0x9E00] =	vst v47  }
0x9b: {  	v6 =	vld.idx.msk [tilespmem:v44+s11+$0x0], $0xffff  }
0x9c: {  	v7 =	vld.idx.msk [tilespmem:v45+s2+$0x0], $0xffff  }
0x9d: {  	v5 =	vld.idx.msk [tilespmem:v5+s2+$0x0], $0xffff  }
0x9e: {  	v4 =	vld.idx.msk [tilespmem:v4+s11+$0x0], $0xffff;
	_ =	sdelay $0x3  }
0x9f: {  	v6 =	vadd.f32 v6, v7  }
0xa0: {  	v4 =	vadd.f32 v4, v5  }
0xa1: {  	v48 =	vmul.f32 $2.000000030e-01, v6  }
0xa2: {  	vm10 =	vgt.f32 v6, $0.0e+00;
	v49 =	vmul.f32 $2.000000030e-01, v4  }
0xa3: {  	vm11 =	vgt.f32 v4, $0.0e+00;
	v5 =	vsel vm10, v6, v48  }
0xa4: {  	v4 =	vsel vm11, v4, v49;
	v5 =	vmul.f32 $1.442695020e+00, v5  }
0xa5: {  	v4 =	vmul.f32 $1.442695020e+00, v4  }
0xa6: {  	(erf) = vpow2.f32 v5  }
0xa7: {  	(erf) = vpow2.f32 v4;
	_ =	sdelay $0x5  }
0xa8: {  	v2 =	vshll.u32 v2, $0x1  }
0xa9: {  	v3 =	vshll.u32 v3, $0x1  }
0xaa: {  	v51 =	vor.u32 $0x1, v3;
	v50 =	vpop (erf)  }
0xab: {  	v52 =	vor.u32 $0x1, v2;
	[tilespmem:$0x9E90] =	vst v50;
	v53 =	vpop (erf)  }
0xac: {  	[tilespmem:$0x9E10] =	vst v53  }
0xad: {  	v2 =	vld.idx.msk [tilespmem:v2+s2+$0x0], $0xffff  }
0xae: {  	v3 =	vld.idx.msk [tilespmem:v3+s11+$0x0], $0xffff  }
0xaf: {  	v5 =	vld.idx.msk [tilespmem:v51+s11+$0x0], $0xffff  }
0xb0: {  	v4 =	vld.idx.msk [tilespmem:v52+s2+$0x0], $0xffff;
	_ =	sdelay $0x3  }
0xb1: {  	v2 =	vadd.f32 v3, v2  }
0xb2: {  	v54 =	vadd.f32 v5, v4  }
0xb3: {  	v55 =	vmul.f32 $2.000000030e-01, v2  }
0xb4: {  	vm12 =	vgt.f32 v2, $0.0e+00;
	v5 =	vmul.f32 $2.000000030e-01, v54  }
0xb5: {  	vm13 =	vgt.f32 v54, $0.0e+00;
	v2 =	vsel vm12, v2, v55  }
0xb6: {  	v3 =	vsel vm13, v54, v5;
	v2 =	vmul.f32 $1.442695020e+00, v2  }
0xb7: {  	v3 =	vmul.f32 $1.442695020e+00, v3  }
0xb8: {  	(erf) = vpow2.f32 v2  }
0xb9: {  	(erf) = vpow2.f32 v3;
	_ =	sdelay $0x4  }
0xba: {  	v0 =	vshll.u32 v0, $0x1  }
0xbb: {  	v1 =	vshll.u32 v1, $0x1;
	v56 =	vor.u32 $0x1, v0  }
0xbc: {  	v57 =	vor.u32 $0x1, v1  }
0xbd: {  	v58 =	vpop (erf)  }
0xbe: {  	[tilespmem:$0x9E20] =	vst v58;
	v59 =	vpop (erf)  }
0xbf: {  	[tilespmem:$0x9EA0] =	vst v59  }
0xc0: {  	v2 =	vld.idx.msk [tilespmem:v56+s11+$0x0], $0xffff  }
0xc1: {  	v3 =	vld.idx.msk [tilespmem:v57+s2+$0x0], $0xffff  }
0xc2: {  	v1 =	vld.idx.msk [tilespmem:v1+s2+$0x0], $0xffff  }
0xc3: {  	v0 =	vld.idx.msk [tilespmem:v0+s11+$0x0], $0xffff;
	_ =	sdelay $0x3  }
0xc4: {  	v2 =	vadd.f32 v2, v3  }
0xc5: {  	v0 =	vadd.f32 v0, v1  }
0xc6: {  	v60 =	vmul.f32 $2.000000030e-01, v2  }
0xc7: {  	vm14 =	vgt.f32 v2, $0.0e+00;
	v61 =	vmul.f32 $2.000000030e-01, v0  }
0xc8: {  	vm15 =	vgt.f32 v0, $0.0e+00;
	v1 =	vsel vm14, v2, v60  }
0xc9: {  	v0 =	vsel vm15, v0, v61;
	v1 =	vmul.f32 $1.442695020e+00, v1  }
0xca: {  	v0 =	vmul.f32 $1.442695020e+00, v0  }
0xcb: {  	(erf) = vpow2.f32 v1  }
0xcc: {  	(erf) = vpow2.f32 v0;
	_ =	sdelay $0x6  }
0xcd: {  	s19 =	sand.u32 $0x7FFFFF00, s17;
	s18 =	sand.u32 $0x40, s18;
	s20 =	simm.s32 $0x1  }
0xce: {  	s18 =	sor.u32 s18, s19;
	s20 =	simm.s32 @!p0 $0x0;
	v62 =	vpop (erf)  }
0xcf: {  	s18 =	sshrl.u32 s18, $0x3;
	s30 =	sshll.u32 s20, $0x6;
	[tilespmem:$0x9EB0] =	vst v62;
	v63 =	vpop (erf)  }
0xd0: {  	s18 =	sadd.s32 s5, s18;
	s31 =	sadd.s32 s30, s17;
	[tilespmem:$0x9E30] =	vst v63  }
0xd1: {  	[hbm4b:s18+s2] =	stream.linear.scatter [tilespmem:s14], [sflag:$0x1], $0x40, $0x38;
	[tilespmem:$0x9F00] =	vst v63  }
0xd2: {  	s16 =	sadd.s32 $0x1, s16;
	s17 =	sshrl.u32 s31, $0x3;
	_ =	swait.ge [sflag:s10], $0x40  }
0xd3: {  	p0 =	sne.s32 s16, s6;
	s17 =	sor.u32 $0x10, s17;
	[sflag:s10] =	ssyncset.done $0x0  }
.Ltmp1:
0xd4: {  	s17 =	sadd.s32 s5, s17;
	[sflag:s10] =	ssyncadd.s32 $0xFFFFFFC0;
	(pc) =	sbr.rel @p0 .LBB2_1-.Ltmp1, $4  }
0xd5: {  	[hbm4b:s17+s2] =	stream.linear.scatter [tilespmem:s15], [sflag:$0x1], $0x40, $0x38;
	[tilespmem:$0x9F00] =	vst v63  }
0xd6: {  	_ =	swait.ge [sflag:s10], $0x40  }
0xd7: {  	[sflag:s10] =	ssyncset.done $0x0  }
0xd8: {  	[sflag:s10] =	ssyncadd.s32 $0xFFFFFFC0  }
0xd9: {  	_ =	sfence.sel $0x180000  }
0xda: {  	[bflag:$0x0] =	sbarrier.arrive $0xFFFF  }
0xdb: {  	p0 =	sne.s32 s1, $0x0;
	_ =	strace $0x90000047  }
0xdc: {  	s0 =	sadd.s32 @!p0 $0x100000, s0;
	[bflag:$0x2] =	sbarrier.arrive $0xFFFF  }
0xdd: {  	[sflag:s0] =	ssyncadd.tile.s32 @!p0 $0x1;
	_ =	shalt  }
.Lfunc_end2:
_tile_overlayer_lowered:
.L_overlay_start_2:
0xde: {  	(tag) =	ssettag $0x2  }
0xdf: {  	s0 =	rddreg [dreg:$0x0];
	s2 =	stileid.u32  }
0xe0: {  	s1 =	rddreg [dreg:$0x1];
	p0 =	sne.s32 s2, $0x0  }
0xe1: {  	s3 =	rddreg [dreg:$0x2];
	[bflag:$0x3] =	sbarrier.arrive $0xFFFF;
	s2 =	simm.s32 @!p0 $0x1C01  }
0xe2: {  	[timem:s3], [sflag:s2] =	dma.local @!p0 [hbm:s0], s1  }
0xe3: {  	s0 =	simm.s32 @!p0 $0x1  }
0xe4: {  	_ =	swait.ge @!p0 [sflag:s0], s1  }
0xe5: {  	s1 =	ssub.s32 @!p0 $0x0, s1;
	[sflag:s0] =	ssyncset.done @!p0 $0x0  }
0xe6: {  	[sflag:s0] =	ssyncadd.s32 @!p0 s1  }
0xe7: {  	[bflag:$0x3] =	sbarrier.arrive $0xFFFF  }
0xe8: {  	_ =	shalt  }

// kernel: kernel.9.cloned.1.call-start
scs
__scs_entry_jumppad:
0x0: {  	(pc) =	sbr.rel $0x88, $3  }
0x1: {  	(tag) =	ssettag $0x0;
	lr =	simm.s32 $0x1  }
0x2: {  	[smem:$0x3F97] =	sst lr;
	_ =	strace $0xD0000000  }
0x3: {  	_ = 	snop  }
0x4: {  	_ = 	snop  }
0x5: {  	_ = 	snop  }
0x6: {  	_ = 	snop  }
0x7: {  	_ = 	snop  }
__scs_overlays_trampoline_lowered:
0x8: {  	[smem:$0x3FA6] =	sst s0  }
0x9: {  	[smem:$0x3FA7] =	sst s1  }
0xa: {  	[smem:$0x3FA8] =	sst s2  }
0xb: {  	[smem:$0x3FA9] =	sst s3  }
0xc: {  	[smem:$0x3FAA] =	sst s4  }
0xd: {  	[smem:$0x3FAB] =	sst s5  }
0xe: {  	[smem:$0x3FAC] =	sst s6  }
0xf: {  	[smem:$0x3FAD] =	sst s7  }
0x10: {  	[smem:$0x3FAE] =	sst s8  }
0x11: {  	[smem:$0x3FAF] =	sst s9;
	s0 =	simm.s32 @!p0 $0x0  }
0x12: {  	s1 =	sld [smem:$0x3F95];
	s0 =	simm.s32 @p0 $0x1  }
0x13: {  	[smem:$0x3FB0] =	sst s0;
	s0 =	simm.s32 @!p1 $0x0  }
0x14: {  	s2 =	sld [smem:$0x3F94];
	s0 =	simm.s32 @p1 $0x1  }
0x15: {  	[smem:$0x3FB1] =	sst s0;
	s0 =	simm.s32 @!p2 $0x0  }
0x16: {  	s3 =	sld [smem:$0x3FDB];
	s0 =	simm.s32 @p2 $0x1  }
0x17: {  	s4 =	simm.s32 $0x1BF5;
	[smem:$0x3FB3] =	sst s0  }
0x18: {  	s0 =	sld [smem:$0x3F96];
	_ =	swait.ge [sflag:s4], $0x0  }
0x19: {  	s7 =	sld [smem:$0x3F97]  }
0x1a: {  	s8 =	sadd.s32 $0xFFFFE003, lr  }
0x1b: {  	s9 =	sadd.s32 $0xFFFFFEF7, lr;
	s5 =	simm.s32 $0xFFFFFFFF;
	p2 =	slt.u32 s8, $0xFFFFF086  }
0x1c: {  	p1 =	slt.u32 s9, $0xF7A;
	s5 =	simm.s32 @!p2 $0x0  }
0x1d: {  	s5 =	simm.s32 @p1 $0x1;
	p0 =	seq.s32 s7, s2  }
0x1e: {  	s7 =	smul.u32 @!p0 $0xF7A, s2;
	p2 =	seq.s32 @!p0 s5, $0x0  }
0x1f: {  	s9 =	smul.u32 $0xF7A, s1;
	s8 =	simm.s32 @!p0 $0x1BF5;
	p2 =	por !p2, p0  }
0x20: {  	[sflag:s8] =	ssyncset.s32 @!p0 $0xFFFFF086;
	s6 =	sadd.s32 @!p0 s3, s7;
	s7 =	simm.s32 @!p0 $0x108  }
0x21: {  	s3 =	sadd.s32 s3, s9;
	s6 =	sadd.s32 @!p0 $0x88, s6;
	s7 =	simm.s32 @p2 $0x1082  }
0x22: {  	[simem:s7], [sflag:s8] =	dma.local @!p0 [hbm:s6], $0xF7A  }
0x23: {  	s9 =	sor.u32 $0xD0000000, s2;
	s6 =	simm.s32 $0x108;
	_ =	swait.ge @!p0 [sflag:s8], $0x0  }
0x24: {  	s3 =	sadd.s32 $0x88, s3;
	s6 =	simm.s32 @!p1 $0x1082;
	[sflag:s4] =	ssyncset.s32 $0xFFFFF086  }
0x25: {  	[simem:s6], [sflag:s4] =	dma.local [hbm:s3], $0xF7A  }
0x26: {  	[smem:$0x3F97] =	sst s1;
	(tag) =	ssettag s2;
	_ =	strace s9  }
0x27: {  	s1 =	sld [smem:$0x3FA7]  }
0x28: {  	s2 =	sld [smem:$0x3FA8]  }
0x29: {  	s4 =	sld [smem:$0x3FAA]  }
0x2a: {  	p0 =	seq.s32 s5, $0x0;
	s5 =	sld [smem:$0x3FAB]  }
0x2b: {  	s6 =	sld [smem:$0x3FAC]  }
0x2c: {  	s7 =	sld [smem:$0x3FAD]  }
0x2d: {  	s3 =	simm.s32 $0x108;
	s8 =	sld [smem:$0x3FAE]  }
0x2e: {  	s3 =	simm.s32 @!p0 $0x1082;
	s9 =	sld [smem:$0x3FAF]  }
0x2f: {  	lr =	sadd.s32 s0, s3;
	s0 =	sld [smem:$0x3FA6]  }
0x30: {  	s3 =	sld [smem:$0x3FA9]  }
0x31: {  	[smem:$0x3FB2] =	sst s10  }
0x32: {  	s10 =	sld [smem:$0x3FB0];
	_ =	sdelay $0x3  }
0x33: {  	p0 =	seq.s32 s10, $0x1;
	s10 =	sld [smem:$0x3FB2];
	_ =	sdelay $0x3  }
0x34: {  	[smem:$0x3FB2] =	sst s10  }
0x35: {  	s10 =	sld [smem:$0x3FB1];
	_ =	sdelay $0x3  }
0x36: {  	p1 =	seq.s32 s10, $0x1;
	s10 =	sld [smem:$0x3FB2];
	_ =	sdelay $0x3  }
0x37: {  	[smem:$0x3FB2] =	sst s10  }
0x38: {  	s10 =	sld [smem:$0x3FB3]  }
0x39: {  	_ = 	snop;
	(pc) =	sbr.ind lr, $3  }
0x3a: {  	_ = 	snop  }
0x3b: {  	_ = 	snop  }
0x3c: {  	p2 =	seq.s32 s10, $0x1;
	s10 =	sld [smem:$0x3FB2]  }
0x3d: {  	_ =	shalt  }
0x3e: {  	_ =	shalt  }
0x3f: {  	_ =	shalt  }
0x40: {  	_ =	shalt  }
0x41: {  	_ =	shalt  }
0x42: {  	_ =	shalt  }
0x43: {  	_ =	shalt  }
0x44: {  	_ =	shalt  }
0x45: {  	_ =	shalt  }
0x46: {  	_ =	shalt  }
0x47: {  	_ =	shalt  }
0x48: {  	_ =	shalt  }
0x49: {  	_ =	shalt  }
0x4a: {  	_ =	shalt  }
0x4b: {  	_ =	shalt  }
0x4c: {  	_ =	shalt  }
0x4d: {  	_ =	shalt  }
0x4e: {  	_ =	shalt  }
0x4f: {  	_ =	shalt  }
0x50: {  	_ =	shalt  }
0x51: {  	_ =	shalt  }
0x52: {  	_ =	shalt  }
0x53: {  	_ =	shalt  }
0x54: {  	_ =	shalt  }
0x55: {  	_ =	shalt  }
0x56: {  	_ =	shalt  }
0x57: {  	_ =	shalt  }
0x58: {  	_ =	shalt  }
0x59: {  	_ =	shalt  }
0x5a: {  	_ =	shalt  }
0x5b: {  	_ =	shalt  }
0x5c: {  	_ =	shalt  }
0x5d: {  	_ =	shalt  }
0x5e: {  	_ =	shalt  }
0x5f: {  	_ =	shalt  }
0x60: {  	_ =	shalt  }
0x61: {  	_ =	shalt  }
0x62: {  	_ =	shalt  }
0x63: {  	_ =	shalt  }
0x64: {  	_ =	shalt  }
0x65: {  	_ =	shalt  }
0x66: {  	_ =	shalt  }
0x67: {  	_ =	shalt  }
0x68: {  	_ =	shalt  }
0x69: {  	_ =	shalt  }
0x6a: {  	_ =	shalt  }
0x6b: {  	_ =	shalt  }
0x6c: {  	_ =	shalt  }
0x6d: {  	_ =	shalt  }
0x6e: {  	_ =	shalt  }
0x6f: {  	_ =	shalt  }
0x70: {  	_ =	shalt  }
0x71: {  	_ =	shalt  }
0x72: {  	_ =	shalt  }
0x73: {  	_ =	shalt  }
0x74: {  	_ =	shalt  }
0x75: {  	_ =	shalt  }
0x76: {  	_ =	shalt  }
0x77: {  	_ =	shalt  }
0x78: {  	_ =	shalt  }
0x79: {  	_ =	shalt  }
0x7a: {  	_ =	shalt  }
0x7b: {  	_ =	shalt  }
0x7c: {  	_ =	shalt  }
0x7d: {  	_ =	shalt  }
0x7e: {  	_ =	shalt  }
0x7f: {  	_ =	shalt  }
0x80: {  	_ =	shalt  }
0x81: {  	_ =	shalt  }
0x82: {  	_ =	shalt  }
0x83: {  	_ =	shalt  }
0x84: {  	_ =	shalt  }
0x85: {  	_ =	shalt  }
0x86: {  	_ =	shalt  }
0x87: {  	_ =	shalt  }
.Lfunc_end0:
.L_simem_size_0:
called_computation.1_lowered:
.L_overlay_start_0:
0x88: {  	s2 =	sld [smem:$0x3FD9]  }
0x89: {  	s3 =	sld [smem:$0x3FFE];
	_ =	sdelay $0x1  }
0x8a: {  	s1 =	srdreg.scid  }
0x8b: {  	s0 =	sand.u32 $0x1, s1  }
0x8c: {  	s17 =	sshll.u32 s0, $0xA;
	s2 =	sadd.s32 s3, s2  }
0x8d: {  	s2 =	sadd.s32 s2, s17  }
0x8e: {  	[smem:$0x3FBE] =	sst s2  }
0x8f: {  	_ = 	snop  }
0x90: {  	s2 =	sld [smem:$0x3FD0];
	(tm) =	ssettm $0x1  }
0x91: {  	s18 =	sld [smem:$0x3FFB];
	_ =	sdelay $0x3  }
0x92: {  	_ =	strace s18  }
0x93: {  	s3 =	sld [smem:$0x3FFC];
	_ =	sdelay $0x3  }
0x94: {  	_ =	strace s3  }
0x95: {  	s3 =	sld [smem:$0x3FFD];
	_ =	sdelay $0x3  }
0x96: {  	_ =	strace s3  }
0x97: {  	_ =	strace $0x8FFFFFFF  }
0x98: {  	s19 =	sld [smem:$0x3FDB];
	_ =	sdelay $0x1  }
0x99: {  	s4 =	simm.s32 $_scs_section_size  }
0x9a: {  	s5 =	simm.s32 $_size__tile_overlayer_lowered;
	s6 =	simm.s32 $_tile_overlayer_lowered  }
0x9b: {  	s22 =	simm.s32 $0x1BFF;
	s21 =	sshll.u32 s6, $0x1;
	s3 =	sadd.s32 s4, s19  }
0x9c: {  	s7 =	simm.s32 $0x0;
	s20 =	sshll.u32 s5, $0x1;
	s5 =	sadd.s32 s21, s3  }
0x9d: {  	[timem:s7], [sflag:s22] =	dma.local [hbm:s5], s20  }
0x9e: {  	_ =	swait.ge [sflag:s22], s20  }
0x9f: {  	s4 =	ssub.s32 $0x0, s20;
	[sflag:s22] =	ssyncset.done $0x0  }
0xa0: {  	[sflag:s22] =	ssyncadd.s32 s4;
	_ =	sdelay $0x1  }
0xa1: {  	s23 =	simm.s32 $0x1B8B  }
0xa2: {  	_ =	swait.ge [sflag:s23], $0x1  }
0xa3: {  	[sflag:s23] =	ssyncset.done $0x0  }
0xa4: {  	s25 =	simm.s32 $0x1B8E;
	s24 =	sld [smem:$0x3FFE];
	[sflag:s23] =	ssyncadd.s32 $0xFFFFFFFF  }
0xa5: {  	s26 =	simm.s32 $execute0_lowered;
	[smem:$0x3FD2] =	sst s25  }
0xa6: {  	s5 =	sshll.u32 s26, $0x1;
	_ =	strace $0x80000049;
	[dreg:$0x1] =	wrdreg $0xFFFFFFFF  }
0xa7: {  	s28 =	simm.s32 $_size_execute0_lowered;
	s3 =	sadd.s32 s3, s5;
	[dreg:$0x0] =	wrdreg $0x0  }
0xa8: {  	s5 =	sshll.u32 s28, $0x1;
	[dreg:$0x2] =	wrdreg s3  }
0xa9: {  	[dreg:$0x3] =	wrdreg s5  }
0xaa: {  	[dreg:$0x4] =	wrdreg $0xC0  }
0xab: {  	_ =	task [dreg:s7], $0x5FFFF  }
0xac: {  	[dreg:$0x1] =	wrdreg $0xFFFFFFFF  }
0xad: {  	[dreg:$0x0] =	wrdreg $0x60  }
0xae: {  	[dreg:$0x2] =	wrdreg s24  }
0xaf: {  	[dreg:$0x3] =	wrdreg s2  }
0xb0: {  	[dreg:$0x4] =	wrdreg $0x22000  }
0xb1: {  	[dreg:$0x5] =	wrdreg $0x9  }
0xb2: {  	_ =	task.clear_ibuf [dreg:s7], $0x6FFFF;
	_ =	strace $0x90000049  }
0xb3: {  	s29 =	simm.s32 $0x9;
	_ =	strace $0x8000004B  }
0xb4: {  	_ =	swait.ge [sflag:s29], $0x1  }
0xb5: {  	[sflag:s29] =	ssyncadd.s32 $0xFFFFFFFF  }
0xb6: {  	_ =	strace $0x9000004B  }
0xb7: {  	_ =	sfence  }
0xb8: {  	s30 =	sld [smem:$0x0];
	_ =	sdelay $0x2  }
0xb9: {  	s31 =	sshll.u32 s1, $0xD;
	s1 =	sshrl.u32 s1, $0x2  }
0xba: {  	s3 =	sand.u32 $0x4000, s31;
	s1 =	sadd.s32 s1, s30  }
0xbb: {  	s0 =	sor.u32 s3, s0;
	s1 =	sshll.u32 s1, $0x11  }
0xbc: {  	s0 =	sor.u32 s1, s0  }
0xbd: {  	s0 =	sadd.s32 $0x8F2B, s0  }
0xbe: {  	[sflag:s0] =	ssyncadd.remote.s32 $0x1  }
0xbf: {  	_ =	sfence.sel $0xFFFF  }
0xc0: {  	[dreg:$0x0] =	wrdreg $0xFFFFFFFF;
	(pc) =	sbr.abs _section_cstart, $3  }
0xc1: {  	[dreg:$0x1] =	wrdreg $0xFFFFFFFF  }
0xc2: {  	_ =	task.clear_ibuf [dreg:s7], $0x2FFFF;
	_ =	strace $0x9FFFFFFF  }
0xc3: {  	(tm) =	ssettm $0x7FFFFFFF  }
tec
execute0_lowered:
.L_overlay_start_1:
0x0: {  	(tag) =	ssettag $0x1  }
0x1: {  	s0 =	srdreg.scid;
	s2 =	rddreg [dreg:$0x0]  }
0x2: {  	s29 =	stileid.u32;
	s28 =	rddreg [dreg:$0x1]  }
0x3: {  	s1 =	simm.s32 $0x0;
	s31 =	rddreg [dreg:$0x2];
	s4 =	smul.u32 $0x280, s29  }
0x4: {  	s3 =	sand.u32 $0x1, s0;
	s6 =	smul.u32 $0x2800, s29;
	s7 =	sadd.s32 $0x2BA00, s2  }
0x5: {  	s21 =	smul.u32 $0x14000, s29;
	[smem:$0x7FF] =	sst s1;
	s0 =	ssub.s32 $0x2, s3  }
0x6: {  	s14 =	smul.u32 $0x140000, s3;
	s5 =	sshrl.u32 s0, $0x1;
	s6 =	sadd.s32 s7, s6  }
0x7: {  	s8 =	sadd.s32 $0x80, s4;
	s12 =	sadd.s32 $0xC0, s4;
	s13 =	sadd.s32 $0x100, s4  }
0x8: {  	s15 =	sadd.s32 $0x140, s4;
	s16 =	sadd.s32 $0x180, s4;
	s17 =	sadd.s32 $0x1C0, s4  }
0x9: {  	s20 =	sadd.s32 $0x200, s4;
	s0 =	ssub.s32 s0, s5;
	[dreg:$0x4] =	wrdreg s6  }
0xa: {  	s6 =	sor.u32 $0x40, s4;
	s10 =	sshll.u32 s8, $0x4;
	s23 =	sshll.u32 s12, $0x4  }
0xb: {  	s24 =	sshll.u32 s13, $0x4;
	s25 =	sshll.u32 s15, $0x4;
	s30 =	sshll.u32 s16, $0x4  }
0xc: {  	s11 =	sshll.u32 s20, $0x4;
	s21 =	sadd.s32 s14, s21;
	s5 =	sshll.u32 s20, $0x7  }
0xd: {  	s9 =	sshll.u32 s6, $0x4;
	s22 =	sadd.s32 s7, s10;
	s26 =	sadd.s32 s7, s25  }
0xe: {  	s10 =	sshll.u32 s17, $0x4;
	s9 =	sadd.s32 s7, s9;
	[dreg:$0x6] =	wrdreg s22  }
0xf: {  	[dreg:$0x9] =	wrdreg s26;
	s22 =	sadd.s32 $0x240, s4;
	s18 =	sadd.s32 s7, s10  }
0x10: {  	s10 =	sadd.s32 s7, s11;
	[dreg:$0x5] =	wrdreg s9;
	s9 =	sadd.s32 s7, s23  }
0x11: {  	[dreg:$0xb] =	wrdreg s18;
	s19 =	sshll.u32 s22, $0x4;
	s23 =	sshrl.u32 s21, $0x3  }
0x12: {  	s18 =	sshll.u32 s6, $0x7;
	s21 =	sshll.u32 s12, $0x7;
	s12 =	sshll.u32 s15, $0x7  }
0x13: {  	s6 =	sshll.u32 s22, $0x7;
	s15 =	sadd.s32 $0xA3A00, s2;
	[dreg:$0x7] =	wrdreg s9  }
0x14: {  	s9 =	sadd.s32 s7, s24;
	s4 =	sadd.s32 s7, s19;
	s19 =	sshll.u32 s8, $0x7  }
0x15: {  	s8 =	sadd.s32 $0x53A00, s2;
	s22 =	sadd.s32 s15, s23;
	s24 =	sadd.s32 s14, s18  }
0x16: {  	s26 =	sadd.s32 s14, s21;
	[dreg:$0x8] =	wrdreg s9;
	s9 =	sadd.s32 s7, s30  }
0x17: {  	[dreg:$0xc] =	wrdreg s4;
	s7 =	sshll.u32 s13, $0x7;
	s13 =	sshll.u32 s16, $0x7  }
0x18: {  	s4 =	sshll.u32 s17, $0x7;
	[dreg:$0xd] =	wrdreg s22;
	s23 =	sadd.s32 s8, s23  }
0x19: {  	s16 =	sshrl.u32 s24, $0x3;
	s25 =	sadd.s32 s14, s19;
	[dreg:$0xa] =	wrdreg s9  }
0x1a: {  	s20 =	sshrl.u32 s26, $0x3;
	s26 =	sadd.s32 s14, s5;
	[dreg:$0xe] =	wrdreg s23  }
0x1b: {  	s17 =	sshrl.u32 s25, $0x3;
	s30 =	sadd.s32 s14, s7;
	s9 =	sadd.s32 s14, s12  }
0x1c: {  	s24 =	sadd.s32 s14, s13;
	s25 =	sadd.s32 s14, s4;
	s11 =	sadd.s32 s8, s16  }
0x1d: {  	s22 =	sshrl.u32 s30, $0x3;
	[dreg:$0xf] =	wrdreg s11;
	s30 =	sadd.s32 s8, s17  }
0x1e: {  	s14 =	sadd.s32 s14, s6;
	s11 =	sadd.s32 s8, s20;
	[dreg:$0x10] =	wrdreg s30  }
0x1f: {  	s23 =	sshrl.u32 s9, $0x3;
	[dreg:$0x11] =	wrdreg s11;
	s30 =	sadd.s32 s8, s22  }
0x20: {  	s24 =	sshrl.u32 s24, $0x3;
	s11 =	sadd.s32 s8, s23;
	[dreg:$0x12] =	wrdreg s30  }
0x21: {  	s25 =	sshrl.u32 s25, $0x3;
	[dreg:$0x13] =	wrdreg s11;
	s30 =	sadd.s32 s8, s24  }
0x22: {  	s26 =	sshrl.u32 s26, $0x3;
	s11 =	sadd.s32 s8, s25;
	[dreg:$0x14] =	wrdreg s30  }
0x23: {  	s14 =	sshrl.u32 s14, $0x3;
	[dreg:$0x15] =	wrdreg s11;
	s30 =	sadd.s32 s8, s26  }
0x24: {  	s8 =	sadd.s32 s8, s14;
	[dreg:$0x16] =	wrdreg s30  }
0x25: {  	s11 =	sadd.s32 s15, s16;
	[dreg:$0x17] =	wrdreg s8  }
0x26: {  	s16 =	sadd.s32 s15, s17;
	[dreg:$0x18] =	wrdreg s11  }
0x27: {  	s17 =	sadd.s32 s15, s20;
	[dreg:$0x19] =	wrdreg s16  }
0x28: {  	s20 =	sadd.s32 s15, s22;
	[dreg:$0x1a] =	wrdreg s17  }
0x29: {  	s22 =	sadd.s32 s15, s23;
	[dreg:$0x1b] =	wrdreg s20  }
0x2a: {  	s3 =	sshll.u32 s3, $0x4;
	s23 =	sadd.s32 s15, s24;
	[dreg:$0x1c] =	wrdreg s22  }
0x2b: {  	s3 =	sor.u32 s29, s3;
	s24 =	sadd.s32 s15, s25;
	[dreg:$0x1d] =	wrdreg s23  }
0x2c: {  	s0 =	smax.u32 s0, $0x1;
	s25 =	sadd.s32 s15, s26;
	[dreg:$0x1e] =	wrdreg s24  }
0x2d: {  	s18 =	sadd.s32 s18, s31;
	s26 =	sadd.s32 s15, s14;
	[dreg:$0x1f] =	wrdreg s25  }
0x2e: {  	s19 =	sadd.s32 s19, s31;
	s9 =	sshll.u32 s29, $0x6;
	[smem:$0x7F2] =	sst s26  }
0x2f: {  	s14 =	sadd.s32 $0xD400, s2;
	_ =	strace $0x8000004A;
	[smem:$0x7F3] =	sst s0  }
0x30: {  	s15 =	sadd.s32 $0x3200, s2;
	s30 =	smul.u32 $0x50000, s29;
	[smem:$0x7F5] =	sst s18  }
0x31: {  	s16 =	sadd.s32 $0x17600, s2;
	s22 =	sadd.s32 s21, s31;
	[smem:$0x7F6] =	sst s19  }
0x32: {  	s17 =	smul.u32 $0x2880, s3;
	s23 =	sadd.s32 s7, s31;
	[smem:$0x7F7] =	sst s22  }
0x33: {  	v0 =	vimm.s32 $0x0;
	v1 =	vimm.s32 $0x1;
	v2 =	vimm.s32 $0x2;
	s20 =	sor.u32 $0x1C01, s9;
	s24 =	sadd.s32 s12, s31;
	[smem:$0x7F8] =	sst s23  }
0x34: {  	v3 =	vimm.s32 $0x3;
	v4 =	vimm.s32 $0x4;
	v5 =	vimm.s32 $0x5;
	s25 =	sadd.s32 s13, s31;
	s26 =	sadd.s32 s4, s31;
	[smem:$0x7F9] =	sst s24  }
0x35: {  	v6 =	vimm.s32 $0x6;
	v7 =	vimm.s32 $0x7;
	v8 =	vimm.s32 $0x8;
	s29 =	sadd.s32 s5, s31;
	s12 =	simm.s32 $0x1;
	[smem:$0x7FA] =	sst s25  }
0x36: {  	v9 =	vimm.s32 $0x9;
	v10 =	vimm.s32 $0xA;
	v11 =	vimm.s32 $0xB;
	s13 =	simm.s32 $0x2180;
	s21 =	simm.s32 $0x40;
	[smem:$0x7FB] =	sst s26  }
0x37: {  	v12 =	vimm.s32 $0xC;
	v13 =	vimm.f32 $0.0e+00;
	vm0 =	vcmask $0x300;
	[smem:$0x7FC] =	sst s29;
	s8 =	sshrl.u32 s30, $0x2;
	s30 =	sadd.s32 s6, s31  }
0x38: {  	v14 =	vimm.s32 $0xD;
	vm15 =	vcmask $0x704;
	v16 =	vimm.s32 $0xE;
	s18 =	simm.s32 $0x80;
	s11 =	sadd.s32 s8, s31;
	[smem:$0x7FD] =	sst s30  }
0x39: {  	v17 =	vimm.s32 $0xF;
	v15 =	vsel vm0, $0x3F800000, v13;
	v18 =	vsel vm15, $0x3F800000, v13;
	s19 =	simm.s32 $0x100;
	s22 =	simm.s32 $0x180;
	[smem:$0x7F4] =	sst s11  }
.LBB2_1:
0x3a: {  	s0 =	sld [smem:$0x7F4];
	_ =	sdelay $0x2  }
0x3b: {  	s8 =	rddreg [dreg:$0x4];
	s23 =	sshrl.u32 s0, $0x3  }
0x3c: {  	[spmem:s23], [sflag:s20] =	dma.local [hbm:s8], $0x400  }
0x3d: {  	_ =	swait.ge [sflag:s12], $0x400  }
0x3e: {  	s9 =	sld [smem:$0x7F5];
	_ =	sdelay $0x1  }
0x3f: {  	[sflag:s12] =	ssyncset.done $0x0  }
0x40: {  	s11 =	rddreg [dreg:$0x5];
	[sflag:s12] =	ssyncadd.s32 $0xFFFFFC00;
	s24 =	sshrl.u32 s9, $0x3  }
0x41: {  	[spmem:s24], [sflag:s20] =	dma.local [hbm:s11], $0x400  }
0x42: {  	_ =	swait.ge [sflag:s12], $0x400  }
0x43: {  	s25 =	sld [smem:$0x7F6];
	_ =	sdelay $0x1  }
0x44: {  	[sflag:s12] =	ssyncset.done $0x0  }
0x45: {  	s26 =	rddreg [dreg:$0x6];
	[sflag:s12] =	ssyncadd.s32 $0xFFFFFC00;
	s25 =	sshrl.u32 s25, $0x3  }
0x46: {  	[spmem:s25], [sflag:s20] =	dma.local [hbm:s26], $0x400  }
0x47: {  	_ =	swait.ge [sflag:s12], $0x400  }
0x48: {  	s2 =	sld [smem:$0x7F7];
	_ =	sdelay $0x1  }
0x49: {  	[sflag:s12] =	ssyncset.done $0x0  }
0x4a: {  	s3 =	rddreg [dreg:$0x7];
	[sflag:s12] =	ssyncadd.s32 $0xFFFFFC00;
	s29 =	sshrl.u32 s2, $0x3  }
0x4b: {  	[spmem:s29], [sflag:s20] =	dma.local [hbm:s3], $0x400  }
0x4c: {  	_ =	swait.ge [sflag:s12], $0x400  }
0x4d: {  	s4 =	sld [smem:$0x7F8];
	_ =	sdelay $0x1  }
0x4e: {  	[sflag:s12] =	ssyncset.done $0x0  }
0x4f: {  	s5 =	rddreg [dreg:$0x8];
	[sflag:s12] =	ssyncadd.s32 $0xFFFFFC00;
	s30 =	sshrl.u32 s4, $0x3  }
0x50: {  	[spmem:s30], [sflag:s20] =	dma.local [hbm:s5], $0x400  }
0x51: {  	_ =	swait.ge [sflag:s12], $0x400  }
0x52: {  	s6 =	sld [smem:$0x7F9];
	_ =	sdelay $0x1  }
0x53: {  	[sflag:s12] =	ssyncset.done $0x0  }
0x54: {  	s7 =	rddreg [dreg:$0x9];
	[sflag:s12] =	ssyncadd.s32 $0xFFFFFC00;
	s26 =	sshrl.u32 s6, $0x3  }
0x55: {  	[spmem:s26], [sflag:s20] =	dma.local [hbm:s7], $0x400  }
0x56: {  	_ =	swait.ge [sflag:s12], $0x400  }
0x57: {  	s8 =	sld [smem:$0x7FA];
	_ =	sdelay $0x1  }
0x58: {  	[sflag:s12] =	ssyncset.done $0x0  }
0x59: {  	s2 =	rddreg [dreg:$0xa];
	[sflag:s12] =	ssyncadd.s32 $0xFFFFFC00;
	s0 =	sshrl.u32 s8, $0x3  }
0x5a: {  	[spmem:s0], [sflag:s20] =	dma.local [hbm:s2], $0x400  }
0x5b: {  	_ =	swait.ge [sflag:s12], $0x400  }
0x5c: {  	s9 =	sld [smem:$0x7FB];
	_ =	sdelay $0x1  }
0x5d: {  	[sflag:s12] =	ssyncset.done $0x0  }
0x5e: {  	s3 =	rddreg [dreg:$0xb];
	[sflag:s12] =	ssyncadd.s32 $0xFFFFFC00;
	s2 =	sshrl.u32 s9, $0x3  }
0x5f: {  	[spmem:s2], [sflag:s20] =	dma.local [hbm:s3], $0x400  }
0x60: {  	_ =	swait.ge [sflag:s12], $0x400  }
0x61: {  	s11 =	sld [smem:$0x7FC];
	_ =	sdelay $0x1  }
0x62: {  	[sflag:s12] =	ssyncset.done $0x0  }
0x63: {  	[sflag:s12] =	ssyncadd.s32 $0xFFFFFC00;
	s3 =	sshrl.u32 s11, $0x3  }
0x64: {  	[spmem:s3], [sflag:s20] =	dma.local [hbm:s10], $0x400  }
0x65: {  	_ =	swait.ge [sflag:s12], $0x400  }
0x66: {  	s4 =	sld [smem:$0x7FD];
	_ =	sdelay $0x1  }
0x67: {  	[sflag:s12] =	ssyncset.done $0x0  }
0x68: {  	s5 =	rddreg [dreg:$0xc];
	[sflag:s12] =	ssyncadd.s32 $0xFFFFFC00;
	s4 =	sshrl.u32 s4, $0x3  }
0x69: {  	[spmem:s4], [sflag:s20] =	dma.local [hbm:s5], $0x400  }
0x6a: {  	_ =	swait.ge [sflag:s12], $0x400  }
0x6b: {  	[sflag:s12] =	ssyncset.done $0x0  }
0x6c: {  	[sflag:s12] =	ssyncadd.s32 $0xFFFFFC00  }
0x6d: {  	s11 =	smov.u32 s10;
	s5 =	simm.s32 $0x0;
	[bflag:$0x0] =	sbarrier.arrive $0xFFFF  }
.LBB2_2:
0x6e: {  	s7 =	sshll.u32 s5, $0x6  }
0x6f: {  	s8 =	sadd.s32 s17, s7  }
0x70: {  	s9 =	sshrl.u32 s8, $0x3  }
0x71: {  	s6 =	simm.s32 $0x0;
	s10 =	sadd.s32 s14, s9  }
0x72: {  	[tilespmem:s6], [sflag:$0x1] =	stream.linear.gather [hbm4b:s10+s6], $0x40, $0x38;
	[tilespmem:$0x16200] =	vst v63  }
0x73: {  	_ =	swait.ge [sflag:s12], $0x40  }
0x74: {  	s7 =	sand.u32 $0x40, s7;
	s8 =	sshll.u32 s8, $0x1;
	[sflag:s12] =	ssyncset.done $0x0  }
0x75: {  	s9 =	sadd.s32 s15, s9;
	s10 =	sand.u32 $0x7FFFFF00, s8;
	[sflag:s12] =	ssyncadd.s32 $0xFFFFFFC0  }
0x76: {  	[tilespmem:s13], [sflag:$0x1] =	stream.linear.gather [hbm4b:s9+s6], $0x40, $0x38;
	[tilespmem:$0x16200] =	vst v63  }
0x77: {  	s9 =	sor.u32 s7, s10;
	_ =	swait.ge [sflag:s12], $0x40  }
0x78: {  	s9 =	sshrl.u32 s9, $0x3;
	[sflag:s12] =	ssyncset.done $0x0  }
0x79: {  	s7 =	sor.u32 s7, s8;
	s9 =	sadd.s32 s16, s9;
	[sflag:s12] =	ssyncadd.s32 $0xFFFFFFC0  }
0x7a: {  	[tilespmem:s18], [sflag:$0x1] =	stream.linear.gather [hbm4b:s9+s6], $0x40, $0x38;
	[tilespmem:$0x16200] =	vst v63  }
0x7b: {  	s7 =	sshrl.u32 s7, $0x3;
	_ =	swait.ge [sflag:s12], $0x40  }
0x7c: {  	s7 =	sor.u32 $0x10, s7;
	[sflag:s12] =	ssyncset.done $0x0  }
0x7d: {  	s7 =	sadd.s32 s16, s7;
	[sflag:s12] =	ssyncadd.s32 $0xFFFFFFC0  }
0x7e: {  	[tilespmem:s19], [sflag:$0x1] =	stream.linear.gather [hbm4b:s7+s6], $0x40, $0x38;
	[tilespmem:$0x16200] =	vst v63  }
0x7f: {  	_ =	swait.ge [sflag:s12], $0x40  }
0x80: {  	[sflag:s12] =	ssyncset.done $0x0  }
0x81: {  	[sflag:s12] =	ssyncadd.s32 $0xFFFFFFC0  }
0x82: {  	[tilespmem:s22], [sflag:$0x1] =	stream.indirect.gather [hbm4b:s28+s21], $0x80, s6, s21, $0xb8;
	[tilespmem:$0x16200] =	vst v63  }
0x83: {  	_ =	swait.ge [sflag:s12], $0x2000  }
0x84: {  	[sflag:s12] =	ssyncset.done $0x0  }
0x85: {  	[sflag:s12] =	ssyncadd.s32 $0xFFFFE000  }
.LBB2_3:
0x86: {  	s7 =	sshll.u32 s6, $0x4  }
0x87: {  	s8 =	sshll.u32 s6, $0xB;
	v20 =	vld [tilespmem:s7+$0x80]  }
0x88: {  	v19 =	vld [tilespmem:s7+$0x100];
	s10 =	sand.u32 $0x3FFFF800, s8  }
0x89: {  	v21 =	vld [tilespmem:s10+$0x180]  }
0x8a: {  	v22 =	vld [tilespmem:s10+$0x190]  }
0x8b: {  	v23 =	vld [tilespmem:s10+$0x1A0]  }
0x8c: {  	v25 =	vld [tilespmem:s10+$0x1B0];
	v24 =	vperm.xlane v20, v0  }
0x8d: {  	v26 =	vld [tilespmem:s10+$0x1C0]  }
0x8e: {  	v27 =	vld [tilespmem:s10+$0x1D0];
	v21 =	vmul.f32 v21, v24  }
0x8f: {  	v28 =	vld [tilespmem:s10+$0x1E0];
	v22 =	vmul.f32 v22, v24  }
0x90: {  	v50 =	vld [tilespmem:s10+$0x1F0];
	v29 =	vperm.xlane v19, v0;
	v49 =	vmul.f32 v23, v24;
	[tilespmem:s10+$0x180] =	vst v21  }
0x91: {  	v52 =	vld [tilespmem:s10+$0x200];
	v51 =	vmul.f32 v25, v24;
	[tilespmem:s10+$0x190] =	vst v22  }
0x92: {  	v54 =	vld [tilespmem:s10+$0x210];
	v53 =	vmul.f32 v26, v29;
	[tilespmem:s10+$0x1A0] =	vst v49  }
0x93: {  	v56 =	vld [tilespmem:s10+$0x220];
	v55 =	vmul.f32 v27, v29;
	[tilespmem:s10+$0x1B0] =	vst v51  }
0x94: {  	v59 =	vld [tilespmem:s10+$0x230];
	v58 =	vperm.xlane v20, v1;
	v57 =	vmul.f32 v28, v29;
	[tilespmem:s10+$0x1C0] =	vst v53  }
0x95: {  	v61 =	vld [tilespmem:s10+$0x240];
	v60 =	vmul.f32 v50, v29;
	[tilespmem:s10+$0x1D0] =	vst v55  }
0x96: {  	v63 =	vld [tilespmem:s10+$0x250];
	v62 =	vmul.f32 v52, v58;
	[tilespmem:s10+$0x1E0] =	vst v57  }
0x97: {  	v33 =	vld [tilespmem:s10+$0x260];
	v32 =	vmul.f32 v54, v58;
	[tilespmem:s10+$0x1F0] =	vst v60  }
0x98: {  	v36 =	vld [tilespmem:s10+$0x270];
	v34 =	vperm.xlane v19, v1;
	v35 =	vmul.f32 v56, v58;
	[tilespmem:s10+$0x200] =	vst v62  }
0x99: {  	v38 =	vld [tilespmem:s10+$0x280];
	v37 =	vmul.f32 v59, v58;
	[tilespmem:s10+$0x210] =	vst v32  }
0x9a: {  	v40 =	vld [tilespmem:s10+$0x290];
	v39 =	vmul.f32 v61, v34;
	[tilespmem:s10+$0x220] =	vst v35  }
0x9b: {  	v42 =	vld [tilespmem:s10+$0x2A0];
	v41 =	vmul.f32 v63, v34;
	[tilespmem:s10+$0x230] =	vst v37  }
0x9c: {  	v45 =	vld [tilespmem:s10+$0x2B0];
	v44 =	vperm.xlane v20, v2;
	v43 =	vmul.f32 v33, v34;
	[tilespmem:s10+$0x240] =	vst v39  }
0x9d: {  	v47 =	vld [tilespmem:s10+$0x2C0];
	v46 =	vmul.f32 v36, v34;
	[tilespmem:s10+$0x250] =	vst v41  }
0x9e: {  	v48 =	vmul.f32 v38, v44;
	v54 =	vld [tilespmem:s10+$0x2F0];
	[tilespmem:s10+$0x260] =	vst v43  }
0x9f: {  	v50 =	vmul.f32 v40, v44;
	v56 =	vld [tilespmem:s10+$0x300];
	[tilespmem:s10+$0x270] =	vst v46  }
0xa0: {  	v52 =	vperm.xlane v19, v2;
	v58 =	vld [tilespmem:s10+$0x310];
	[tilespmem:s10+$0x280] =	vst v48;
	v53 =	vmul.f32 v42, v44  }
0xa1: {  	v63 =	vld [tilespmem:s10+$0x330];
	[tilespmem:s10+$0x290] =	vst v50;
	v55 =	vmul.f32 v45, v44  }
0xa2: {  	v34 =	vld [tilespmem:s10+$0x350];
	v57 =	vmul.f32 v47, v52;
	v62 =	vperm.xlane v20, v3;
	[tilespmem:s10+$0x2A0] =	vst v53  }
0xa3: {  	v36 =	vld [tilespmem:s10+$0x360];
	[tilespmem:s10+$0x2B0] =	vst v55;
	v31 =	vmul.f32 v54, v52  }
0xa4: {  	v49 =	vld [tilespmem:s10+$0x2D0];
	[tilespmem:s10+$0x2C0] =	vst v57;
	v33 =	vmul.f32 v56, v62  }
0xa5: {  	v51 =	vld [tilespmem:s10+$0x2E0];
	v37 =	vperm.xlane v19, v3;
	v35 =	vmul.f32 v58, v62;
	[tilespmem:s10+$0x2F0] =	vst v31  }
0xa6: {  	v60 =	vld [tilespmem:s10+$0x320];
	v40 =	vmul.f32 v63, v62;
	[tilespmem:s10+$0x300] =	vst v33  }
0xa7: {  	v32 =	vld [tilespmem:s10+$0x340];
	v44 =	vmul.f32 v34, v37;
	[tilespmem:s10+$0x310] =	vst v35  }
0xa8: {  	v39 =	vld [tilespmem:s10+$0x370];
	v46 =	vmul.f32 v36, v37;
	[tilespmem:s10+$0x330] =	vst v40  }
0xa9: {  	v41 =	vld [tilespmem:s10+$0x380];
	v59 =	vmul.f32 v49, v52;
	[tilespmem:s10+$0x350] =	vst v44  }
0xaa: {  	v43 =	vld [tilespmem:s10+$0x390];
	v61 =	vmul.f32 v51, v52;
	[tilespmem:s10+$0x360] =	vst v46  }
0xab: {  	v45 =	vld [tilespmem:s10+$0x3A0];
	v38 =	vmul.f32 v60, v62;
	[tilespmem:s10+$0x2D0] =	vst v59  }
0xac: {  	v47 =	vperm.xlane v20, v4;
	v48 =	vld [tilespmem:s10+$0x3B0];
	v42 =	vmul.f32 v32, v37;
	[tilespmem:s10+$0x2E0] =	vst v61  }
0xad: {  	v50 =	vld [tilespmem:s10+$0x3C0];
	v49 =	vmul.f32 v39, v37;
	[tilespmem:s10+$0x320] =	vst v38  }
0xae: {  	v57 =	vld [tilespmem:s10+$0x3F0];
	v51 =	vmul.f32 v41, v47;
	[tilespmem:s10+$0x340] =	vst v42  }
0xaf: {  	v54 =	vld [tilespmem:s10+$0x3E0];
	v53 =	vmul.f32 v43, v47;
	[tilespmem:s10+$0x370] =	vst v49  }
0xb0: {  	v55 =	vperm.xlane v19, v4;
	v63 =	vld [tilespmem:s10+$0x420];
	v56 =	vmul.f32 v45, v47;
	[tilespmem:s10+$0x380] =	vst v51  }
0xb1: {  	v34 =	vld [tilespmem:s10+$0x430];
	v58 =	vmul.f32 v48, v47;
	[tilespmem:s10+$0x390] =	vst v53  }
0xb2: {  	v36 =	vld [tilespmem:s10+$0x440];
	v60 =	vmul.f32 v50, v55;
	[tilespmem:s10+$0x3A0] =	vst v56  }
0xb3: {  	v52 =	vld [tilespmem:s10+$0x3D0];
	v33 =	vperm.xlane v20, v5;
	[tilespmem:s10+$0x3B0] =	vst v58;
	v35 =	vmul.f32 v57, v55  }
0xb4: {  	v40 =	vld [tilespmem:s10+$0x460];
	[tilespmem:s10+$0x3C0] =	vst v60;
	v32 =	vmul.f32 v54, v55  }
0xb5: {  	v41 =	vperm.xlane v19, v5;
	v43 =	vld [tilespmem:s10+$0x470];
	v42 =	vmul.f32 v63, v33;
	[tilespmem:s10+$0x3F0] =	vst v35  }
0xb6: {  	v45 =	vld [tilespmem:s10+$0x480];
	v44 =	vmul.f32 v34, v33;
	[tilespmem:s10+$0x3E0] =	vst v32  }
0xb7: {  	v47 =	vld [tilespmem:s10+$0x490];
	v46 =	vmul.f32 v36, v41;
	[tilespmem:s10+$0x420] =	vst v42  }
0xb8: {  	v59 =	vld [tilespmem:s10+$0x400];
	v62 =	vmul.f32 v52, v55;
	[tilespmem:s10+$0x430] =	vst v44  }
0xb9: {  	v61 =	vld [tilespmem:s10+$0x410];
	v51 =	vperm.xlane v20, v6;
	[tilespmem:s10+$0x440] =	vst v46;
	v50 =	vmul.f32 v40, v41  }
0xba: {  	v38 =	vld [tilespmem:s10+$0x450];
	v53 =	vmul.f32 v43, v41;
	[tilespmem:s10+$0x3D0] =	vst v62  }
0xbb: {  	v49 =	vld [tilespmem:s10+$0x4A0];
	v55 =	vmul.f32 v45, v51;
	[tilespmem:s10+$0x460] =	vst v50  }
0xbc: {  	v54 =	vld [tilespmem:s10+$0x4C0];
	v57 =	vmul.f32 v47, v51;
	[tilespmem:s10+$0x470] =	vst v53  }
0xbd: {  	v56 =	vld [tilespmem:s10+$0x4D0];
	v37 =	vmul.f32 v59, v33;
	[tilespmem:s10+$0x480] =	vst v55  }
0xbe: {  	v58 =	vld [tilespmem:s10+$0x4E0];
	v39 =	vmul.f32 v61, v33;
	[tilespmem:s10+$0x490] =	vst v57  }
0xbf: {  	v52 =	vld [tilespmem:s10+$0x4B0];
	v48 =	vmul.f32 v38, v41;
	v59 =	vperm.xlane v19, v6;
	[tilespmem:s10+$0x400] =	vst v37  }
0xc0: {  	v40 =	vld [tilespmem:s10+$0x540];
	v60 =	vmul.f32 v49, v51;
	[tilespmem:s10+$0x410] =	vst v39  }
0xc1: {  	v42 =	vld [tilespmem:s10+$0x550];
	[tilespmem:s10+$0x450] =	vst v48;
	v32 =	vmul.f32 v54, v59  }
0xc2: {  	v44 =	vld [tilespmem:s10+$0x560];
	[tilespmem:s10+$0x4A0] =	vst v60;
	v34 =	vmul.f32 v56, v59  }
0xc3: {  	v45 =	vperm.xlane v19, v7;
	v47 =	vld [tilespmem:s10+$0x570];
	v36 =	vmul.f32 v58, v59;
	[tilespmem:s10+$0x4C0] =	vst v32  }
0xc4: {  	v63 =	vld [tilespmem:s10+$0x500];
	v62 =	vmul.f32 v52, v51;
	[tilespmem:s10+$0x4D0] =	vst v34  }
0xc5: {  	v35 =	vld [tilespmem:s10+$0x520];
	v50 =	vmul.f32 v40, v45;
	[tilespmem:s10+$0x4E0] =	vst v36  }
0xc6: {  	v61 =	vld [tilespmem:s10+$0x4F0];
	v52 =	vmul.f32 v42, v45;
	[tilespmem:s10+$0x4B0] =	vst v62  }
0xc7: {  	v33 =	vld [tilespmem:s10+$0x510];
	v37 =	vperm.xlane v20, v7;
	v54 =	vmul.f32 v44, v45;
	[tilespmem:s10+$0x540] =	vst v50  }
0xc8: {  	v38 =	vld [tilespmem:s10+$0x530];
	v57 =	vmul.f32 v47, v45;
	[tilespmem:s10+$0x550] =	vst v52  }
0xc9: {  	v49 =	vld [tilespmem:s10+$0x580];
	v41 =	vmul.f32 v63, v37;
	[tilespmem:s10+$0x560] =	vst v54  }
0xca: {  	v53 =	vld [tilespmem:s10+$0x5A0];
	v46 =	vmul.f32 v35, v37;
	[tilespmem:s10+$0x570] =	vst v57  }
0xcb: {  	v56 =	vld [tilespmem:s10+$0x5B0];
	v39 =	vmul.f32 v61, v59;
	[tilespmem:s10+$0x500] =	vst v41  }
0xcc: {  	v55 =	vperm.xlane v20, v8;
	v58 =	vld [tilespmem:s10+$0x5C0];
	v43 =	vmul.f32 v33, v37;
	[tilespmem:s10+$0x520] =	vst v46  }
0xcd: {  	v60 =	vld [tilespmem:s10+$0x5D0];
	v48 =	vmul.f32 v38, v37;
	[tilespmem:s10+$0x4F0] =	vst v39  }
0xce: {  	v51 =	vld [tilespmem:s10+$0x590];
	v59 =	vmul.f32 v49, v55;
	[tilespmem:s10+$0x510] =	vst v43  }
0xcf: {  	v42 =	vld [tilespmem:s10+$0x630];
	v63 =	vperm.xlane v19, v8;
	v32 =	vmul.f32 v53, v55;
	[tilespmem:s10+$0x530] =	vst v48  }
0xd0: {  	v44 =	vld [tilespmem:s10+$0x640];
	[tilespmem:s10+$0x580] =	vst v59;
	v34 =	vmul.f32 v56, v55  }
0xd1: {  	v35 =	vld [tilespmem:s10+$0x600];
	[tilespmem:s10+$0x5A0] =	vst v32;
	v36 =	vmul.f32 v58, v63  }
0xd2: {  	v62 =	vld [tilespmem:s10+$0x5E0];
	v41 =	vperm.xlane v20, v9;
	v38 =	vmul.f32 v60, v63;
	[tilespmem:s10+$0x5B0] =	vst v34  }
0xd3: {  	v33 =	vld [tilespmem:s10+$0x5F0];
	v49 =	vperm.xlane v19, v9;
	v61 =	vmul.f32 v51, v55;
	[tilespmem:s10+$0x5C0] =	vst v36  }
0xd4: {  	v37 =	vld [tilespmem:s10+$0x610];
	v52 =	vmul.f32 v42, v41;
	[tilespmem:s10+$0x5D0] =	vst v38  }
0xd5: {  	v53 =	vld [tilespmem:s10+$0x680];
	v54 =	vmul.f32 v44, v49;
	[tilespmem:s10+$0x590] =	vst v61  }
0xd6: {  	v57 =	vld [tilespmem:s10+$0x6A0];
	v45 =	vmul.f32 v35, v41;
	[tilespmem:s10+$0x630] =	vst v52  }
0xd7: {  	v46 =	vld [tilespmem:s10+$0x650];
	v40 =	vmul.f32 v62, v63;
	[tilespmem:s10+$0x640] =	vst v54  }
0xd8: {  	v39 =	vld [tilespmem:s10+$0x620];
	v59 =	vperm.xlane v20, v10;
	v43 =	vmul.f32 v33, v63;
	[tilespmem:s10+$0x600] =	vst v45  }
0xd9: {  	v48 =	vld [tilespmem:s10+$0x660];
	v47 =	vmul.f32 v37, v41;
	[tilespmem:s10+$0x5E0] =	vst v40  }
0xda: {  	v60 =	vld [tilespmem:s10+$0x6B0];
	v63 =	vmul.f32 v53, v59;
	[tilespmem:s10+$0x5F0] =	vst v43  }
0xdb: {  	v32 =	vld [tilespmem:s10+$0x6D0];
	v36 =	vmul.f32 v57, v59;
	[tilespmem:s10+$0x610] =	vst v47  }
0xdc: {  	v51 =	vld [tilespmem:s10+$0x670];
	v56 =	vmul.f32 v46, v49;
	[tilespmem:s10+$0x680] =	vst v63  }
0xdd: {  	v55 =	vld [tilespmem:s10+$0x690];
	v50 =	vmul.f32 v39, v41;
	[tilespmem:s10+$0x6A0] =	vst v36  }
0xde: {  	v34 =	vld [tilespmem:s10+$0x6E0];
	v35 =	vperm.xlane v19, v10;
	v58 =	vmul.f32 v48, v49;
	[tilespmem:s10+$0x650] =	vst v56  }
0xdf: {  	v62 =	vld [tilespmem:s10+$0x6C0];
	v38 =	vmul.f32 v60, v59;
	[tilespmem:s10+$0x620] =	vst v50  }
0xe0: {  	v37 =	vld [tilespmem:s10+$0x6F0];
	v42 =	vmul.f32 v32, v35;
	[tilespmem:s10+$0x660] =	vst v58  }
0xe1: {  	v52 =	vld [tilespmem:s10+$0x760];
	v61 =	vmul.f32 v51, v49;
	[tilespmem:s10+$0x6B0] =	vst v38  }
0xe2: {  	v57 =	vld [tilespmem:s10+$0x780];
	v33 =	vmul.f32 v55, v59;
	[tilespmem:s10+$0x6D0] =	vst v42  }
0xe3: {  	v46 =	vld [tilespmem:s10+$0x730];
	v44 =	vmul.f32 v34, v35;
	[tilespmem:s10+$0x670] =	vst v61  }
0xe4: {  	v53 =	vperm.xlane v19, v11;
	v39 =	vld [tilespmem:s10+$0x700];
	[tilespmem:s10+$0x690] =	vst v33;
	v40 =	vmul.f32 v62, v35  }
0xe5: {  	v41 =	vld [tilespmem:s10+$0x710];
	v63 =	vperm.xlane v20, v12;
	v47 =	vmul.f32 v37, v35;
	[tilespmem:s10+$0x6E0] =	vst v44  }
0xe6: {  	v45 =	vperm.xlane v20, v11;
	v43 =	vld [tilespmem:s10+$0x720];
	v62 =	vmul.f32 v52, v53;
	[tilespmem:s10+$0x6C0] =	vst v40  }
0xe7: {  	v48 =	vld [tilespmem:s10+$0x740];
	v35 =	vmul.f32 v57, v63;
	[tilespmem:s10+$0x6F0] =	vst v47  }
0xe8: {  	v32 =	vld [tilespmem:s10+$0x7B0];
	v56 =	vmul.f32 v46, v45;
	[tilespmem:s10+$0x760] =	vst v62  }
0xe9: {  	v55 =	vld [tilespmem:s10+$0x770];
	v49 =	vmul.f32 v39, v45;
	[tilespmem:s10+$0x780] =	vst v35  }
0xea: {  	v59 =	vld [tilespmem:s10+$0x790];
	v51 =	vmul.f32 v41, v45;
	[tilespmem:s10+$0x730] =	vst v56  }
0xeb: {  	v50 =	vld [tilespmem:s10+$0x750];
	v54 =	vmul.f32 v43, v45;
	[tilespmem:s10+$0x700] =	vst v49  }
0xec: {  	v34 =	vld [tilespmem:s10+$0x7C0];
	v58 =	vmul.f32 v48, v53;
	[tilespmem:s10+$0x710] =	vst v51  }
0xed: {  	v36 =	vld [tilespmem:s10+$0x7D0];
	v42 =	vmul.f32 v32, v63;
	[tilespmem:s10+$0x720] =	vst v54  }
0xee: {  	v38 =	vld [tilespmem:s10+$0x7E0];
	v33 =	vmul.f32 v55, v53;
	[tilespmem:s10+$0x740] =	vst v58  }
0xef: {  	v61 =	vld [tilespmem:s10+$0x7A0];
	v39 =	vperm.xlane v19, v12;
	v37 =	vmul.f32 v59, v63;
	[tilespmem:s10+$0x7B0] =	vst v42  }
0xf0: {  	v52 =	vld [tilespmem:s10+$0x840];
	v60 =	vmul.f32 v50, v53;
	[tilespmem:s10+$0x770] =	vst v33  }
0xf1: {  	v41 =	vld [tilespmem:s10+$0x7F0];
	v44 =	vmul.f32 v34, v39;
	[tilespmem:s10+$0x790] =	vst v37  }
0xf2: {  	v43 =	vld [tilespmem:s10+$0x800];
	v46 =	vmul.f32 v36, v39;
	[tilespmem:s10+$0x750] =	vst v60  }
0xf3: {  	v57 =	vperm.xlane v19, v14;
	v45 =	vld [tilespmem:s10+$0x810];
	v48 =	vmul.f32 v38, v39;
	[tilespmem:s10+$0x7C0] =	vst v44  }
0xf4: {  	v47 =	vld [tilespmem:s10+$0x820];
	v40 =	vmul.f32 v61, v63;
	[tilespmem:s10+$0x7D0] =	vst v46  }
0xf5: {  	v56 =	vld [tilespmem:s10+$0x860];
	v49 =	vperm.xlane v20, v14;
	v62 =	vmul.f32 v52, v57;
	[tilespmem:s10+$0x7E0] =	vst v48  }
0xf6: {  	v59 =	vld [tilespmem:s10+$0x870];
	[tilespmem:s10+$0x7A0] =	vst v40;
	v51 =	vmul.f32 v41, v39  }
0xf7: {  	v50 =	vld [tilespmem:s10+$0x830];
	v53 =	vmul.f32 v43, v49;
	[tilespmem:s10+$0x840] =	vst v62  }
0xf8: {  	v54 =	vld [tilespmem:s10+$0x850];
	v55 =	vmul.f32 v45, v49;
	[tilespmem:s10+$0x7F0] =	vst v51  }
0xf9: {  	v36 =	vld [tilespmem:s10+$0x8B0];
	v58 =	vmul.f32 v47, v49;
	[tilespmem:s10+$0x800] =	vst v53  }
0xfa: {  	v38 =	vld [tilespmem:s10+$0x8C0];
	v34 =	vmul.f32 v56, v57;
	[tilespmem:s10+$0x810] =	vst v55  }
0xfb: {  	v42 =	vld [tilespmem:s10+$0x8E0];
	v37 =	vmul.f32 v59, v57;
	[tilespmem:s10+$0x820] =	vst v58  }
0xfc: {  	v35 =	vperm.xlane v20, v16;
	v61 =	vld [tilespmem:s10+$0x880];
	v60 =	vmul.f32 v50, v49;
	[tilespmem:s10+$0x860] =	vst v34  }
0xfd: {  	v63 =	vld [tilespmem:s10+$0x890];
	v43 =	vperm.xlane v19, v16;
	v32 =	vmul.f32 v54, v57;
	[tilespmem:s10+$0x870] =	vst v37  }
0xfe: {  	v33 =	vld [tilespmem:s10+$0x8A0];
	v46 =	vmul.f32 v36, v35;
	[tilespmem:s10+$0x830] =	vst v60  }
0xff: {  	v40 =	vld [tilespmem:s10+$0x8D0];
	v48 =	vmul.f32 v38, v43;
	[tilespmem:s10+$0x850] =	vst v32  }
0x100: {  	v45 =	vld [tilespmem:s10+$0x8F0];
	v52 =	vmul.f32 v42, v43;
	[tilespmem:s10+$0x8B0] =	vst v46  }
0x101: {  	v47 =	vld [tilespmem:s10+$0x900];
	v39 =	vmul.f32 v61, v35;
	[tilespmem:s10+$0x8C0] =	vst v48  }
0x102: {  	v59 =	vld [tilespmem:s10+$0x960];
	v41 =	vmul.f32 v63, v35;
	[tilespmem:s10+$0x8E0] =	vst v52  }
0x103: {  	v49 =	vld [tilespmem:s10+$0x910];
	v44 =	vmul.f32 v33, v35;
	[tilespmem:s10+$0x880] =	vst v39  }
0x104: {  	v20 =	vperm.xlane v20, v17;
	v51 =	vld [tilespmem:s10+$0x920];
	[tilespmem:s10+$0x890] =	vst v41;
	v50 =	vmul.f32 v40, v43  }
0x105: {  	v19 =	vperm.xlane v19, v17;
	v53 =	vld [tilespmem:s10+$0x930];
	[tilespmem:s10+$0x8A0] =	vst v44;
	v54 =	vmul.f32 v45, v43  }
0x106: {  	v55 =	vld [tilespmem:s10+$0x940];
	v56 =	vmul.f32 v47, v20;
	[tilespmem:s10+$0x8D0] =	vst v50  }
0x107: {  	v57 =	vld [tilespmem:s10+$0x950];
	v63 =	vmul.f32 v59, v19;
	[tilespmem:s10+$0x8F0] =	vst v54  }
0x108: {  	v61 =	vld [tilespmem:s10+$0x970];
	v58 =	vmul.f32 v49, v20;
	[tilespmem:s10+$0x900] =	vst v56  }
0x109: {  	v60 =	vmul.f32 v51, v20;
	[tilespmem:s10+$0x960] =	vst v63  }
0x10a: {  	p0 =	sne.s32 s6, $0x3;
	v20 =	vmul.f32 v53, v20;
	[tilespmem:s10+$0x910] =	vst v58  }
.Ltmp0:
0x10b: {  	v62 =	vmul.f32 v55, v19;
	[tilespmem:s10+$0x920] =	vst v60;
	(pc) =	sbr.rel @p0 .LBB2_3-.Ltmp0, $4  }
0x10c: {  	[tilespmem:s10+$0x930] =	vst v20;
	v20 =	vmul.f32 v57, v19  }
0x10d: {  	[tilespmem:s10+$0x940] =	vst v62;
	v19 =	vmul.f32 v61, v19  }
0x10e: {  	[tilespmem:s10+$0x950] =	vst v20  }
0x10f: {  	s6 =	sadd.s32 $0x1, s6;
	[tilespmem:s10+$0x970] =	vst v19  }
0x110: {  	s5 =	sadd.s32 $0x1, s5  }
0x111: {  	p0 =	sne.s32 s5, $0xA2  }
.Ltmp1:
0x112: {  	_ = 	snop;
	(pc) =	sbr.rel @p0 .LBB2_2-.Ltmp1, $4  }
0x113: {  	[spmem:s31] =	stream.indirect.scatter.add.f32 [tilespmem:s22], [sflag:$0x1], $0x80, s13, s21, $0xb8;
	[tilespmem:$0x16200] =	vst v63  }
0x114: {  	_ =	swait.ge [sflag:s12], $0x2000  }
0x115: {  	[sflag:s12] =	ssyncset.done $0x0  }
0x116: {  	[sflag:s12] =	ssyncadd.s32 $0xFFFFE000  }
0x117: {  	[bflag:$0x0] =	sbarrier.arrive $0xFFFF  }
0x118: {  	s5 =	rddreg [dreg:$0xe]  }
0x119: {  	[hbm:s5], [sflag:s20] =	dma.local [spmem:s23], $0x400  }
0x11a: {  	_ =	swait.ge [sflag:s12], $0x400  }
0x11b: {  	[sflag:s12] =	ssyncset.done $0x0  }
0x11c: {  	s9 =	rddreg [dreg:$0xf];
	[sflag:s12] =	ssyncadd.s32 $0xFFFFFC00  }
0x11d: {  	[hbm:s9], [sflag:s20] =	dma.local [spmem:s24], $0x400  }
0x11e: {  	_ =	swait.ge [sflag:s12], $0x400  }
0x11f: {  	[sflag:s12] =	ssyncset.done $0x0  }
0x120: {  	s10 =	rddreg [dreg:$0x10];
	[sflag:s12] =	ssyncadd.s32 $0xFFFFFC00  }
0x121: {  	[hbm:s10], [sflag:s20] =	dma.local [spmem:s25], $0x400  }
0x122: {  	_ =	swait.ge [sflag:s12], $0x400  }
0x123: {  	[sflag:s12] =	ssyncset.done $0x0  }
0x124: {  	s6 =	rddreg [dreg:$0x11];
	[sflag:s12] =	ssyncadd.s32 $0xFFFFFC00  }
0x125: {  	[hbm:s6], [sflag:s20] =	dma.local [spmem:s29], $0x400  }
0x126: {  	_ =	swait.ge [sflag:s12], $0x400  }
0x127: {  	[sflag:s12] =	ssyncset.done $0x0  }
0x128: {  	s7 =	rddreg [dreg:$0x12];
	[sflag:s12] =	ssyncadd.s32 $0xFFFFFC00  }
0x129: {  	[hbm:s7], [sflag:s20] =	dma.local [spmem:s30], $0x400  }
0x12a: {  	_ =	swait.ge [sflag:s12], $0x400  }
0x12b: {  	[sflag:s12] =	ssyncset.done $0x0  }
0x12c: {  	s8 =	rddreg [dreg:$0x13];
	[sflag:s12] =	ssyncadd.s32 $0xFFFFFC00  }
0x12d: {  	[hbm:s8], [sflag:s20] =	dma.local [spmem:s26], $0x400  }
0x12e: {  	_ =	swait.ge [sflag:s12], $0x400  }
0x12f: {  	[sflag:s12] =	ssyncset.done $0x0  }
0x130: {  	s9 =	rddreg [dreg:$0x14];
	[sflag:s12] =	ssyncadd.s32 $0xFFFFFC00  }
0x131: {  	[hbm:s9], [sflag:s20] =	dma.local [spmem:s0], $0x400  }
0x132: {  	_ =	swait.ge [sflag:s12], $0x400  }
0x133: {  	[sflag:s12] =	ssyncset.done $0x0  }
0x134: {  	s10 =	rddreg [dreg:$0x15];
	[sflag:s12] =	ssyncadd.s32 $0xFFFFFC00  }
0x135: {  	[hbm:s10], [sflag:s20] =	dma.local [spmem:s2], $0x400  }
0x136: {  	_ =	swait.ge [sflag:s12], $0x400  }
0x137: {  	[sflag:s12] =	ssyncset.done $0x0  }
0x138: {  	s6 =	rddreg [dreg:$0x16];
	[sflag:s12] =	ssyncadd.s32 $0xFFFFFC00  }
0x139: {  	[hbm:s6], [sflag:s20] =	dma.local [spmem:s3], $0x400  }
0x13a: {  	_ =	swait.ge [sflag:s12], $0x400  }
0x13b: {  	[sflag:s12] =	ssyncset.done $0x0  }
0x13c: {  	s7 =	rddreg [dreg:$0x17];
	[sflag:s12] =	ssyncadd.s32 $0xFFFFFC00  }
0x13d: {  	[hbm:s7], [sflag:s20] =	dma.local [spmem:s4], $0x400  }
0x13e: {  	_ =	swait.ge [sflag:s12], $0x400  }
0x13f: {  	[sflag:s12] =	ssyncset.done $0x0  }
0x140: {  	[sflag:s12] =	ssyncadd.s32 $0xFFFFFC00  }
0x141: {  	[bflag:$0x0] =	sbarrier.arrive $0xFFFF  }
0x142: {  	s8 =	rddreg [dreg:$0x4]  }
0x143: {  	[spmem:s23], [sflag:s20] =	dma.local [hbm:s8], $0x400  }
0x144: {  	_ =	swait.ge [sflag:s12], $0x400  }
0x145: {  	[sflag:s12] =	ssyncset.done $0x0  }
0x146: {  	s9 =	rddreg [dreg:$0x5];
	[sflag:s12] =	ssyncadd.s32 $0xFFFFFC00  }
0x147: {  	[spmem:s24], [sflag:s20] =	dma.local [hbm:s9], $0x400  }
0x148: {  	_ =	swait.ge [sflag:s12], $0x400  }
0x149: {  	[sflag:s12] =	ssyncset.done $0x0  }
0x14a: {  	s10 =	rddreg [dreg:$0x6];
	[sflag:s12] =	ssyncadd.s32 $0xFFFFFC00  }
0x14b: {  	[spmem:s25], [sflag:s20] =	dma.local [hbm:s10], $0x400  }
0x14c: {  	_ =	swait.ge [sflag:s12], $0x400  }
0x14d: {  	[sflag:s12] =	ssyncset.done $0x0  }
0x14e: {  	s6 =	rddreg [dreg:$0x7];
	[sflag:s12] =	ssyncadd.s32 $0xFFFFFC00  }
0x14f: {  	[spmem:s29], [sflag:s20] =	dma.local [hbm:s6], $0x400  }
0x150: {  	_ =	swait.ge [sflag:s12], $0x400  }
0x151: {  	[sflag:s12] =	ssyncset.done $0x0  }
0x152: {  	s7 =	rddreg [dreg:$0x8];
	[sflag:s12] =	ssyncadd.s32 $0xFFFFFC00  }
0x153: {  	[spmem:s30], [sflag:s20] =	dma.local [hbm:s7], $0x400  }
0x154: {  	_ =	swait.ge [sflag:s12], $0x400  }
0x155: {  	[sflag:s12] =	ssyncset.done $0x0  }
0x156: {  	s8 =	rddreg [dreg:$0x9];
	[sflag:s12] =	ssyncadd.s32 $0xFFFFFC00  }
0x157: {  	[spmem:s26], [sflag:s20] =	dma.local [hbm:s8], $0x400  }
0x158: {  	_ =	swait.ge [sflag:s12], $0x400  }
0x159: {  	[sflag:s12] =	ssyncset.done $0x0  }
0x15a: {  	s9 =	rddreg [dreg:$0xa];
	[sflag:s12] =	ssyncadd.s32 $0xFFFFFC00  }
0x15b: {  	[spmem:s0], [sflag:s20] =	dma.local [hbm:s9], $0x400  }
0x15c: {  	_ =	swait.ge [sflag:s12], $0x400  }
0x15d: {  	[sflag:s12] =	ssyncset.done $0x0  }
0x15e: {  	s10 =	rddreg [dreg:$0xb];
	[sflag:s12] =	ssyncadd.s32 $0xFFFFFC00  }
0x15f: {  	[spmem:s2], [sflag:s20] =	dma.local [hbm:s10], $0x400  }
0x160: {  	_ =	swait.ge [sflag:s12], $0x400  }
0x161: {  	[sflag:s12] =	ssyncset.done $0x0  }
0x162: {  	[sflag:s12] =	ssyncadd.s32 $0xFFFFFC00  }
0x163: {  	[spmem:s3], [sflag:s20] =	dma.local [hbm:s11], $0x400  }
0x164: {  	_ =	swait.ge [sflag:s12], $0x400  }
0x165: {  	[sflag:s12] =	ssyncset.done $0x0  }
0x166: {  	s10 =	smov.u32 s11;
	s11 =	rddreg [dreg:$0xc];
	[sflag:s12] =	ssyncadd.s32 $0xFFFFFC00  }
0x167: {  	[spmem:s4], [sflag:s20] =	dma.local [hbm:s11], $0x400  }
0x168: {  	_ =	swait.ge [sflag:s12], $0x400  }
0x169: {  	[sflag:s12] =	ssyncset.done $0x0  }
0x16a: {  	s5 =	simm.s32 $0x0;
	[sflag:s12] =	ssyncadd.s32 $0xFFFFFC00  }
0x16b: {  	s6 =	simm.s32 $0x0;
	s7 =	simm.s32 $0x200;
	[bflag:$0x0] =	sbarrier.arrive $0xFFFF  }
.LBB2_6:
0x16c: {  	p0 =	sne.s32 s7, $0x7E00;
	[tilespmem:s6+$0x1F0] =	vst v13  }
0x16d: {  	[tilespmem:s6+$0x180] =	vst v13  }
0x16e: {  	[tilespmem:s6+$0x190] =	vst v13  }
.Ltmp2:
0x16f: {  	[tilespmem:s6+$0x1A0] =	vst v13;
	(pc) =	sbr.rel @p0 .LBB2_6-.Ltmp2, $4  }
0x170: {  	[tilespmem:s6+$0x1B0] =	vst v13  }
0x171: {  	[tilespmem:s6+$0x1C0] =	vst v13  }
0x172: {  	[tilespmem:s6+$0x1D0] =	vst v13  }
0x173: {  	[tilespmem:s6+$0x1E0] =	vst v13;
	s6 =	sshra.s32 s7, $0x2;
	s7 =	sadd.s32 $0x200, s7  }
0x174: {  	[tilespmem:s6+$0x1F0] =	vst v13  }
0x175: {  	[tilespmem:s6+$0x180] =	vst v13  }
0x176: {  	[tilespmem:s6+$0x190] =	vst v13  }
0x177: {  	[tilespmem:s6+$0x1A0] =	vst v13  }
0x178: {  	[tilespmem:s6+$0x1B0] =	vst v13  }
0x179: {  	[tilespmem:s6+$0x1C0] =	vst v13  }
0x17a: {  	[tilespmem:s6+$0x1D0] =	vst v13  }
0x17b: {  	[tilespmem:s6+$0x1E0] =	vst v13  }
.LBB2_8:
0x17c: {  	s6 =	sshll.u32 s5, $0x6  }
0x17d: {  	s7 =	sadd.s32 s17, s6  }
0x17e: {  	s9 =	simm.s32 $0x0;
	s8 =	sshrl.u32 s7, $0x3;
	s7 =	sshll.u32 s7, $0x1  }
0x17f: {  	s6 =	sand.u32 $0x40, s6;
	s8 =	sadd.s32 s15, s8;
	s11 =	sand.u32 $0x7FFFFF00, s7  }
0x180: {  	[tilespmem:s13], [sflag:$0x1] =	stream.linear.gather [hbm4b:s8+s9], $0x40, $0x38;
	[tilespmem:$0x16200] =	vst v63  }
0x181: {  	s8 =	sor.u32 s6, s11;
	_ =	swait.ge [sflag:s12], $0x40  }
0x182: {  	s8 =	sshrl.u32 s8, $0x3;
	[sflag:s12] =	ssyncset.done $0x0  }
0x183: {  	s6 =	sor.u32 s6, s7;
	s8 =	sadd.s32 s16, s8;
	[sflag:s12] =	ssyncadd.s32 $0xFFFFFFC0  }
0x184: {  	[tilespmem:s18], [sflag:$0x1] =	stream.linear.gather [hbm4b:s8+s9], $0x40, $0x38;
	[tilespmem:$0x16200] =	vst v63  }
0x185: {  	s6 =	sshrl.u32 s6, $0x3;
	_ =	swait.ge [sflag:s12], $0x40  }
0x186: {  	s6 =	sor.u32 $0x10, s6;
	[sflag:s12] =	ssyncset.done $0x0  }
0x187: {  	s6 =	sadd.s32 s16, s6;
	[sflag:s12] =	ssyncadd.s32 $0xFFFFFFC0  }
0x188: {  	[tilespmem:s19], [sflag:$0x1] =	stream.linear.gather [hbm4b:s6+s9], $0x40, $0x38;
	[tilespmem:$0x16200] =	vst v63  }
0x189: {  	_ =	swait.ge [sflag:s12], $0x40  }
0x18a: {  	[sflag:s12] =	ssyncset.done $0x0  }
0x18b: {  	s11 =	simm.s32 $0x0;
	[sflag:s12] =	ssyncadd.s32 $0xFFFFFFC0  }
0x18c: {  	v19 =	vld [tilespmem:s11+$0x80]  }
0x18d: {  	v20 =	vld [tilespmem:s11+$0x100];
	_ =	sdelay $0x3  }
0x18e: {  	v21 =	vperm.xlane v19, v1;
	v22 =	vperm.xlane v19, v3  }
0x18f: {  	v23 =	vperm.xlane v19, v2;
	v24 =	vperm.xlane v20, v2  }
0x190: {  	v25 =	vperm.xlane v20, v1;
	v26 =	vperm.xlane v20, v3  }
0x191: {  	v27 =	vperm.xlane v19, v4;
	v28 =	vperm.xlane v20, v4  }
0x192: {  	v29 =	vperm.xlane v19, v5;
	v30 =	vperm.xlane v20, v5  }
0x193: {  	v31 =	vperm.xlane v19, v6;
	v32 =	vperm.xlane v20, v6  }
0x194: {  	v33 =	vperm.xlane v19, v7;
	v34 =	vperm.xlane v20, v7  }
0x195: {  	v35 =	vperm.xlane v19, v8;
	v36 =	vperm.xlane v20, v8  }
0x196: {  	v37 =	vperm.xlane v19, v9;
	v38 =	vperm.xlane v20, v9  }
0x197: {  	v39 =	vperm.xlane v19, v10;
	v59 =	vperm.xlane v20, v10  }
0x198: {  	v61 =	vperm.xlane v19, v11;
	v63 =	vperm.xlane v20, v11  }
0x199: {  	v40 =	vperm.xlane v19, v12;
	v42 =	vperm.xlane v20, v12  }
0x19a: {  	v44 =	vperm.xlane v19, v14;
	v46 =	vperm.xlane v20, v14  }
0x19b: {  	v48 =	vperm.xlane v19, v16;
	v51 =	vperm.xlane v20, v16  }
0x19c: {  	v54 =	vperm.xlane v19, v17;
	v57 =	vperm.xlane v20, v17  }
0x19d: {  	v19 =	vperm.xlane v19, v0;
	v21 =	vmul.f32 v15, v21  }
0x19e: {  	v23 =	vmul.f32 v15, v23;
	v24 =	vmul.f32 v18, v24  }
0x19f: {  	v25 =	vmul.f32 v18, v25;
	v22 =	vmul.f32 v15, v22  }
0x1a0: {  	v26 =	vmul.f32 v18, v26;
	v27 =	vmul.f32 v15, v27;
	v23 =	vadd.f32 v24, v23  }
0x1a1: {  	s6 =	simm.s32 $0x580;
	v28 =	vmul.f32 v18, v28;
	v29 =	vmul.f32 v15, v29;
	v21 =	vadd.f32 v25, v21  }
0x1a2: {  	v30 =	vmul.f32 v18, v30;
	v31 =	vmul.f32 v15, v31;
	v22 =	vadd.f32 v26, v22;
	[tilespmem:s6+$0xFFFFFD00] =	vst v23  }
0x1a3: {  	v32 =	vmul.f32 v18, v32;
	v58 =	vmul.f32 v18, v38;
	v38 =	vadd.f32 v28, v27;
	[tilespmem:s6+$0xFFFFFC80] =	vst v21  }
0x1a4: {  	v33 =	vmul.f32 v15, v33;
	v34 =	vmul.f32 v18, v34;
	v41 =	vadd.f32 v30, v29;
	[tilespmem:s6+$0xFFFFFD80] =	vst v22  }
0x1a5: {  	v35 =	vmul.f32 v15, v35;
	v36 =	vmul.f32 v18, v36;
	v43 =	vadd.f32 v32, v31;
	[tilespmem:s6+$0xFFFFFE00] =	vst v38  }
0x1a6: {  	v20 =	vperm.xlane v20, v0;
	v37 =	vmul.f32 v15, v37;
	v45 =	vadd.f32 v34, v33;
	[tilespmem:s6+$0xFFFFFE80] =	vst v41  }
0x1a7: {  	v60 =	vmul.f32 v15, v39;
	v62 =	vmul.f32 v18, v59;
	v47 =	vadd.f32 v36, v35;
	[tilespmem:s6+$0xFFFFFF00] =	vst v43  }
0x1a8: {  	v53 =	vmul.f32 v15, v48;
	v56 =	vmul.f32 v18, v51;
	v49 =	vadd.f32 v58, v37;
	[tilespmem:s6+$0xFFFFFF80] =	vst v45  }
0x1a9: {  	v19 =	vmul.f32 v15, v19;
	v20 =	vmul.f32 v18, v20;
	v52 =	vadd.f32 v62, v60;
	[tilespmem:s6+$0x0] =	vst v47  }
0x1aa: {  	v39 =	vmul.f32 v15, v61;
	v26 =	vmul.f32 v18, v63;
	v62 =	vadd.f32 v56, v53;
	[tilespmem:s6+$0x80] =	vst v49  }
0x1ab: {  	v28 =	vmul.f32 v15, v40;
	v29 =	vmul.f32 v18, v42;
	v19 =	vadd.f32 v20, v19;
	[tilespmem:s6+$0x100] =	vst v52  }
0x1ac: {  	v50 =	vmul.f32 v18, v46;
	v30 =	vmul.f32 v15, v44;
	v55 =	vadd.f32 v26, v39;
	[tilespmem:s6+$0x300] =	vst v62  }
0x1ad: {  	v61 =	vmul.f32 v18, v57;
	v60 =	vmul.f32 v15, v54;
	v58 =	vadd.f32 v29, v28;
	[tilespmem:s6+$0xFFFFFC00] =	vst v19  }
0x1ae: {  	v59 =	vadd.f32 v50, v30;
	[tilespmem:s6+$0x180] =	vst v55  }
0x1af: {  	v63 =	vadd.f32 v61, v60;
	[tilespmem:s6+$0x200] =	vst v58  }
0x1b0: {  	[tilespmem:s6+$0x280] =	vst v59  }
0x1b1: {  	s8 =	simm.s32 $0x10;
	[tilespmem:s6+$0x380] =	vst v63  }
0x1b2: {  	s7 =	simm.s32 $0x80;
	v19 =	vld [tilespmem:s8+$0x80]  }
.LBB2_9:
0x1b3: {  	p0 =	sne.s32 s7, $0xC0;
	v20 =	vld [tilespmem:s8+$0x100];
	_ =	sdelay $0x3  }
0x1b4: {  	v21 =	vperm.xlane v19, v1;
	v22 =	vperm.xlane v19, v3  }
0x1b5: {  	v23 =	vperm.xlane v19, v2;
	v24 =	vperm.xlane v20, v2  }
0x1b6: {  	v25 =	vperm.xlane v20, v1;
	v21 =	vmul.f32 v15, v21  }
0x1b7: {  	v23 =	vmul.f32 v15, v23;
	v24 =	vmul.f32 v18, v24  }
0x1b8: {  	v26 =	vperm.xlane v20, v3;
	v25 =	vmul.f32 v18, v25  }
0x1b9: {  	v22 =	vmul.f32 v15, v22;
	v23 =	vadd.f32 v24, v23;
	v24 =	vperm.xlane v19, v4  }
0x1ba: {  	s6 =	sadd.s32 $0x800, s6;
	v21 =	vadd.f32 v25, v21;
	v25 =	vmul.f32 v18, v26;
	v26 =	vperm.xlane v20, v4  }
0x1bb: {  	[tilespmem:s6+$0xFFFFFD00] =	vst v23;
	v23 =	vmul.f32 v15, v24;
	v24 =	vperm.xlane v19, v5  }
0x1bc: {  	[tilespmem:s6+$0xFFFFFC80] =	vst v21;
	v21 =	vadd.f32 v25, v22;
	v22 =	vmul.f32 v18, v26;
	v25 =	vperm.xlane v20, v5  }
0x1bd: {  	v26 =	vperm.xlane v19, v6;
	v24 =	vmul.f32 v15, v24  }
0x1be: {  	[tilespmem:s6+$0xFFFFFD80] =	vst v21;
	v21 =	vadd.f32 v22, v23;
	v22 =	vmul.f32 v18, v25;
	v23 =	vperm.xlane v20, v6  }
0x1bf: {  	v25 =	vmul.f32 v15, v26;
	v26 =	vperm.xlane v19, v7  }
0x1c0: {  	[tilespmem:s6+$0xFFFFFE00] =	vst v21;
	v21 =	vadd.f32 v22, v24;
	v22 =	vmul.f32 v18, v23;
	v23 =	vperm.xlane v20, v7  }
0x1c1: {  	v24 =	vmul.f32 v15, v26;
	v26 =	vperm.xlane v19, v8  }
0x1c2: {  	[tilespmem:s6+$0xFFFFFE80] =	vst v21;
	v21 =	vadd.f32 v22, v25;
	v22 =	vmul.f32 v18, v23;
	v23 =	vperm.xlane v20, v8  }
0x1c3: {  	v25 =	vmul.f32 v15, v26;
	v26 =	vperm.xlane v19, v9  }
0x1c4: {  	[tilespmem:s6+$0xFFFFFF00] =	vst v21;
	v21 =	vadd.f32 v22, v24;
	v22 =	vmul.f32 v18, v23;
	v23 =	vperm.xlane v20, v9  }
0x1c5: {  	v24 =	vmul.f32 v15, v26;
	v26 =	vperm.xlane v19, v10  }
0x1c6: {  	[tilespmem:s6+$0xFFFFFF80] =	vst v21;
	v21 =	vadd.f32 v22, v25;
	v22 =	vmul.f32 v18, v23;
	v23 =	vperm.xlane v20, v10  }
0x1c7: {  	v25 =	vmul.f32 v15, v26;
	v26 =	vperm.xlane v19, v11  }
0x1c8: {  	[tilespmem:s6+$0x0] =	vst v21;
	v21 =	vadd.f32 v22, v24;
	v22 =	vmul.f32 v18, v23;
	v23 =	vperm.xlane v20, v11  }
0x1c9: {  	v24 =	vmul.f32 v15, v26;
	v26 =	vperm.xlane v19, v12  }
0x1ca: {  	[tilespmem:s6+$0x80] =	vst v21;
	v21 =	vadd.f32 v22, v25;
	v22 =	vmul.f32 v18, v23;
	v23 =	vperm.xlane v20, v12  }
0x1cb: {  	v25 =	vmul.f32 v15, v26;
	v26 =	vperm.xlane v19, v14  }
0x1cc: {  	[tilespmem:s6+$0x100] =	vst v21;
	v21 =	vadd.f32 v22, v24;
	v22 =	vmul.f32 v18, v23;
	v23 =	vperm.xlane v20, v14  }
0x1cd: {  	v24 =	vmul.f32 v15, v26;
	v26 =	vperm.xlane v19, v16  }
0x1ce: {  	[tilespmem:s6+$0x180] =	vst v21;
	v21 =	vadd.f32 v22, v25;
	v22 =	vmul.f32 v18, v23;
	v23 =	vperm.xlane v20, v16  }
0x1cf: {  	v25 =	vmul.f32 v15, v26;
	v26 =	vperm.xlane v19, v17  }
0x1d0: {  	[tilespmem:s6+$0x200] =	vst v21;
	v21 =	vadd.f32 v22, v24;
	v22 =	vmul.f32 v18, v23;
	v23 =	vperm.xlane v20, v17  }
0x1d1: {  	v19 =	vperm.xlane v19, v0;
	v24 =	vmul.f32 v15, v26  }
0x1d2: {  	v20 =	vperm.xlane v20, v0;
	[tilespmem:s6+$0x280] =	vst v21;
	v21 =	vadd.f32 v22, v25;
	v22 =	vmul.f32 v18, v23  }
0x1d3: {  	v19 =	vmul.f32 v15, v19  }
0x1d4: {  	v20 =	vmul.f32 v18, v20;
	[tilespmem:s6+$0x300] =	vst v21;
	v21 =	vadd.f32 v22, v24  }
.Ltmp3:
0x1d5: {  	(pc) =	sbr.rel @p0 .LBB2_9-.Ltmp3, $3  }
0x1d6: {  	v19 =	vadd.f32 v20, v19;
	[tilespmem:s6+$0x380] =	vst v21;
	_ =	sdelay $0x1  }
0x1d7: {  	s8 =	sshra.s32 s7, $0x2;
	[tilespmem:s6+$0xFFFFFC00] =	vst v19  }
0x1d8: {  	s7 =	sadd.s32 $0x40, s7;
	v19 =	vld [tilespmem:s8+$0x80]  }
0x1d9: {  	_ =	sdelay $0x3  }
0x1da: {  	v21 =	vperm.xlane v19, v1;
	v22 =	vperm.xlane v19, v3  }
0x1db: {  	v23 =	vperm.xlane v19, v2;
	v27 =	vperm.xlane v19, v4  }
0x1dc: {  	v29 =	vperm.xlane v19, v5;
	v31 =	vperm.xlane v19, v6  }
0x1dd: {  	v20 =	vld [tilespmem:s8+$0x100];
	v33 =	vperm.xlane v19, v7;
	v35 =	vperm.xlane v19, v8  }
0x1de: {  	v37 =	vperm.xlane v19, v9;
	v39 =	vperm.xlane v19, v10  }
0x1df: {  	v61 =	vperm.xlane v19, v11;
	v40 =	vperm.xlane v19, v12  }
0x1e0: {  	v44 =	vperm.xlane v19, v14;
	v48 =	vperm.xlane v19, v16  }
0x1e1: {  	v54 =	vperm.xlane v19, v17;
	v19 =	vperm.xlane v19, v0  }
0x1e2: {  	v24 =	vperm.xlane v20, v2;
	v25 =	vperm.xlane v20, v1  }
0x1e3: {  	v26 =	vperm.xlane v20, v3;
	v28 =	vperm.xlane v20, v4  }
0x1e4: {  	v30 =	vperm.xlane v20, v5;
	v32 =	vperm.xlane v20, v6  }
0x1e5: {  	v34 =	vperm.xlane v20, v7;
	v36 =	vperm.xlane v20, v8  }
0x1e6: {  	v38 =	vperm.xlane v20, v9;
	v59 =	vperm.xlane v20, v10  }
0x1e7: {  	v63 =	vperm.xlane v20, v11;
	v42 =	vperm.xlane v20, v12  }
0x1e8: {  	v46 =	vperm.xlane v20, v14;
	v51 =	vperm.xlane v20, v16  }
0x1e9: {  	v57 =	vperm.xlane v20, v17;
	v21 =	vmul.f32 v15, v21  }
0x1ea: {  	v23 =	vmul.f32 v15, v23;
	v24 =	vmul.f32 v18, v24  }
0x1eb: {  	v22 =	vmul.f32 v15, v22;
	v25 =	vmul.f32 v18, v25  }
0x1ec: {  	v27 =	vmul.f32 v15, v27;
	v26 =	vmul.f32 v18, v26;
	v23 =	vadd.f32 v24, v23  }
0x1ed: {  	s6 =	sadd.s32 $0x800, s6;
	v29 =	vmul.f32 v15, v29;
	v28 =	vmul.f32 v18, v28;
	v21 =	vadd.f32 v25, v21  }
0x1ee: {  	v31 =	vmul.f32 v15, v31;
	v30 =	vmul.f32 v18, v30;
	v22 =	vadd.f32 v26, v22;
	[tilespmem:s6+$0xFFFFFD00] =	vst v23  }
0x1ef: {  	v32 =	vmul.f32 v18, v32;
	v58 =	vmul.f32 v18, v38;
	v38 =	vadd.f32 v28, v27;
	[tilespmem:s6+$0xFFFFFC80] =	vst v21  }
0x1f0: {  	v33 =	vmul.f32 v15, v33;
	v34 =	vmul.f32 v18, v34;
	v41 =	vadd.f32 v30, v29;
	[tilespmem:s6+$0xFFFFFD80] =	vst v22  }
0x1f1: {  	v35 =	vmul.f32 v15, v35;
	v36 =	vmul.f32 v18, v36;
	v43 =	vadd.f32 v32, v31;
	[tilespmem:s6+$0xFFFFFE00] =	vst v38  }
0x1f2: {  	v20 =	vperm.xlane v20, v0;
	v37 =	vmul.f32 v15, v37;
	v45 =	vadd.f32 v34, v33;
	[tilespmem:s6+$0xFFFFFE80] =	vst v41  }
0x1f3: {  	v60 =	vmul.f32 v15, v39;
	v62 =	vmul.f32 v18, v59;
	v47 =	vadd.f32 v36, v35;
	[tilespmem:s6+$0xFFFFFF00] =	vst v43  }
0x1f4: {  	v53 =	vmul.f32 v15, v48;
	v56 =	vmul.f32 v18, v51;
	v49 =	vadd.f32 v58, v37;
	[tilespmem:s6+$0xFFFFFF80] =	vst v45  }
0x1f5: {  	v19 =	vmul.f32 v15, v19;
	v20 =	vmul.f32 v18, v20;
	v52 =	vadd.f32 v62, v60;
	[tilespmem:s6+$0x0] =	vst v47  }
0x1f6: {  	v39 =	vmul.f32 v15, v61;
	v26 =	vmul.f32 v18, v63;
	v62 =	vadd.f32 v56, v53;
	[tilespmem:s6+$0x80] =	vst v49  }
0x1f7: {  	v28 =	vmul.f32 v15, v40;
	v29 =	vmul.f32 v18, v42;
	v19 =	vadd.f32 v20, v19;
	[tilespmem:s6+$0x100] =	vst v52  }
0x1f8: {  	v50 =	vmul.f32 v18, v46;
	v30 =	vmul.f32 v15, v44;
	v55 =	vadd.f32 v26, v39;
	[tilespmem:s6+$0x300] =	vst v62  }
0x1f9: {  	v61 =	vmul.f32 v18, v57;
	v60 =	vmul.f32 v15, v54;
	v58 =	vadd.f32 v29, v28;
	[tilespmem:s6+$0xFFFFFC00] =	vst v19  }
0x1fa: {  	v59 =	vadd.f32 v50, v30;
	[tilespmem:s6+$0x180] =	vst v55  }
0x1fb: {  	s5 =	sadd.s32 $0x1, s5;
	v63 =	vadd.f32 v61, v60;
	[tilespmem:s6+$0x200] =	vst v58  }
0x1fc: {  	p0 =	sne.s32 s5, $0xA2;
	[tilespmem:s6+$0x280] =	vst v59  }
.Ltmp4:
0x1fd: {  	[tilespmem:s6+$0x380] =	vst v63;
	(pc) =	sbr.rel @p0 .LBB2_8-.Ltmp4, $4  }
0x1fe: {  	[spmem:s31] =	stream.indirect.scatter.add.f32 [tilespmem:s22], [sflag:$0x1], $0x80, s13, s21, $0xb8;
	[tilespmem:$0x16200] =	vst v63  }
0x1ff: {  	_ =	swait.ge [sflag:s12], $0x2000  }
0x200: {  	[sflag:s12] =	ssyncset.done $0x0  }
0x201: {  	[sflag:s12] =	ssyncadd.s32 $0xFFFFE000  }
0x202: {  	[bflag:$0x0] =	sbarrier.arrive $0xFFFF  }
0x203: {  	s5 =	rddreg [dreg:$0xd]  }
0x204: {  	[hbm:s5], [sflag:s20] =	dma.local [spmem:s23], $0x400  }
0x205: {  	_ =	swait.ge [sflag:s12], $0x400  }
0x206: {  	[sflag:s12] =	ssyncset.done $0x0  }
0x207: {  	s7 =	rddreg [dreg:$0x18];
	[sflag:s12] =	ssyncadd.s32 $0xFFFFFC00  }
0x208: {  	[hbm:s7], [sflag:s20] =	dma.local [spmem:s24], $0x400  }
0x209: {  	_ =	swait.ge [sflag:s12], $0x400  }
0x20a: {  	[sflag:s12] =	ssyncset.done $0x0  }
0x20b: {  	s8 =	rddreg [dreg:$0x19];
	[sflag:s12] =	ssyncadd.s32 $0xFFFFFC00  }
0x20c: {  	[hbm:s8], [sflag:s20] =	dma.local [spmem:s25], $0x400  }
0x20d: {  	_ =	swait.ge [sflag:s12], $0x400  }
0x20e: {  	[sflag:s12] =	ssyncset.done $0x0  }
0x20f: {  	s9 =	rddreg [dreg:$0x1a];
	[sflag:s12] =	ssyncadd.s32 $0xFFFFFC00  }
0x210: {  	[hbm:s9], [sflag:s20] =	dma.local [spmem:s29], $0x400  }
0x211: {  	_ =	swait.ge [sflag:s12], $0x400  }
0x212: {  	[sflag:s12] =	ssyncset.done $0x0  }
0x213: {  	s11 =	rddreg [dreg:$0x1b];
	[sflag:s12] =	ssyncadd.s32 $0xFFFFFC00  }
0x214: {  	[hbm:s11], [sflag:s20] =	dma.local [spmem:s30], $0x400  }
0x215: {  	_ =	swait.ge [sflag:s12], $0x400  }
0x216: {  	[sflag:s12] =	ssyncset.done $0x0  }
0x217: {  	s23 =	rddreg [dreg:$0x1c];
	[sflag:s12] =	ssyncadd.s32 $0xFFFFFC00  }
0x218: {  	[hbm:s23], [sflag:s20] =	dma.local [spmem:s26], $0x400  }
0x219: {  	_ =	swait.ge [sflag:s12], $0x400  }
0x21a: {  	[sflag:s12] =	ssyncset.done $0x0  }
0x21b: {  	s24 =	rddreg [dreg:$0x1d];
	[sflag:s12] =	ssyncadd.s32 $0xFFFFFC00  }
0x21c: {  	[hbm:s24], [sflag:s20] =	dma.local [spmem:s0], $0x400  }
0x21d: {  	_ =	swait.ge [sflag:s12], $0x400  }
0x21e: {  	[sflag:s12] =	ssyncset.done $0x0  }
0x21f: {  	s25 =	rddreg [dreg:$0x1e];
	[sflag:s12] =	ssyncadd.s32 $0xFFFFFC00  }
0x220: {  	[hbm:s25], [sflag:s20] =	dma.local [spmem:s2], $0x400  }
0x221: {  	_ =	swait.ge [sflag:s12], $0x400  }
0x222: {  	[sflag:s12] =	ssyncset.done $0x0  }
0x223: {  	s26 =	rddreg [dreg:$0x1f];
	[sflag:s12] =	ssyncadd.s32 $0xFFFFFC00  }
0x224: {  	[hbm:s26], [sflag:s20] =	dma.local [spmem:s3], $0x400  }
0x225: {  	_ =	swait.ge [sflag:s12], $0x400  }
0x226: {  	s29 =	sld [smem:$0x7F2]  }
0x227: {  	[sflag:s12] =	ssyncset.done $0x0  }
0x228: {  	[sflag:s12] =	ssyncadd.s32 $0xFFFFFC00  }
0x229: {  	[hbm:s29], [sflag:s20] =	dma.local [spmem:s4], $0x400  }
0x22a: {  	_ =	swait.ge [sflag:s12], $0x400  }
0x22b: {  	s30 =	sld [smem:$0x7F3];
	_ =	sdelay $0x1  }
0x22c: {  	s1 =	sadd.s32 $0x1, s1  }
0x22d: {  	p0 =	sne.s32 s1, s30  }
.Ltmp5:
0x22e: {  	_ = 	snop;
	(pc) =	sbr.rel @p0 .LBB2_1-.Ltmp5, $3  }
0x22f: {  	_ =	sdelay $0x1  }
0x230: {  	[sflag:s12] =	ssyncset.done $0x0  }
0x231: {  	[sflag:s12] =	ssyncadd.s32 $0xFFFFFC00  }
0x232: {  	_ =	sfence.sel $0x180000  }
0x233: {  	[bflag:$0x0] =	sbarrier.arrive $0xFFFF  }
0x234: {  	_ =	strace $0x9000004A  }
0x235: {  	s0 =	stileid.u32;
	[bflag:$0x2] =	sbarrier.arrive $0xFFFF  }
0x236: {  	p0 =	sne.s32 s0, $0x0;
	s0 =	rddreg [dreg:$0x3]  }
0x237: {  	s0 =	sadd.s32 @!p0 $0x100000, s0  }
0x238: {  	[sflag:s0] =	ssyncadd.tile.s32 @!p0 $0x1;
	_ =	shalt  }
.Lfunc_end2:
_tile_overlayer_lowered:
.L_overlay_start_2:
0x239: {  	(tag) =	ssettag $0x2  }
0x23a: {  	s0 =	rddreg [dreg:$0x0];
	s2 =	stileid.u32  }
0x23b: {  	s1 =	rddreg [dreg:$0x1];
	p0 =	sne.s32 s2, $0x0  }
0x23c: {  	s3 =	rddreg [dreg:$0x2];
	[bflag:$0x3] =	sbarrier.arrive $0xFFFF;
	s2 =	simm.s32 @!p0 $0x1C01  }
0x23d: {  	[timem:s3], [sflag:s2] =	dma.local @!p0 [hbm:s0], s1  }
0x23e: {  	s0 =	simm.s32 @!p0 $0x1  }
0x23f: {  	_ =	swait.ge @!p0 [sflag:s0], s1  }
0x240: {  	s1 =	ssub.s32 @!p0 $0x0, s1;
	[sflag:s0] =	ssyncset.done @!p0 $0x0  }
0x241: {  	[sflag:s0] =	ssyncadd.s32 @!p0 s1  }
0x242: {  	[bflag:$0x3] =	sbarrier.arrive $0xFFFF  }
0x243: {  	_ =	shalt  }

</sc_bundles>
